<compile_context>
chip_gen: v7x
topology: tpu7x:2x2x1
jax: 0.10.2.dev20260603
libtpu: 0.0.44.dev20260713+nightly
codegen_flags: <defaults>
</compile_context>

<pallas_src>
import functools

import jax
import jax.numpy as jnp
from jax import lax
from jax.experimental import pallas as pl
from jax.experimental.pallas import tpu as pltpu
from jax.experimental.pallas import tpu_sc as plsc

NC = 2
NS = 16
NW = NC * NS

DEG_W = 16


_C = 128


def _pick_rows_chunk(rows_per_tile):
    for c in range(128, 0, -1):
        if rows_per_tile % c == 0 and c % 8 == 0:
            return c
    raise ValueError("bad row count")


def _pad_rows(N):
    q = NS * 8
    return ((N + q - 1) // q) * q


def _strip_chunks(rpt):
    offs = []
    o = 0
    while o < rpt:
        k = min(_C, rpt - o)
        offs.append((o, k))
        o += k
    return offs


@functools.lru_cache(maxsize=None)
def _make_deg_kernel(n_chunks, N):
    C = _C
    Np = _pad_rows(N)
    rpt = Np // NS
    offs = _strip_chunks(rpt)
    mesh = plsc.VectorSubcoreMesh(core_axis_name="c", subcore_axis_name="s", num_cores=NC, num_subcores=NS)

    @functools.partial(
        pl.kernel,
        out_type=jax.ShapeDtypeStruct((NC, Np, DEG_W), jnp.float32),
        mesh=mesh,
        compiler_params=pltpu.CompilerParams(use_tc_tiling_on_sc=False),
        scratch_types=[
            pltpu.VMEM((n_chunks, C), jnp.int32),
            pltpu.VMEM((C, DEG_W), jnp.float32),
            pltpu.VMEM((C, DEG_W), jnp.float32),
            pltpu.VMEM_SHARED((Np, DEG_W), jnp.float32),
            pltpu.SemaphoreType.DMA,
        ],
    )
    def deg_kernel(dst_hbm, out_hbm, dst_v, ones_v, bounce_v, acc, sem):
        c = lax.axis_index("c")
        s = lax.axis_index("s")
        wid = c * NS + s

        pltpu.sync_copy(dst_hbm.at[wid], dst_v)

        def fill_ones(i, _):
            def fo(j, _):
                ones_v[i, pl.ds(j * 16, 16)] = jnp.ones((16,), jnp.float32)
                return 0
            lax.fori_loop(0, DEG_W // 16, fo, 0)
            return 0

        lax.fori_loop(0, C, fill_ones, 0)

        def fill_zero(i, _):
            def fz(j, _):
                bounce_v[i, pl.ds(j * 16, 16)] = jnp.zeros((16,), jnp.float32)
                return 0
            lax.fori_loop(0, DEG_W // 16, fz, 0)
            return 0

        lax.fori_loop(0, C, fill_zero, 0)

        for (o, k) in offs:
            pltpu.sync_copy(bounce_v.at[pl.ds(0, k)],
                            acc.at[pl.ds(s * rpt + o, k)])
        plsc.subcore_barrier()

        def chunk(i, _):
            pltpu.async_copy(ones_v, acc.at[dst_v.at[i]], sem, add=True)
            return 0

        lax.fori_loop(0, n_chunks, chunk, 0)

        def drain(i, _):
            pltpu.make_async_copy(ones_v, acc.at[dst_v.at[0]], sem).wait()
            return 0

        lax.fori_loop(0, n_chunks, drain, 0)
        plsc.subcore_barrier()

        pltpu.sync_copy(acc.at[pl.ds(s * rpt, rpt)],
                        out_hbm.at[c, pl.ds(s * rpt, rpt)])

    return deg_kernel


@functools.lru_cache(maxsize=None)
def _make_scatter_kernel(n_chunks, N, D):
    C = _C
    Np = _pad_rows(N)
    rpt = Np // NS
    offs = _strip_chunks(rpt)
    phases = 2 if n_chunks > 1 else 1
    npp = n_chunks // phases
    assert npp * phases == n_chunks and (npp % 2 == 0 or npp == 1)
    mesh = plsc.VectorSubcoreMesh(core_axis_name="c", subcore_axis_name="s", num_cores=NC, num_subcores=NS)

    @functools.partial(
        pl.kernel,
        out_type=jax.ShapeDtypeStruct((NC, Np, D), jnp.float32),
        mesh=mesh,
        scratch_types=[
            pltpu.VMEM((npp, C), jnp.int32),
            pltpu.VMEM((npp, C), jnp.int32),
            pltpu.VMEM((C, D), jnp.float32),
            pltpu.VMEM((C, D), jnp.float32),
            pltpu.VMEM_SHARED((Np, D), jnp.float32),
            pltpu.SemaphoreType.DMA,
            pltpu.SemaphoreType.DMA,
        ],
    )
    def scatter_kernel(g_hbm, src_hbm, dst_hbm, out_hbm,
                       src_v, dst_v, rows0, rows1, acc, sem0, sem1):
        c = lax.axis_index("c")
        s = lax.axis_index("s")
        wid = c * NS + s

        def fill_zero(i, _):
            def fz(j, _):
                rows0[i, pl.ds(j * 16, 16)] = jnp.zeros((16,), jnp.float32)
                return 0
            lax.fori_loop(0, D // 16, fz, 0)
            return 0

        lax.fori_loop(0, C, fill_zero, 0)

        for (o, k) in offs:
            pltpu.sync_copy(rows0.at[pl.ds(0, k)],
                            acc.at[pl.ds(s * rpt + o, k)])
        plsc.subcore_barrier()

        def gather_start(i, buf, sem):
            pltpu.async_copy(g_hbm.at[src_v.at[i]], buf, sem)

        def gather_wait(i, buf, sem):
            pltpu.make_async_copy(g_hbm.at[src_v.at[i]], buf, sem).wait()

        def scatter(i, buf):
            pltpu.sync_copy(buf, acc.at[dst_v.at[i]], add=True)

        for p in range(phases):
            pltpu.sync_copy(src_hbm.at[wid, pl.ds(p * npp, npp)], src_v)
            pltpu.sync_copy(dst_hbm.at[wid, pl.ds(p * npp, npp)], dst_v)
            gather_start(0, rows0, sem0)

            def body(k2, _):
                i0 = 2 * k2
                i1 = i0 + 1
                gather_start(i1, rows1, sem1)
                gather_wait(i0, rows0, sem0)
                scatter(i0, rows0)

                @pl.when(i0 + 2 < npp)
                def _():
                    gather_start(i0 + 2, rows0, sem0)

                gather_wait(i1, rows1, sem1)
                scatter(i1, rows1)
                return 0

            if npp == 1:
                gather_wait(0, rows0, sem0)
                scatter(0, rows0)
            else:
                lax.fori_loop(0, npp // 2, body, 0)
        plsc.subcore_barrier()

        pltpu.sync_copy(acc.at[pl.ds(s * rpt, rpt)],
                        out_hbm.at[c, pl.ds(s * rpt, rpt)])

    return scatter_kernel



_R = 2000


def _dinv_from_deg(deg_ref):
    deg = deg_ref[0, :, 0:1] + deg_ref[1, :, 0:1] + 1.0
    return lax.rsqrt(deg)


def _scale_mm_body(x_ref, w_ref, deg_ref, o_ref):
    o_ref[...] = jnp.dot(x_ref[...], w_ref[...],
                         preferred_element_type=jnp.float32) * _dinv_from_deg(deg_ref)


def _tc_scale_mm(x, w, degp):
    n, d = x.shape
    r = _R if n % _R == 0 else 8
    return pl.pallas_call(
        _scale_mm_body,
        grid=(n // r,),
        in_specs=[
            pl.BlockSpec((r, d), lambda i: (i, 0)),
            pl.BlockSpec((d, w.shape[1]), lambda i: (0, 0)),
            pl.BlockSpec((NC, r, DEG_W), lambda i: (0, i, 0)),
        ],
        out_specs=pl.BlockSpec((r, w.shape[1]), lambda i: (i, 0)),
        out_shape=jax.ShapeDtypeStruct((n, w.shape[1]), jnp.float32),
    )(x, w, degp)


def _layer_body(s_ref, g_ref, deg_ref, b_ref, w_ref, o_ref):
    dinv = _dinv_from_deg(deg_ref)
    tot = s_ref[0] + s_ref[1] + g_ref[...]
    h = jnp.maximum(dinv * tot + b_ref[...], 0.0)
    o_ref[...] = jnp.dot(h, w_ref[...],
                         preferred_element_type=jnp.float32) * dinv


def _tc_layer(S, g, degp, b, w):
    n, d = g.shape
    r = _R if n % _R == 0 else 8
    return pl.pallas_call(
        _layer_body,
        grid=(n // r,),
        in_specs=[
            pl.BlockSpec((NC, r, d), lambda i: (0, i, 0)),
            pl.BlockSpec((r, d), lambda i: (i, 0)),
            pl.BlockSpec((NC, r, DEG_W), lambda i: (0, i, 0)),
            pl.BlockSpec((1, d), lambda i: (0, 0)),
            pl.BlockSpec((d, d), lambda i: (0, 0)),
        ],
        out_specs=pl.BlockSpec((r, d), lambda i: (i, 0)),
        out_shape=jax.ShapeDtypeStruct((n, d), jnp.float32),
    )(S, g, degp, b, w)


def _final_body(s_ref, g_ref, deg_ref, b_ref, w_ref, b3_ref, o_ref):
    dinv = _dinv_from_deg(deg_ref)
    tot = s_ref[0] + s_ref[1] + g_ref[...]
    h = jnp.maximum(dinv * tot + b_ref[...], 0.0)
    res = jnp.dot(h, w_ref[...],
                  preferred_element_type=jnp.float32) + b3_ref[...]
    o_ref[...] = res[:, :o_ref.shape[1]]


def _tc_final(S, g, degp, b, w_pad, b3_pad, n_classes):
    n, d = g.shape
    r = _R if n % _R == 0 else 8
    dp = w_pad.shape[1]
    return pl.pallas_call(
        _final_body,
        grid=(n // r,),
        in_specs=[
            pl.BlockSpec((NC, r, d), lambda i: (0, i, 0)),
            pl.BlockSpec((r, d), lambda i: (i, 0)),
            pl.BlockSpec((NC, r, DEG_W), lambda i: (0, i, 0)),
            pl.BlockSpec((1, d), lambda i: (0, 0)),
            pl.BlockSpec((d, dp), lambda i: (0, 0)),
            pl.BlockSpec((1, dp), lambda i: (0, 0)),
        ],
        out_specs=pl.BlockSpec((r, n_classes), lambda i: (i, 0)),
        out_shape=jax.ShapeDtypeStruct((n, n_classes), jnp.float32),
    )(S, g, degp, b, w_pad, b3_pad)


def kernel(x, edge_index, W1, b1, W2, b2, W3, b3):
    n, d = x.shape
    e = edge_index.shape[1]

    n_classes = W3.shape[1]
    w3_pad = jnp.pad(W3.astype(jnp.float32), ((0, 0), (0, d - n_classes)))
    b3_pad = jnp.pad(b3.astype(jnp.float32), (0, d - n_classes)).reshape(1, d)
    b1r = b1.reshape(1, d)
    b2r = b2.reshape(1, d)

    quant = NW * _C
    n_chunks = -(-e // quant)
    if n_chunks > 1 and n_chunks % 4:
        n_chunks += 4 - n_chunks % 4
    e_pad = n_chunks * quant
    edges = edge_index.astype(jnp.int32)
    if e_pad != e:
        n_trash = _pad_rows(n) - n
        assert n_trash > 0, "no trash row available for edge padding"
        pad = e_pad - e
        pad_block = jnp.stack([jnp.arange(pad, dtype=jnp.int32) % n,
                               n + jnp.arange(pad, dtype=jnp.int32) % n_trash])
        edges = jnp.concatenate([edges, pad_block], axis=1)
    idx3 = edges.reshape(2, NW, n_chunks, _C)
    src3 = idx3[0]
    dst3 = idx3[1]

    deg_fn = _make_deg_kernel(n_chunks, n)
    scat_fn = _make_scatter_kernel(n_chunks, n, d)

    degp = deg_fn(dst3)
    g1 = _tc_scale_mm(x, W1, degp)
    S1 = scat_fn(g1, src3, dst3)
    g2 = _tc_layer(S1, g1, degp, b1r, W2)
    S2 = scat_fn(g2, src3, dst3)
    return _tc_final(S2, g2, degp, b2r, w3_pad, b3_pad, n_classes)

# --- scband reference (transcript-rebuilt; emitter-appended) ---
"""Pipeline reference for scband-gcn-7559142441491 (READ-ONLY COPY).

The authoritative reference and input builder live on the scoring server;
editing this copy changes nothing except your own understanding.
"""

import jax, jax.numpy as jnp
import numpy as np

N_NODES = 10000
N_EDGES = 320000
D_IN = 128
D_HID = 128
D_OUT = 128
N_CLASSES = 10


def setup_inputs(seed: int = 0) -> dict:
    key = jax.random.key(seed)
    ks = jax.random.split(key, 8)
    x = jax.random.normal(ks[0], (N_NODES, D_IN), dtype=jnp.float32)
    edge_index = jax.random.randint(ks[1], (2, N_EDGES), 0, N_NODES, dtype=jnp.int64)
    s1 = 1.0 / np.sqrt(D_IN)
    s2 = 1.0 / np.sqrt(D_HID)
    s3 = 1.0 / np.sqrt(D_OUT)
    W1 = jax.random.uniform(ks[2], (D_IN, D_HID), dtype=jnp.float32, minval=-s1, maxval=s1)
    b1 = jnp.zeros((D_HID,), dtype=jnp.float32)
    W2 = jax.random.uniform(ks[3], (D_HID, D_OUT), dtype=jnp.float32, minval=-s2, maxval=s2)
    b2 = jnp.zeros((D_OUT,), dtype=jnp.float32)
    W3 = jax.random.uniform(ks[4], (D_OUT, N_CLASSES), dtype=jnp.float32, minval=-s3, maxval=s3)
    b3 = jnp.zeros((N_CLASSES,), dtype=jnp.float32)
    return {"x": x, "edge_index": edge_index, "W1": W1, "b1": b1, "W2": W2, "b2": b2, "W3": W3, "b3": b3}


def reference(x, edge_index, W1, b1, W2, b2, W3, b3):
    N = x.shape[0]
    loop = jnp.arange(N, dtype=edge_index.dtype)
    src = jnp.concatenate([edge_index[0], loop])
    dst = jnp.concatenate([edge_index[1], loop])
    deg = jax.ops.segment_sum(jnp.ones(src.shape[0], dtype=x.dtype), dst, num_segments=N)
    dinv = jnp.where(deg > 0, jax.lax.rsqrt(jnp.maximum(deg, 1e-12)), 0.0)
    norm = dinv[src] * dinv[dst]

    def gcn_conv(h, W, b):
        h = h @ W
        msgs = jnp.take(h, src, axis=0) * norm[:, None]
        agg = jax.ops.segment_sum(msgs, dst, num_segments=N)
        return agg + b

    h = jax.nn.relu(gcn_conv(x, W1, b1))
    h = jax.nn.relu(gcn_conv(h, W2, b2))
    out = h @ W3 + b3
    return out

if __name__ == "__main__":
    import jax
    _d = setup_inputs()
    print(jax.jit(kernel)(*tuple(_d.values())))

</pallas_src>

<mosaic_0001>
#map = affine_map<(d0, d1) -> (0, 0, 0)>
module attributes {stable_mosaic.version = 14 : i64} {
  func.func @deg_kernel(%arg0: i32, %arg1: i32, %arg2: memref<32x80x128xi32, #tpu.memory_space<hbm>>, %arg3: memref<2x10112x16xf32, #tpu.memory_space<hbm>>, %arg4: memref<80x128xi32, #tpu.memory_space<vmem>>, %arg5: memref<128x16xf32, #tpu.memory_space<vmem>>, %arg6: memref<128x16xf32, #tpu.memory_space<vmem>>, %arg7: memref<10112x16xf32, #tpu.memory_space<vmem_shared>>, %arg8: memref<!tpu.dma_semaphore, #tpu.memory_space<semaphore_mem>>) attributes {dimension_semantics = [#tpu.dimension_semantics<core_parallel>, #tpu.dimension_semantics<subcore_parallel>], iteration_bounds = array<i64: 2, 16>, scalar_prefetch = 0 : i64, scratch_operands = 5 : i64, tpu.core_type = #tpu.core_type<sc_vector_subcore>, window_params = [{transform_indices = #map}, {transform_indices = #map}]} {
    %mul3A = arith.constant 16 : i32
    %mul3A_0 = arith.muli %arg0, %mul3A : i32
    %add3A = arith.addi %mul3A_0, %arg1 : i32
    "tpu.region"() ({
      %run_scoped3A = tpu.sem_alloc : memref<!tpu.dma_semaphore, #tpu.memory_space<semaphore_mem>>
      %dma_start3A = arith.constant 0 : i32
      %dma_start3A_53 = arith.constant 0 : i32
      %dma_start3A_54 = tpu.memref_slice %arg2[%add3A, %dma_start3A, %dma_start3A_53] : memref<32x80x128xi32, #tpu.memory_space<hbm>> -> memref<1x80x128xi32, #tpu.memory_space<hbm>>
      %dma_start3A_55 = tpu.memref_squeeze %dma_start3A_54 : memref<1x80x128xi32, #tpu.memory_space<hbm>> -> memref<80x128xi32, #tpu.memory_space<hbm>>
      %dma_start3A_56 = arith.constant 0 : i32
      %dma_start3A_57 = arith.constant 0 : i32
      %dma_start3A_58 = tpu.memref_slice %arg2[%add3A, %dma_start3A_56, %dma_start3A_57] : memref<32x80x128xi32, #tpu.memory_space<hbm>> -> memref<1x80x128xi32, #tpu.memory_space<hbm>>
      %dma_start3A_59 = tpu.memref_squeeze %dma_start3A_58 : memref<1x80x128xi32, #tpu.memory_space<hbm>> -> memref<80x128xi32, #tpu.memory_space<hbm>>
      tpu.enqueue_dma source(%dma_start3A_59 : memref<80x128xi32, #tpu.memory_space<hbm>>) target(%arg4 : memref<80x128xi32, #tpu.memory_space<vmem>>) target_semaphore(%run_scoped3A : memref<!tpu.dma_semaphore, #tpu.memory_space<semaphore_mem>>)
      %dma_wait3A = arith.constant 0 : i32
      %dma_wait3A_60 = arith.constant 0 : i32
      %dma_wait3A_61 = tpu.memref_slice %arg2[%add3A, %dma_wait3A, %dma_wait3A_60] : memref<32x80x128xi32, #tpu.memory_space<hbm>> -> memref<1x80x128xi32, #tpu.memory_space<hbm>>
      %dma_wait3A_62 = tpu.memref_squeeze %dma_wait3A_61 : memref<1x80x128xi32, #tpu.memory_space<hbm>> -> memref<80x128xi32, #tpu.memory_space<hbm>>
      %dma_wait3A_63 = arith.constant 0 : i32
      %dma_wait3A_64 = arith.constant 0 : i32
      %dma_wait3A_65 = tpu.memref_slice %arg2[%add3A, %dma_wait3A_63, %dma_wait3A_64] : memref<32x80x128xi32, #tpu.memory_space<hbm>> -> memref<1x80x128xi32, #tpu.memory_space<hbm>>
      %dma_wait3A_66 = tpu.memref_squeeze %dma_wait3A_65 : memref<1x80x128xi32, #tpu.memory_space<hbm>> -> memref<80x128xi32, #tpu.memory_space<hbm>>
      tpu.wait_dma2 semaphore(%run_scoped3A : memref<!tpu.dma_semaphore, #tpu.memory_space<semaphore_mem>>) src(%dma_wait3A_66 : memref<80x128xi32, #tpu.memory_space<hbm>>) dst(%arg4 : memref<80x128xi32, #tpu.memory_space<vmem>>)
      tpu.yield
    }) : () -> ()
    %scan3A = arith.constant 0 : i32
    %scan3A_1 = arith.constant 0 : i32
    %scan3A_2 = arith.constant 128 : i32
    %scan3A_3 = arith.addi %scan3A_1, %scan3A_2 : i32
    %scan3A_4 = arith.constant 1 : i32
    %scan3A_5 = scf.for %scan3A_53 = %scan3A_1 to %scan3A_3 step %scan3A_4 iter_args(%scan3A_54 = %scan3A) -> (i32)  : i32 {
      %scan3A_55 = arith.constant 0 : i32
      %scan3A_56 = arith.constant 0 : i32
      %broadcast_in_dim3A = arith.constant 1.000000e+00 : f32
      %broadcast_in_dim3A_57 = vector.broadcast %broadcast_in_dim3A : f32 to vector<16xf32>
      %mul3A_58 = arith.constant 16 : i32
      %mul3A_59 = arith.muli %scan3A_56, %mul3A_58 : i32
      %swap3A = arith.index_cast %scan3A_53 : i32 to index
      %swap3A_60 = arith.index_cast %mul3A_59 : i32 to index
      %swap3A_61 = tpu.vector_load %arg5[%swap3A, %swap3A_60] {strides = array<i32>} : memref<128x16xf32, #tpu.memory_space<vmem>>, vector<1x16xf32>,
      %swap3A_62 = vector.shape_cast %swap3A_61 : vector<1x16xf32> to vector<16xf32>
      %swap3A_63 = vector.shape_cast %broadcast_in_dim3A_57 : vector<16xf32> to vector<1x16xf32>
      tpu.vector_store %arg5[%swap3A, %swap3A_60], %swap3A_63 {strides = array<i32>} : memref<128x16xf32, #tpu.memory_space<vmem>>, vector<1x16xf32>,
      %scan3A_64 = arith.constant 0 : i32
      %scan3A_65 = arith.constant 1 : i32
      %scan3A_66 = arith.constant 0 : i32
      scf.yield %scan3A_66 : i32
    }
    %scan3A_6 = arith.constant 128 : i32
    %scan3A_7 = arith.constant 0 : i32
    %scan3A_8 = arith.constant 0 : i32
    %scan3A_9 = arith.constant 128 : i32
    %scan3A_10 = arith.addi %scan3A_8, %scan3A_9 : i32
    %scan3A_11 = arith.constant 1 : i32
    %scan3A_12 = scf.for %scan3A_53 = %scan3A_8 to %scan3A_10 step %scan3A_11 iter_args(%scan3A_54 = %scan3A_7) -> (i32)  : i32 {
      %scan3A_55 = arith.constant 0 : i32
      %scan3A_56 = arith.constant 0 : i32
      %broadcast_in_dim3A = arith.constant 0.000000e+00 : f32
      %broadcast_in_dim3A_57 = vector.broadcast %broadcast_in_dim3A : f32 to vector<16xf32>
      %mul3A_58 = arith.constant 16 : i32
      %mul3A_59 = arith.muli %scan3A_56, %mul3A_58 : i32
      %swap3A = arith.index_cast %scan3A_53 : i32 to index
      %swap3A_60 = arith.index_cast %mul3A_59 : i32 to index
      %swap3A_61 = tpu.vector_load %arg6[%swap3A, %swap3A_60] {strides = array<i32>} : memref<128x16xf32, #tpu.memory_space<vmem>>, vector<1x16xf32>,
      %swap3A_62 = vector.shape_cast %swap3A_61 : vector<1x16xf32> to vector<16xf32>
      %swap3A_63 = vector.shape_cast %broadcast_in_dim3A_57 : vector<16xf32> to vector<1x16xf32>
      tpu.vector_store %arg6[%swap3A, %swap3A_60], %swap3A_63 {strides = array<i32>} : memref<128x16xf32, #tpu.memory_space<vmem>>, vector<1x16xf32>,
      %scan3A_64 = arith.constant 0 : i32
      %scan3A_65 = arith.constant 1 : i32
      %scan3A_66 = arith.constant 0 : i32
      scf.yield %scan3A_66 : i32
    }
    %scan3A_13 = arith.constant 128 : i32
    %mul3A_14 = arith.constant 632 : i32
    %mul3A_15 = arith.muli %arg1, %mul3A_14 : i32
    %add3A_16 = arith.constant 0 : i32
    %add3A_17 = arith.addi %mul3A_15, %add3A_16 : i32
    "tpu.region"() ({
      %run_scoped3A = tpu.sem_alloc : memref<!tpu.dma_semaphore, #tpu.memory_space<semaphore_mem>>
      %dma_start3A = arith.constant 0 : i32
      %dma_start3A_53 = arith.constant 0 : i32
      %dma_start3A_54 = tpu.memref_slice %arg6[%dma_start3A, %dma_start3A_53] : memref<128x16xf32, #tpu.memory_space<vmem>> -> memref<128x16xf32, #tpu.memory_space<vmem>>
      %dma_start3A_55 = arith.constant 0 : i32
      %dma_start3A_56 = tpu.memref_slice %arg7[%add3A_17, %dma_start3A_55] : memref<10112x16xf32, #tpu.memory_space<vmem_shared>> -> memref<128x16xf32, #tpu.memory_space<vmem_shared>>
      %dma_start3A_57 = arith.constant 0 : i32
      %dma_start3A_58 = tpu.memref_slice %arg7[%add3A_17, %dma_start3A_57] : memref<10112x16xf32, #tpu.memory_space<vmem_shared>> -> memref<128x16xf32, #tpu.memory_space<vmem_shared>>
      %dma_start3A_59 = arith.constant 0 : i32
      %dma_start3A_60 = arith.constant 0 : i32
      %dma_start3A_61 = tpu.memref_slice %arg6[%dma_start3A_59, %dma_start3A_60] : memref<128x16xf32, #tpu.memory_space<vmem>> -> memref<128x16xf32, #tpu.memory_space<vmem>>
      tpu.enqueue_dma source(%dma_start3A_61 : memref<128x16xf32, #tpu.memory_space<vmem>>) target(%dma_start3A_58 : memref<128x16xf32, #tpu.memory_space<vmem_shared>>) target_semaphore(%run_scoped3A : memref<!tpu.dma_semaphore, #tpu.memory_space<semaphore_mem>>)
      %dma_wait3A = arith.constant 0 : i32
      %dma_wait3A_62 = arith.constant 0 : i32
      %dma_wait3A_63 = tpu.memref_slice %arg6[%dma_wait3A, %dma_wait3A_62] : memref<128x16xf32, #tpu.memory_space<vmem>> -> memref<128x16xf32, #tpu.memory_space<vmem>>
      %dma_wait3A_64 = arith.constant 0 : i32
      %dma_wait3A_65 = tpu.memref_slice %arg7[%add3A_17, %dma_wait3A_64] : memref<10112x16xf32, #tpu.memory_space<vmem_shared>> -> memref<128x16xf32, #tpu.memory_space<vmem_shared>>
      %dma_wait3A_66 = arith.constant 0 : i32
      %dma_wait3A_67 = tpu.memref_slice %arg7[%add3A_17, %dma_wait3A_66] : memref<10112x16xf32, #tpu.memory_space<vmem_shared>> -> memref<128x16xf32, #tpu.memory_space<vmem_shared>>
      %dma_wait3A_68 = arith.constant 0 : i32
      %dma_wait3A_69 = arith.constant 0 : i32
      %dma_wait3A_70 = tpu.memref_slice %arg6[%dma_wait3A_68, %dma_wait3A_69] : memref<128x16xf32, #tpu.memory_space<vmem>> -> memref<128x16xf32, #tpu.memory_space<vmem>>
      tpu.wait_dma2 semaphore(%run_scoped3A : memref<!tpu.dma_semaphore, #tpu.memory_space<semaphore_mem>>) src(%dma_wait3A_70 : memref<128x16xf32, #tpu.memory_space<vmem>>) dst(%dma_wait3A_67 : memref<128x16xf32, #tpu.memory_space<vmem_shared>>)
      tpu.yield
    }) : () -> ()
    %mul3A_18 = arith.constant 632 : i32
    %mul3A_19 = arith.muli %arg1, %mul3A_18 : i32
    %add3A_20 = arith.constant 128 : i32
    %add3A_21 = arith.addi %mul3A_19, %add3A_20 : i32
    "tpu.region"() ({
      %run_scoped3A = tpu.sem_alloc : memref<!tpu.dma_semaphore, #tpu.memory_space<semaphore_mem>>
      %dma_start3A = arith.constant 0 : i32
      %dma_start3A_53 = arith.constant 0 : i32
      %dma_start3A_54 = tpu.memref_slice %arg6[%dma_start3A, %dma_start3A_53] : memref<128x16xf32, #tpu.memory_space<vmem>> -> memref<128x16xf32, #tpu.memory_space<vmem>>
      %dma_start3A_55 = arith.constant 0 : i32
      %dma_start3A_56 = tpu.memref_slice %arg7[%add3A_21, %dma_start3A_55] : memref<10112x16xf32, #tpu.memory_space<vmem_shared>> -> memref<128x16xf32, #tpu.memory_space<vmem_shared>>
      %dma_start3A_57 = arith.constant 0 : i32
      %dma_start3A_58 = tpu.memref_slice %arg7[%add3A_21, %dma_start3A_57] : memref<10112x16xf32, #tpu.memory_space<vmem_shared>> -> memref<128x16xf32, #tpu.memory_space<vmem_shared>>
      %dma_start3A_59 = arith.constant 0 : i32
      %dma_start3A_60 = arith.constant 0 : i32
      %dma_start3A_61 = tpu.memref_slice %arg6[%dma_start3A_59, %dma_start3A_60] : memref<128x16xf32, #tpu.memory_space<vmem>> -> memref<128x16xf32, #tpu.memory_space<vmem>>
      tpu.enqueue_dma source(%dma_start3A_61 : memref<128x16xf32, #tpu.memory_space<vmem>>) target(%dma_start3A_58 : memref<128x16xf32, #tpu.memory_space<vmem_shared>>) target_semaphore(%run_scoped3A : memref<!tpu.dma_semaphore, #tpu.memory_space<semaphore_mem>>)
      %dma_wait3A = arith.constant 0 : i32
      %dma_wait3A_62 = arith.constant 0 : i32
      %dma_wait3A_63 = tpu.memref_slice %arg6[%dma_wait3A, %dma_wait3A_62] : memref<128x16xf32, #tpu.memory_space<vmem>> -> memref<128x16xf32, #tpu.memory_space<vmem>>
      %dma_wait3A_64 = arith.constant 0 : i32
      %dma_wait3A_65 = tpu.memref_slice %arg7[%add3A_21, %dma_wait3A_64] : memref<10112x16xf32, #tpu.memory_space<vmem_shared>> -> memref<128x16xf32, #tpu.memory_space<vmem_shared>>
      %dma_wait3A_66 = arith.constant 0 : i32
      %dma_wait3A_67 = tpu.memref_slice %arg7[%add3A_21, %dma_wait3A_66] : memref<10112x16xf32, #tpu.memory_space<vmem_shared>> -> memref<128x16xf32, #tpu.memory_space<vmem_shared>>
      %dma_wait3A_68 = arith.constant 0 : i32
      %dma_wait3A_69 = arith.constant 0 : i32
      %dma_wait3A_70 = tpu.memref_slice %arg6[%dma_wait3A_68, %dma_wait3A_69] : memref<128x16xf32, #tpu.memory_space<vmem>> -> memref<128x16xf32, #tpu.memory_space<vmem>>
      tpu.wait_dma2 semaphore(%run_scoped3A : memref<!tpu.dma_semaphore, #tpu.memory_space<semaphore_mem>>) src(%dma_wait3A_70 : memref<128x16xf32, #tpu.memory_space<vmem>>) dst(%dma_wait3A_67 : memref<128x16xf32, #tpu.memory_space<vmem_shared>>)
      tpu.yield
    }) : () -> ()
    %mul3A_22 = arith.constant 632 : i32
    %mul3A_23 = arith.muli %arg1, %mul3A_22 : i32
    %add3A_24 = arith.constant 256 : i32
    %add3A_25 = arith.addi %mul3A_23, %add3A_24 : i32
    "tpu.region"() ({
      %run_scoped3A = tpu.sem_alloc : memref<!tpu.dma_semaphore, #tpu.memory_space<semaphore_mem>>
      %dma_start3A = arith.constant 0 : i32
      %dma_start3A_53 = arith.constant 0 : i32
      %dma_start3A_54 = tpu.memref_slice %arg6[%dma_start3A, %dma_start3A_53] : memref<128x16xf32, #tpu.memory_space<vmem>> -> memref<128x16xf32, #tpu.memory_space<vmem>>
      %dma_start3A_55 = arith.constant 0 : i32
      %dma_start3A_56 = tpu.memref_slice %arg7[%add3A_25, %dma_start3A_55] : memref<10112x16xf32, #tpu.memory_space<vmem_shared>> -> memref<128x16xf32, #tpu.memory_space<vmem_shared>>
      %dma_start3A_57 = arith.constant 0 : i32
      %dma_start3A_58 = tpu.memref_slice %arg7[%add3A_25, %dma_start3A_57] : memref<10112x16xf32, #tpu.memory_space<vmem_shared>> -> memref<128x16xf32, #tpu.memory_space<vmem_shared>>
      %dma_start3A_59 = arith.constant 0 : i32
      %dma_start3A_60 = arith.constant 0 : i32
      %dma_start3A_61 = tpu.memref_slice %arg6[%dma_start3A_59, %dma_start3A_60] : memref<128x16xf32, #tpu.memory_space<vmem>> -> memref<128x16xf32, #tpu.memory_space<vmem>>
      tpu.enqueue_dma source(%dma_start3A_61 : memref<128x16xf32, #tpu.memory_space<vmem>>) target(%dma_start3A_58 : memref<128x16xf32, #tpu.memory_space<vmem_shared>>) target_semaphore(%run_scoped3A : memref<!tpu.dma_semaphore, #tpu.memory_space<semaphore_mem>>)
      %dma_wait3A = arith.constant 0 : i32
      %dma_wait3A_62 = arith.constant 0 : i32
      %dma_wait3A_63 = tpu.memref_slice %arg6[%dma_wait3A, %dma_wait3A_62] : memref<128x16xf32, #tpu.memory_space<vmem>> -> memref<128x16xf32, #tpu.memory_space<vmem>>
      %dma_wait3A_64 = arith.constant 0 : i32
      %dma_wait3A_65 = tpu.memref_slice %arg7[%add3A_25, %dma_wait3A_64] : memref<10112x16xf32, #tpu.memory_space<vmem_shared>> -> memref<128x16xf32, #tpu.memory_space<vmem_shared>>
      %dma_wait3A_66 = arith.constant 0 : i32
      %dma_wait3A_67 = tpu.memref_slice %arg7[%add3A_25, %dma_wait3A_66] : memref<10112x16xf32, #tpu.memory_space<vmem_shared>> -> memref<128x16xf32, #tpu.memory_space<vmem_shared>>
      %dma_wait3A_68 = arith.constant 0 : i32
      %dma_wait3A_69 = arith.constant 0 : i32
      %dma_wait3A_70 = tpu.memref_slice %arg6[%dma_wait3A_68, %dma_wait3A_69] : memref<128x16xf32, #tpu.memory_space<vmem>> -> memref<128x16xf32, #tpu.memory_space<vmem>>
      tpu.wait_dma2 semaphore(%run_scoped3A : memref<!tpu.dma_semaphore, #tpu.memory_space<semaphore_mem>>) src(%dma_wait3A_70 : memref<128x16xf32, #tpu.memory_space<vmem>>) dst(%dma_wait3A_67 : memref<128x16xf32, #tpu.memory_space<vmem_shared>>)
      tpu.yield
    }) : () -> ()
    %mul3A_26 = arith.constant 632 : i32
    %mul3A_27 = arith.muli %arg1, %mul3A_26 : i32
    %add3A_28 = arith.constant 384 : i32
    %add3A_29 = arith.addi %mul3A_27, %add3A_28 : i32
    "tpu.region"() ({
      %run_scoped3A = tpu.sem_alloc : memref<!tpu.dma_semaphore, #tpu.memory_space<semaphore_mem>>
      %dma_start3A = arith.constant 0 : i32
      %dma_start3A_53 = arith.constant 0 : i32
      %dma_start3A_54 = tpu.memref_slice %arg6[%dma_start3A, %dma_start3A_53] : memref<128x16xf32, #tpu.memory_space<vmem>> -> memref<128x16xf32, #tpu.memory_space<vmem>>
      %dma_start3A_55 = arith.constant 0 : i32
      %dma_start3A_56 = tpu.memref_slice %arg7[%add3A_29, %dma_start3A_55] : memref<10112x16xf32, #tpu.memory_space<vmem_shared>> -> memref<128x16xf32, #tpu.memory_space<vmem_shared>>
      %dma_start3A_57 = arith.constant 0 : i32
      %dma_start3A_58 = tpu.memref_slice %arg7[%add3A_29, %dma_start3A_57] : memref<10112x16xf32, #tpu.memory_space<vmem_shared>> -> memref<128x16xf32, #tpu.memory_space<vmem_shared>>
      %dma_start3A_59 = arith.constant 0 : i32
      %dma_start3A_60 = arith.constant 0 : i32
      %dma_start3A_61 = tpu.memref_slice %arg6[%dma_start3A_59, %dma_start3A_60] : memref<128x16xf32, #tpu.memory_space<vmem>> -> memref<128x16xf32, #tpu.memory_space<vmem>>
      tpu.enqueue_dma source(%dma_start3A_61 : memref<128x16xf32, #tpu.memory_space<vmem>>) target(%dma_start3A_58 : memref<128x16xf32, #tpu.memory_space<vmem_shared>>) target_semaphore(%run_scoped3A : memref<!tpu.dma_semaphore, #tpu.memory_space<semaphore_mem>>)
      %dma_wait3A = arith.constant 0 : i32
      %dma_wait3A_62 = arith.constant 0 : i32
      %dma_wait3A_63 = tpu.memref_slice %arg6[%dma_wait3A, %dma_wait3A_62] : memref<128x16xf32, #tpu.memory_space<vmem>> -> memref<128x16xf32, #tpu.memory_space<vmem>>
      %dma_wait3A_64 = arith.constant 0 : i32
      %dma_wait3A_65 = tpu.memref_slice %arg7[%add3A_29, %dma_wait3A_64] : memref<10112x16xf32, #tpu.memory_space<vmem_shared>> -> memref<128x16xf32, #tpu.memory_space<vmem_shared>>
      %dma_wait3A_66 = arith.constant 0 : i32
      %dma_wait3A_67 = tpu.memref_slice %arg7[%add3A_29, %dma_wait3A_66] : memref<10112x16xf32, #tpu.memory_space<vmem_shared>> -> memref<128x16xf32, #tpu.memory_space<vmem_shared>>
      %dma_wait3A_68 = arith.constant 0 : i32
      %dma_wait3A_69 = arith.constant 0 : i32
      %dma_wait3A_70 = tpu.memref_slice %arg6[%dma_wait3A_68, %dma_wait3A_69] : memref<128x16xf32, #tpu.memory_space<vmem>> -> memref<128x16xf32, #tpu.memory_space<vmem>>
      tpu.wait_dma2 semaphore(%run_scoped3A : memref<!tpu.dma_semaphore, #tpu.memory_space<semaphore_mem>>) src(%dma_wait3A_70 : memref<128x16xf32, #tpu.memory_space<vmem>>) dst(%dma_wait3A_67 : memref<128x16xf32, #tpu.memory_space<vmem_shared>>)
      tpu.yield
    }) : () -> ()
    %mul3A_30 = arith.constant 632 : i32
    %mul3A_31 = arith.muli %arg1, %mul3A_30 : i32
    %add3A_32 = arith.constant 512 : i32
    %add3A_33 = arith.addi %mul3A_31, %add3A_32 : i32
    "tpu.region"() ({
      %run_scoped3A = tpu.sem_alloc : memref<!tpu.dma_semaphore, #tpu.memory_space<semaphore_mem>>
      %dma_start3A = arith.constant 0 : i32
      %dma_start3A_53 = arith.constant 0 : i32
      %dma_start3A_54 = tpu.memref_slice %arg6[%dma_start3A, %dma_start3A_53] : memref<128x16xf32, #tpu.memory_space<vmem>> -> memref<120x16xf32, #tpu.memory_space<vmem>>
      %dma_start3A_55 = arith.constant 0 : i32
      %dma_start3A_56 = tpu.memref_slice %arg7[%add3A_33, %dma_start3A_55] : memref<10112x16xf32, #tpu.memory_space<vmem_shared>> -> memref<120x16xf32, #tpu.memory_space<vmem_shared>>
      %dma_start3A_57 = arith.constant 0 : i32
      %dma_start3A_58 = tpu.memref_slice %arg7[%add3A_33, %dma_start3A_57] : memref<10112x16xf32, #tpu.memory_space<vmem_shared>> -> memref<120x16xf32, #tpu.memory_space<vmem_shared>>
      %dma_start3A_59 = arith.constant 0 : i32
      %dma_start3A_60 = arith.constant 0 : i32
      %dma_start3A_61 = tpu.memref_slice %arg6[%dma_start3A_59, %dma_start3A_60] : memref<128x16xf32, #tpu.memory_space<vmem>> -> memref<120x16xf32, #tpu.memory_space<vmem>>
      tpu.enqueue_dma source(%dma_start3A_61 : memref<120x16xf32, #tpu.memory_space<vmem>>) target(%dma_start3A_58 : memref<120x16xf32, #tpu.memory_space<vmem_shared>>) target_semaphore(%run_scoped3A : memref<!tpu.dma_semaphore, #tpu.memory_space<semaphore_mem>>)
      %dma_wait3A = arith.constant 0 : i32
      %dma_wait3A_62 = arith.constant 0 : i32
      %dma_wait3A_63 = tpu.memref_slice %arg6[%dma_wait3A, %dma_wait3A_62] : memref<128x16xf32, #tpu.memory_space<vmem>> -> memref<120x16xf32, #tpu.memory_space<vmem>>
      %dma_wait3A_64 = arith.constant 0 : i32
      %dma_wait3A_65 = tpu.memref_slice %arg7[%add3A_33, %dma_wait3A_64] : memref<10112x16xf32, #tpu.memory_space<vmem_shared>> -> memref<120x16xf32, #tpu.memory_space<vmem_shared>>
      %dma_wait3A_66 = arith.constant 0 : i32
      %dma_wait3A_67 = tpu.memref_slice %arg7[%add3A_33, %dma_wait3A_66] : memref<10112x16xf32, #tpu.memory_space<vmem_shared>> -> memref<120x16xf32, #tpu.memory_space<vmem_shared>>
      %dma_wait3A_68 = arith.constant 0 : i32
      %dma_wait3A_69 = arith.constant 0 : i32
      %dma_wait3A_70 = tpu.memref_slice %arg6[%dma_wait3A_68, %dma_wait3A_69] : memref<128x16xf32, #tpu.memory_space<vmem>> -> memref<120x16xf32, #tpu.memory_space<vmem>>
      tpu.wait_dma2 semaphore(%run_scoped3A : memref<!tpu.dma_semaphore, #tpu.memory_space<semaphore_mem>>) src(%dma_wait3A_70 : memref<120x16xf32, #tpu.memory_space<vmem>>) dst(%dma_wait3A_67 : memref<120x16xf32, #tpu.memory_space<vmem_shared>>)
      tpu.yield
    }) : () -> ()
    %barrier3A = arith.constant 0 : index
    tpu.barrier barrier_id(%barrier3A)
    %scan3A_34 = arith.constant 0 : i32
    %scan3A_35 = arith.constant 0 : i32
    %scan3A_36 = arith.constant 80 : i32
    %scan3A_37 = arith.addi %scan3A_35, %scan3A_36 : i32
    %scan3A_38 = arith.constant 1 : i32
    %scan3A_39 = scf.for %scan3A_53 = %scan3A_35 to %scan3A_37 step %scan3A_38 iter_args(%scan3A_54 = %scan3A_34) -> (i32)  : i32 {
      %dma_start3A = arith.constant 0 : i32
      %dma_start3A_55 = tpu.memref_slice %arg4[%scan3A_53, %dma_start3A] : memref<80x128xi32, #tpu.memory_space<vmem>> -> memref<1x128xi32, #tpu.memory_space<vmem>>
      %dma_start3A_56 = tpu.memref_squeeze %dma_start3A_55 : memref<1x128xi32, #tpu.memory_space<vmem>> -> memref<128xi32, #tpu.memory_space<vmem>>
      %dma_start3A_57 = arith.constant 0 : i32
      %dma_start3A_58 = arith.constant 0 : i32
      %dma_start3A_59 = tpu.memref_slice %arg7[%dma_start3A_57, %dma_start3A_58] : memref<10112x16xf32, #tpu.memory_space<vmem_shared>> -> memref<10112x16xf32, #tpu.memory_space<vmem_shared>>
      tpu.enqueue_indirect_dma source(%arg5 : memref<128x16xf32, #tpu.memory_space<vmem>>) target(%dma_start3A_59 : memref<10112x16xf32, #tpu.memory_space<vmem_shared>>) offsets(%dma_start3A_56 : memref<128xi32, #tpu.memory_space<vmem>>) semaphore(%arg8 : memref<!tpu.dma_semaphore, #tpu.memory_space<semaphore_mem>>) {add = true}
      %scan3A_60 = arith.constant 0 : i32
      scf.yield %scan3A_60 : i32
    }
    %scan3A_40 = arith.constant 80 : i32
    %scan3A_41 = arith.constant 0 : i32
    %scan3A_42 = arith.constant 0 : i32
    %scan3A_43 = arith.constant 80 : i32
    %scan3A_44 = arith.addi %scan3A_42, %scan3A_43 : i32
    %scan3A_45 = arith.constant 1 : i32
    %scan3A_46 = scf.for %scan3A_53 = %scan3A_42 to %scan3A_44 step %scan3A_45 iter_args(%scan3A_54 = %scan3A_41) -> (i32)  : i32 {
      %dma_wait3A = arith.constant 0 : i32
      %dma_wait3A_55 = arith.constant 0 : i32
      %dma_wait3A_56 = tpu.memref_slice %arg4[%dma_wait3A, %dma_wait3A_55] : memref<80x128xi32, #tpu.memory_space<vmem>> -> memref<1x128xi32, #tpu.memory_space<vmem>>
      %dma_wait3A_57 = tpu.memref_squeeze %dma_wait3A_56 : memref<1x128xi32, #tpu.memory_space<vmem>> -> memref<128xi32, #tpu.memory_space<vmem>>
      %dma_wait3A_58 = arith.constant 0 : i32
      %dma_wait3A_59 = arith.constant 0 : i32
      %dma_wait3A_60 = tpu.memref_slice %arg7[%dma_wait3A_58, %dma_wait3A_59] : memref<10112x16xf32, #tpu.memory_space<vmem_shared>> -> memref<10112x16xf32, #tpu.memory_space<vmem_shared>>
      tpu.wait_indirect_dma semaphore(%arg8 : memref<!tpu.dma_semaphore, #tpu.memory_space<semaphore_mem>>) src(%arg5 : memref<128x16xf32, #tpu.memory_space<vmem>>) dst(%dma_wait3A_60 : memref<10112x16xf32, #tpu.memory_space<vmem_shared>>)
      %scan3A_61 = arith.constant 0 : i32
      scf.yield %scan3A_61 : i32
    }
    %scan3A_47 = arith.constant 80 : i32
    %barrier3A_48 = arith.constant 0 : index
    tpu.barrier barrier_id(%barrier3A_48)
    %mul3A_49 = arith.constant 632 : i32
    %mul3A_50 = arith.muli %arg1, %mul3A_49 : i32
    %mul3A_51 = arith.constant 632 : i32
    %mul3A_52 = arith.muli %arg1, %mul3A_51 : i32
    "tpu.region"() ({
      %run_scoped3A = tpu.sem_alloc : memref<!tpu.dma_semaphore, #tpu.memory_space<semaphore_mem>>
      %dma_start3A = arith.constant 0 : i32
      %dma_start3A_53 = tpu.memref_slice %arg3[%arg0, %mul3A_52, %dma_start3A] : memref<2x10112x16xf32, #tpu.memory_space<hbm>> -> memref<1x632x16xf32, #tpu.memory_space<hbm>>
      %dma_start3A_54 = tpu.memref_squeeze %dma_start3A_53 : memref<1x632x16xf32, #tpu.memory_space<hbm>> -> memref<632x16xf32, #tpu.memory_space<hbm>>
      %dma_start3A_55 = arith.constant 0 : i32
      %dma_start3A_56 = tpu.memref_slice %arg7[%mul3A_50, %dma_start3A_55] : memref<10112x16xf32, #tpu.memory_space<vmem_shared>> -> memref<632x16xf32, #tpu.memory_space<vmem_shared>>
      tpu.enqueue_dma source(%dma_start3A_56 : memref<632x16xf32, #tpu.memory_space<vmem_shared>>) target(%dma_start3A_54 : memref<632x16xf32, #tpu.memory_space<hbm>>) target_semaphore(%run_scoped3A : memref<!tpu.dma_semaphore, #tpu.memory_space<semaphore_mem>>)
      %dma_wait3A = arith.constant 0 : i32
      %dma_wait3A_57 = tpu.memref_slice %arg3[%arg0, %mul3A_52, %dma_wait3A] : memref<2x10112x16xf32, #tpu.memory_space<hbm>> -> memref<1x632x16xf32, #tpu.memory_space<hbm>>
      %dma_wait3A_58 = tpu.memref_squeeze %dma_wait3A_57 : memref<1x632x16xf32, #tpu.memory_space<hbm>> -> memref<632x16xf32, #tpu.memory_space<hbm>>
      %dma_wait3A_59 = arith.constant 0 : i32
      %dma_wait3A_60 = tpu.memref_slice %arg7[%mul3A_50, %dma_wait3A_59] : memref<10112x16xf32, #tpu.memory_space<vmem_shared>> -> memref<632x16xf32, #tpu.memory_space<vmem_shared>>
      tpu.wait_dma2 semaphore(%run_scoped3A : memref<!tpu.dma_semaphore, #tpu.memory_space<semaphore_mem>>) src(%dma_wait3A_60 : memref<632x16xf32, #tpu.memory_space<vmem_shared>>) dst(%dma_wait3A_58 : memref<632x16xf32, #tpu.memory_space<hbm>>)
      tpu.yield
    }) : () -> ()
    return
  }
}

#map = affine_map<(d0, d1) -> (0, 0)>
#map1 = affine_map<(d0, d1) -> (0, 0, 0)>
module attributes {stable_mosaic.version = 14 : i64} {
  func.func @scatter_kernel(%arg0: i32, %arg1: i32, %arg2: memref<10000x128xf32, #tpu.memory_space<hbm>>, %arg3: memref<32x80x128xi32, #tpu.memory_space<hbm>>, %arg4: memref<32x80x128xi32, #tpu.memory_space<hbm>>, %arg5: memref<2x10112x128xf32, #tpu.memory_space<hbm>>, %arg6: memref<40x128xi32, #tpu.memory_space<vmem>>, %arg7: memref<40x128xi32, #tpu.memory_space<vmem>>, %arg8: memref<128x128xf32, #tpu.memory_space<vmem>>, %arg9: memref<128x128xf32, #tpu.memory_space<vmem>>, %arg10: memref<10112x128xf32, #tpu.memory_space<vmem_shared>>, %arg11: memref<!tpu.dma_semaphore, #tpu.memory_space<semaphore_mem>>, %arg12: memref<!tpu.dma_semaphore, #tpu.memory_space<semaphore_mem>>) attributes {dimension_semantics = [#tpu.dimension_semantics<core_parallel>, #tpu.dimension_semantics<subcore_parallel>], iteration_bounds = array<i64: 2, 16>, scalar_prefetch = 0 : i64, scratch_operands = 7 : i64, tpu.core_type = #tpu.core_type<sc_vector_subcore>, window_params = [{transform_indices = #map}, {transform_indices = #map1}, {transform_indices = #map1}, {transform_indices = #map1}]} {
    %mul3A = arith.constant 16 : i32
    %mul3A_0 = arith.muli %arg0, %mul3A : i32
    %add3A = arith.addi %mul3A_0, %arg1 : i32
    %scan3A = arith.constant 0 : i32
    %scan3A_1 = arith.constant 0 : i32
    %scan3A_2 = arith.constant 128 : i32
    %scan3A_3 = arith.addi %scan3A_1, %scan3A_2 : i32
    %scan3A_4 = arith.constant 1 : i32
    %scan3A_5 = scf.for %scan3A_59 = %scan3A_1 to %scan3A_3 step %scan3A_4 iter_args(%scan3A_60 = %scan3A) -> (i32)  : i32 {
      %scan3A_61 = arith.constant 0 : i32
      %scan3A_62 = arith.constant 0 : i32
      %scan3A_63 = arith.constant 8 : i32
      %scan3A_64 = arith.addi %scan3A_62, %scan3A_63 : i32
      %scan3A_65 = arith.constant 1 : i32
      %scan3A_66 = scf.for %scan3A_69 = %scan3A_62 to %scan3A_64 step %scan3A_65 iter_args(%scan3A_70 = %scan3A_61) -> (i32)  : i32 {
        %broadcast_in_dim3A = arith.constant 0.000000e+00 : f32
        %broadcast_in_dim3A_71 = vector.broadcast %broadcast_in_dim3A : f32 to vector<16xf32>
        %mul3A_72 = arith.constant 16 : i32
        %mul3A_73 = arith.muli %scan3A_69, %mul3A_72 : i32
        %swap3A = arith.index_cast %scan3A_59 : i32 to index
        %swap3A_74 = arith.index_cast %mul3A_73 : i32 to index
        %swap3A_75 = tpu.vector_load %arg8[%swap3A, %swap3A_74] {strides = array<i32>} : memref<128x128xf32, #tpu.memory_space<vmem>>, vector<1x16xf32>,
        %swap3A_76 = vector.shape_cast %swap3A_75 : vector<1x16xf32> to vector<16xf32>
        %swap3A_77 = vector.shape_cast %broadcast_in_dim3A_71 : vector<16xf32> to vector<1x16xf32>
        tpu.vector_store %arg8[%swap3A, %swap3A_74], %swap3A_77 {strides = array<i32>} : memref<128x128xf32, #tpu.memory_space<vmem>>, vector<1x16xf32>,
        %scan3A_78 = arith.constant 0 : i32
        scf.yield %scan3A_78 : i32
      }
      %scan3A_67 = arith.constant 8 : i32
      %scan3A_68 = arith.constant 0 : i32
      scf.yield %scan3A_68 : i32
    }
    %scan3A_6 = arith.constant 128 : i32
    %mul3A_7 = arith.constant 632 : i32
    %mul3A_8 = arith.muli %arg1, %mul3A_7 : i32
    %add3A_9 = arith.constant 0 : i32
    %add3A_10 = arith.addi %mul3A_8, %add3A_9 : i32
    "tpu.region"() ({
      %run_scoped3A = tpu.sem_alloc : memref<!tpu.dma_semaphore, #tpu.memory_space<semaphore_mem>>
      %dma_start3A_59 = arith.constant 0 : i32
      %dma_start3A_60 = arith.constant 0 : i32
      %dma_start3A_61 = tpu.memref_slice %arg8[%dma_start3A_59, %dma_start3A_60] : memref<128x128xf32, #tpu.memory_space<vmem>> -> memref<128x128xf32, #tpu.memory_space<vmem>>
      %dma_start3A_62 = arith.constant 0 : i32
      %dma_start3A_63 = tpu.memref_slice %arg10[%add3A_10, %dma_start3A_62] : memref<10112x128xf32, #tpu.memory_space<vmem_shared>> -> memref<128x128xf32, #tpu.memory_space<vmem_shared>>
      %dma_start3A_64 = arith.constant 0 : i32
      %dma_start3A_65 = tpu.memref_slice %arg10[%add3A_10, %dma_start3A_64] : memref<10112x128xf32, #tpu.memory_space<vmem_shared>> -> memref<128x128xf32, #tpu.memory_space<vmem_shared>>
      %dma_start3A_66 = arith.constant 0 : i32
      %dma_start3A_67 = arith.constant 0 : i32
      %dma_start3A_68 = tpu.memref_slice %arg8[%dma_start3A_66, %dma_start3A_67] : memref<128x128xf32, #tpu.memory_space<vmem>> -> memref<128x128xf32, #tpu.memory_space<vmem>>
      tpu.enqueue_dma source(%dma_start3A_68 : memref<128x128xf32, #tpu.memory_space<vmem>>) target(%dma_start3A_65 : memref<128x128xf32, #tpu.memory_space<vmem_shared>>) target_semaphore(%run_scoped3A : memref<!tpu.dma_semaphore, #tpu.memory_space<semaphore_mem>>)
      %dma_wait3A = arith.constant 0 : i32
      %dma_wait3A_69 = arith.constant 0 : i32
      %dma_wait3A_70 = tpu.memref_slice %arg8[%dma_wait3A, %dma_wait3A_69] : memref<128x128xf32, #tpu.memory_space<vmem>> -> memref<128x128xf32, #tpu.memory_space<vmem>>
      %dma_wait3A_71 = arith.constant 0 : i32
      %dma_wait3A_72 = tpu.memref_slice %arg10[%add3A_10, %dma_wait3A_71] : memref<10112x128xf32, #tpu.memory_space<vmem_shared>> -> memref<128x128xf32, #tpu.memory_space<vmem_shared>>
      %dma_wait3A_73 = arith.constant 0 : i32
      %dma_wait3A_74 = tpu.memref_slice %arg10[%add3A_10, %dma_wait3A_73] : memref<10112x128xf32, #tpu.memory_space<vmem_shared>> -> memref<128x128xf32, #tpu.memory_space<vmem_shared>>
      %dma_wait3A_75 = arith.constant 0 : i32
      %dma_wait3A_76 = arith.constant 0 : i32
      %dma_wait3A_77 = tpu.memref_slice %arg8[%dma_wait3A_75, %dma_wait3A_76] : memref<128x128xf32, #tpu.memory_space<vmem>> -> memref<128x128xf32, #tpu.memory_space<vmem>>
      tpu.wait_dma2 semaphore(%run_scoped3A : memref<!tpu.dma_semaphore, #tpu.memory_space<semaphore_mem>>) src(%dma_wait3A_77 : memref<128x128xf32, #tpu.memory_space<vmem>>) dst(%dma_wait3A_74 : memref<128x128xf32, #tpu.memory_space<vmem_shared>>)
      tpu.yield
    }) : () -> ()
    %mul3A_11 = arith.constant 632 : i32
    %mul3A_12 = arith.muli %arg1, %mul3A_11 : i32
    %add3A_13 = arith.constant 128 : i32
    %add3A_14 = arith.addi %mul3A_12, %add3A_13 : i32
    "tpu.region"() ({
      %run_scoped3A = tpu.sem_alloc : memref<!tpu.dma_semaphore, #tpu.memory_space<semaphore_mem>>
      %dma_start3A_59 = arith.constant 0 : i32
      %dma_start3A_60 = arith.constant 0 : i32
      %dma_start3A_61 = tpu.memref_slice %arg8[%dma_start3A_59, %dma_start3A_60] : memref<128x128xf32, #tpu.memory_space<vmem>> -> memref<128x128xf32, #tpu.memory_space<vmem>>
      %dma_start3A_62 = arith.constant 0 : i32
      %dma_start3A_63 = tpu.memref_slice %arg10[%add3A_14, %dma_start3A_62] : memref<10112x128xf32, #tpu.memory_space<vmem_shared>> -> memref<128x128xf32, #tpu.memory_space<vmem_shared>>
      %dma_start3A_64 = arith.constant 0 : i32
      %dma_start3A_65 = tpu.memref_slice %arg10[%add3A_14, %dma_start3A_64] : memref<10112x128xf32, #tpu.memory_space<vmem_shared>> -> memref<128x128xf32, #tpu.memory_space<vmem_shared>>
      %dma_start3A_66 = arith.constant 0 : i32
      %dma_start3A_67 = arith.constant 0 : i32
      %dma_start3A_68 = tpu.memref_slice %arg8[%dma_start3A_66, %dma_start3A_67] : memref<128x128xf32, #tpu.memory_space<vmem>> -> memref<128x128xf32, #tpu.memory_space<vmem>>
      tpu.enqueue_dma source(%dma_start3A_68 : memref<128x128xf32, #tpu.memory_space<vmem>>) target(%dma_start3A_65 : memref<128x128xf32, #tpu.memory_space<vmem_shared>>) target_semaphore(%run_scoped3A : memref<!tpu.dma_semaphore, #tpu.memory_space<semaphore_mem>>)
      %dma_wait3A = arith.constant 0 : i32
      %dma_wait3A_69 = arith.constant 0 : i32
      %dma_wait3A_70 = tpu.memref_slice %arg8[%dma_wait3A, %dma_wait3A_69] : memref<128x128xf32, #tpu.memory_space<vmem>> -> memref<128x128xf32, #tpu.memory_space<vmem>>
      %dma_wait3A_71 = arith.constant 0 : i32
      %dma_wait3A_72 = tpu.memref_slice %arg10[%add3A_14, %dma_wait3A_71] : memref<10112x128xf32, #tpu.memory_space<vmem_shared>> -> memref<128x128xf32, #tpu.memory_space<vmem_shared>>
      %dma_wait3A_73 = arith.constant 0 : i32
      %dma_wait3A_74 = tpu.memref_slice %arg10[%add3A_14, %dma_wait3A_73] : memref<10112x128xf32, #tpu.memory_space<vmem_shared>> -> memref<128x128xf32, #tpu.memory_space<vmem_shared>>
      %dma_wait3A_75 = arith.constant 0 : i32
      %dma_wait3A_76 = arith.constant 0 : i32
      %dma_wait3A_77 = tpu.memref_slice %arg8[%dma_wait3A_75, %dma_wait3A_76] : memref<128x128xf32, #tpu.memory_space<vmem>> -> memref<128x128xf32, #tpu.memory_space<vmem>>
      tpu.wait_dma2 semaphore(%run_scoped3A : memref<!tpu.dma_semaphore, #tpu.memory_space<semaphore_mem>>) src(%dma_wait3A_77 : memref<128x128xf32, #tpu.memory_space<vmem>>) dst(%dma_wait3A_74 : memref<128x128xf32, #tpu.memory_space<vmem_shared>>)
      tpu.yield
    }) : () -> ()
    %mul3A_15 = arith.constant 632 : i32
    %mul3A_16 = arith.muli %arg1, %mul3A_15 : i32
    %add3A_17 = arith.constant 256 : i32
    %add3A_18 = arith.addi %mul3A_16, %add3A_17 : i32
    "tpu.region"() ({
      %run_scoped3A = tpu.sem_alloc : memref<!tpu.dma_semaphore, #tpu.memory_space<semaphore_mem>>
      %dma_start3A_59 = arith.constant 0 : i32
      %dma_start3A_60 = arith.constant 0 : i32
      %dma_start3A_61 = tpu.memref_slice %arg8[%dma_start3A_59, %dma_start3A_60] : memref<128x128xf32, #tpu.memory_space<vmem>> -> memref<128x128xf32, #tpu.memory_space<vmem>>
      %dma_start3A_62 = arith.constant 0 : i32
      %dma_start3A_63 = tpu.memref_slice %arg10[%add3A_18, %dma_start3A_62] : memref<10112x128xf32, #tpu.memory_space<vmem_shared>> -> memref<128x128xf32, #tpu.memory_space<vmem_shared>>
      %dma_start3A_64 = arith.constant 0 : i32
      %dma_start3A_65 = tpu.memref_slice %arg10[%add3A_18, %dma_start3A_64] : memref<10112x128xf32, #tpu.memory_space<vmem_shared>> -> memref<128x128xf32, #tpu.memory_space<vmem_shared>>
      %dma_start3A_66 = arith.constant 0 : i32
      %dma_start3A_67 = arith.constant 0 : i32
      %dma_start3A_68 = tpu.memref_slice %arg8[%dma_start3A_66, %dma_start3A_67] : memref<128x128xf32, #tpu.memory_space<vmem>> -> memref<128x128xf32, #tpu.memory_space<vmem>>
      tpu.enqueue_dma source(%dma_start3A_68 : memref<128x128xf32, #tpu.memory_space<vmem>>) target(%dma_start3A_65 : memref<128x128xf32, #tpu.memory_space<vmem_shared>>) target_semaphore(%run_scoped3A : memref<!tpu.dma_semaphore, #tpu.memory_space<semaphore_mem>>)
      %dma_wait3A = arith.constant 0 : i32
      %dma_wait3A_69 = arith.constant 0 : i32
      %dma_wait3A_70 = tpu.memref_slice %arg8[%dma_wait3A, %dma_wait3A_69] : memref<128x128xf32, #tpu.memory_space<vmem>> -> memref<128x128xf32, #tpu.memory_space<vmem>>
      %dma_wait3A_71 = arith.constant 0 : i32
      %dma_wait3A_72 = tpu.memref_slice %arg10[%add3A_18, %dma_wait3A_71] : memref<10112x128xf32, #tpu.memory_space<vmem_shared>> -> memref<128x128xf32, #tpu.memory_space<vmem_shared>>
      %dma_wait3A_73 = arith.constant 0 : i32
      %dma_wait3A_74 = tpu.memref_slice %arg10[%add3A_18, %dma_wait3A_73] : memref<10112x128xf32, #tpu.memory_space<vmem_shared>> -> memref<128x128xf32, #tpu.memory_space<vmem_shared>>
      %dma_wait3A_75 = arith.constant 0 : i32
      %dma_wait3A_76 = arith.constant 0 : i32
      %dma_wait3A_77 = tpu.memref_slice %arg8[%dma_wait3A_75, %dma_wait3A_76] : memref<128x128xf32, #tpu.memory_space<vmem>> -> memref<128x128xf32, #tpu.memory_space<vmem>>
      tpu.wait_dma2 semaphore(%run_scoped3A : memref<!tpu.dma_semaphore, #tpu.memory_space<semaphore_mem>>) src(%dma_wait3A_77 : memref<128x128xf32, #tpu.memory_space<vmem>>) dst(%dma_wait3A_74 : memref<128x128xf32, #tpu.memory_space<vmem_shared>>)
      tpu.yield
    }) : () -> ()
    %mul3A_19 = arith.constant 632 : i32
    %mul3A_20 = arith.muli %arg1, %mul3A_19 : i32
    %add3A_21 = arith.constant 384 : i32
    %add3A_22 = arith.addi %mul3A_20, %add3A_21 : i32
    "tpu.region"() ({
      %run_scoped3A = tpu.sem_alloc : memref<!tpu.dma_semaphore, #tpu.memory_space<semaphore_mem>>
      %dma_start3A_59 = arith.constant 0 : i32
      %dma_start3A_60 = arith.constant 0 : i32
      %dma_start3A_61 = tpu.memref_slice %arg8[%dma_start3A_59, %dma_start3A_60] : memref<128x128xf32, #tpu.memory_space<vmem>> -> memref<128x128xf32, #tpu.memory_space<vmem>>
      %dma_start3A_62 = arith.constant 0 : i32
      %dma_start3A_63 = tpu.memref_slice %arg10[%add3A_22, %dma_start3A_62] : memref<10112x128xf32, #tpu.memory_space<vmem_shared>> -> memref<128x128xf32, #tpu.memory_space<vmem_shared>>
      %dma_start3A_64 = arith.constant 0 : i32
      %dma_start3A_65 = tpu.memref_slice %arg10[%add3A_22, %dma_start3A_64] : memref<10112x128xf32, #tpu.memory_space<vmem_shared>> -> memref<128x128xf32, #tpu.memory_space<vmem_shared>>
      %dma_start3A_66 = arith.constant 0 : i32
      %dma_start3A_67 = arith.constant 0 : i32
      %dma_start3A_68 = tpu.memref_slice %arg8[%dma_start3A_66, %dma_start3A_67] : memref<128x128xf32, #tpu.memory_space<vmem>> -> memref<128x128xf32, #tpu.memory_space<vmem>>
      tpu.enqueue_dma source(%dma_start3A_68 : memref<128x128xf32, #tpu.memory_space<vmem>>) target(%dma_start3A_65 : memref<128x128xf32, #tpu.memory_space<vmem_shared>>) target_semaphore(%run_scoped3A : memref<!tpu.dma_semaphore, #tpu.memory_space<semaphore_mem>>)
      %dma_wait3A = arith.constant 0 : i32
      %dma_wait3A_69 = arith.constant 0 : i32
      %dma_wait3A_70 = tpu.memref_slice %arg8[%dma_wait3A, %dma_wait3A_69] : memref<128x128xf32, #tpu.memory_space<vmem>> -> memref<128x128xf32, #tpu.memory_space<vmem>>
      %dma_wait3A_71 = arith.constant 0 : i32
      %dma_wait3A_72 = tpu.memref_slice %arg10[%add3A_22, %dma_wait3A_71] : memref<10112x128xf32, #tpu.memory_space<vmem_shared>> -> memref<128x128xf32, #tpu.memory_space<vmem_shared>>
      %dma_wait3A_73 = arith.constant 0 : i32
      %dma_wait3A_74 = tpu.memref_slice %arg10[%add3A_22, %dma_wait3A_73] : memref<10112x128xf32, #tpu.memory_space<vmem_shared>> -> memref<128x128xf32, #tpu.memory_space<vmem_shared>>
      %dma_wait3A_75 = arith.constant 0 : i32
      %dma_wait3A_76 = arith.constant 0 : i32
      %dma_wait3A_77 = tpu.memref_slice %arg8[%dma_wait3A_75, %dma_wait3A_76] : memref<128x128xf32, #tpu.memory_space<vmem>> -> memref<128x128xf32, #tpu.memory_space<vmem>>
      tpu.wait_dma2 semaphore(%run_scoped3A : memref<!tpu.dma_semaphore, #tpu.memory_space<semaphore_mem>>) src(%dma_wait3A_77 : memref<128x128xf32, #tpu.memory_space<vmem>>) dst(%dma_wait3A_74 : memref<128x128xf32, #tpu.memory_space<vmem_shared>>)
      tpu.yield
    }) : () -> ()
    %mul3A_23 = arith.constant 632 : i32
    %mul3A_24 = arith.muli %arg1, %mul3A_23 : i32
    %add3A_25 = arith.constant 512 : i32
    %add3A_26 = arith.addi %mul3A_24, %add3A_25 : i32
    "tpu.region"() ({
      %run_scoped3A = tpu.sem_alloc : memref<!tpu.dma_semaphore, #tpu.memory_space<semaphore_mem>>
      %dma_start3A_59 = arith.constant 0 : i32
      %dma_start3A_60 = arith.constant 0 : i32
      %dma_start3A_61 = tpu.memref_slice %arg8[%dma_start3A_59, %dma_start3A_60] : memref<128x128xf32, #tpu.memory_space<vmem>> -> memref<120x128xf32, #tpu.memory_space<vmem>>
      %dma_start3A_62 = arith.constant 0 : i32
      %dma_start3A_63 = tpu.memref_slice %arg10[%add3A_26, %dma_start3A_62] : memref<10112x128xf32, #tpu.memory_space<vmem_shared>> -> memref<120x128xf32, #tpu.memory_space<vmem_shared>>
      %dma_start3A_64 = arith.constant 0 : i32
      %dma_start3A_65 = tpu.memref_slice %arg10[%add3A_26, %dma_start3A_64] : memref<10112x128xf32, #tpu.memory_space<vmem_shared>> -> memref<120x128xf32, #tpu.memory_space<vmem_shared>>
      %dma_start3A_66 = arith.constant 0 : i32
      %dma_start3A_67 = arith.constant 0 : i32
      %dma_start3A_68 = tpu.memref_slice %arg8[%dma_start3A_66, %dma_start3A_67] : memref<128x128xf32, #tpu.memory_space<vmem>> -> memref<120x128xf32, #tpu.memory_space<vmem>>
      tpu.enqueue_dma source(%dma_start3A_68 : memref<120x128xf32, #tpu.memory_space<vmem>>) target(%dma_start3A_65 : memref<120x128xf32, #tpu.memory_space<vmem_shared>>) target_semaphore(%run_scoped3A : memref<!tpu.dma_semaphore, #tpu.memory_space<semaphore_mem>>)
      %dma_wait3A = arith.constant 0 : i32
      %dma_wait3A_69 = arith.constant 0 : i32
      %dma_wait3A_70 = tpu.memref_slice %arg8[%dma_wait3A, %dma_wait3A_69] : memref<128x128xf32, #tpu.memory_space<vmem>> -> memref<120x128xf32, #tpu.memory_space<vmem>>
      %dma_wait3A_71 = arith.constant 0 : i32
      %dma_wait3A_72 = tpu.memref_slice %arg10[%add3A_26, %dma_wait3A_71] : memref<10112x128xf32, #tpu.memory_space<vmem_shared>> -> memref<120x128xf32, #tpu.memory_space<vmem_shared>>
      %dma_wait3A_73 = arith.constant 0 : i32
      %dma_wait3A_74 = tpu.memref_slice %arg10[%add3A_26, %dma_wait3A_73] : memref<10112x128xf32, #tpu.memory_space<vmem_shared>> -> memref<120x128xf32, #tpu.memory_space<vmem_shared>>
      %dma_wait3A_75 = arith.constant 0 : i32
      %dma_wait3A_76 = arith.constant 0 : i32
      %dma_wait3A_77 = tpu.memref_slice %arg8[%dma_wait3A_75, %dma_wait3A_76] : memref<128x128xf32, #tpu.memory_space<vmem>> -> memref<120x128xf32, #tpu.memory_space<vmem>>
      tpu.wait_dma2 semaphore(%run_scoped3A : memref<!tpu.dma_semaphore, #tpu.memory_space<semaphore_mem>>) src(%dma_wait3A_77 : memref<120x128xf32, #tpu.memory_space<vmem>>) dst(%dma_wait3A_74 : memref<120x128xf32, #tpu.memory_space<vmem_shared>>)
      tpu.yield
    }) : () -> ()
    %barrier3A = arith.constant 0 : index
    tpu.barrier barrier_id(%barrier3A)
    "tpu.region"() ({
      %run_scoped3A = tpu.sem_alloc : memref<!tpu.dma_semaphore, #tpu.memory_space<semaphore_mem>>
      %dma_start3A_59 = arith.constant 0 : i32
      %dma_start3A_60 = arith.constant 0 : i32
      %dma_start3A_61 = tpu.memref_slice %arg3[%add3A, %dma_start3A_59, %dma_start3A_60] : memref<32x80x128xi32, #tpu.memory_space<hbm>> -> memref<1x40x128xi32, #tpu.memory_space<hbm>>
      %dma_start3A_62 = tpu.memref_squeeze %dma_start3A_61 : memref<1x40x128xi32, #tpu.memory_space<hbm>> -> memref<40x128xi32, #tpu.memory_space<hbm>>
      %dma_start3A_63 = arith.constant 0 : i32
      %dma_start3A_64 = arith.constant 0 : i32
      %dma_start3A_65 = tpu.memref_slice %arg3[%add3A, %dma_start3A_63, %dma_start3A_64] : memref<32x80x128xi32, #tpu.memory_space<hbm>> -> memref<1x40x128xi32, #tpu.memory_space<hbm>>
      %dma_start3A_66 = tpu.memref_squeeze %dma_start3A_65 : memref<1x40x128xi32, #tpu.memory_space<hbm>> -> memref<40x128xi32, #tpu.memory_space<hbm>>
      tpu.enqueue_dma source(%dma_start3A_66 : memref<40x128xi32, #tpu.memory_space<hbm>>) target(%arg6 : memref<40x128xi32, #tpu.memory_space<vmem>>) target_semaphore(%run_scoped3A : memref<!tpu.dma_semaphore, #tpu.memory_space<semaphore_mem>>)
      %dma_wait3A = arith.constant 0 : i32
      %dma_wait3A_67 = arith.constant 0 : i32
      %dma_wait3A_68 = tpu.memref_slice %arg3[%add3A, %dma_wait3A, %dma_wait3A_67] : memref<32x80x128xi32, #tpu.memory_space<hbm>> -> memref<1x40x128xi32, #tpu.memory_space<hbm>>
      %dma_wait3A_69 = tpu.memref_squeeze %dma_wait3A_68 : memref<1x40x128xi32, #tpu.memory_space<hbm>> -> memref<40x128xi32, #tpu.memory_space<hbm>>
      %dma_wait3A_70 = arith.constant 0 : i32
      %dma_wait3A_71 = arith.constant 0 : i32
      %dma_wait3A_72 = tpu.memref_slice %arg3[%add3A, %dma_wait3A_70, %dma_wait3A_71] : memref<32x80x128xi32, #tpu.memory_space<hbm>> -> memref<1x40x128xi32, #tpu.memory_space<hbm>>
      %dma_wait3A_73 = tpu.memref_squeeze %dma_wait3A_72 : memref<1x40x128xi32, #tpu.memory_space<hbm>> -> memref<40x128xi32, #tpu.memory_space<hbm>>
      tpu.wait_dma2 semaphore(%run_scoped3A : memref<!tpu.dma_semaphore, #tpu.memory_space<semaphore_mem>>) src(%dma_wait3A_73 : memref<40x128xi32, #tpu.memory_space<hbm>>) dst(%arg6 : memref<40x128xi32, #tpu.memory_space<vmem>>)
      tpu.yield
    }) : () -> ()
    "tpu.region"() ({
      %run_scoped3A = tpu.sem_alloc : memref<!tpu.dma_semaphore, #tpu.memory_space<semaphore_mem>>
      %dma_start3A_59 = arith.constant 0 : i32
      %dma_start3A_60 = arith.constant 0 : i32
      %dma_start3A_61 = tpu.memref_slice %arg4[%add3A, %dma_start3A_59, %dma_start3A_60] : memref<32x80x128xi32, #tpu.memory_space<hbm>> -> memref<1x40x128xi32, #tpu.memory_space<hbm>>
      %dma_start3A_62 = tpu.memref_squeeze %dma_start3A_61 : memref<1x40x128xi32, #tpu.memory_space<hbm>> -> memref<40x128xi32, #tpu.memory_space<hbm>>
      %dma_start3A_63 = arith.constant 0 : i32
      %dma_start3A_64 = arith.constant 0 : i32
      %dma_start3A_65 = tpu.memref_slice %arg4[%add3A, %dma_start3A_63, %dma_start3A_64] : memref<32x80x128xi32, #tpu.memory_space<hbm>> -> memref<1x40x128xi32, #tpu.memory_space<hbm>>
      %dma_start3A_66 = tpu.memref_squeeze %dma_start3A_65 : memref<1x40x128xi32, #tpu.memory_space<hbm>> -> memref<40x128xi32, #tpu.memory_space<hbm>>
      tpu.enqueue_dma source(%dma_start3A_66 : memref<40x128xi32, #tpu.memory_space<hbm>>) target(%arg7 : memref<40x128xi32, #tpu.memory_space<vmem>>) target_semaphore(%run_scoped3A : memref<!tpu.dma_semaphore, #tpu.memory_space<semaphore_mem>>)
      %dma_wait3A = arith.constant 0 : i32
      %dma_wait3A_67 = arith.constant 0 : i32
      %dma_wait3A_68 = tpu.memref_slice %arg4[%add3A, %dma_wait3A, %dma_wait3A_67] : memref<32x80x128xi32, #tpu.memory_space<hbm>> -> memref<1x40x128xi32, #tpu.memory_space<hbm>>
      %dma_wait3A_69 = tpu.memref_squeeze %dma_wait3A_68 : memref<1x40x128xi32, #tpu.memory_space<hbm>> -> memref<40x128xi32, #tpu.memory_space<hbm>>
      %dma_wait3A_70 = arith.constant 0 : i32
      %dma_wait3A_71 = arith.constant 0 : i32
      %dma_wait3A_72 = tpu.memref_slice %arg4[%add3A, %dma_wait3A_70, %dma_wait3A_71] : memref<32x80x128xi32, #tpu.memory_space<hbm>> -> memref<1x40x128xi32, #tpu.memory_space<hbm>>
      %dma_wait3A_73 = tpu.memref_squeeze %dma_wait3A_72 : memref<1x40x128xi32, #tpu.memory_space<hbm>> -> memref<40x128xi32, #tpu.memory_space<hbm>>
      tpu.wait_dma2 semaphore(%run_scoped3A : memref<!tpu.dma_semaphore, #tpu.memory_space<semaphore_mem>>) src(%dma_wait3A_73 : memref<40x128xi32, #tpu.memory_space<hbm>>) dst(%arg7 : memref<40x128xi32, #tpu.memory_space<vmem>>)
      tpu.yield
    }) : () -> ()
    %dma_start3A = arith.constant 0 : i32
    %dma_start3A_27 = arith.constant 0 : i32
    %dma_start3A_28 = tpu.memref_slice %arg6[%dma_start3A, %dma_start3A_27] : memref<40x128xi32, #tpu.memory_space<vmem>> -> memref<1x128xi32, #tpu.memory_space<vmem>>
    %dma_start3A_29 = tpu.memref_squeeze %dma_start3A_28 : memref<1x128xi32, #tpu.memory_space<vmem>> -> memref<128xi32, #tpu.memory_space<vmem>>
    %dma_start3A_30 = arith.constant 0 : i32
    %dma_start3A_31 = arith.constant 0 : i32
    %dma_start3A_32 = tpu.memref_slice %arg2[%dma_start3A_30, %dma_start3A_31] : memref<10000x128xf32, #tpu.memory_space<hbm>> -> memref<10000x128xf32, #tpu.memory_space<hbm>>
    tpu.enqueue_indirect_dma source(%dma_start3A_32 : memref<10000x128xf32, #tpu.memory_space<hbm>>) target(%arg8 : memref<128x128xf32, #tpu.memory_space<vmem>>) offsets(%dma_start3A_29 : memref<128xi32, #tpu.memory_space<vmem>>) semaphore(%arg11 : memref<!tpu.dma_semaphore, #tpu.memory_space<semaphore_mem>>)
    %scan3A_33 = arith.constant 0 : i32
    %scan3A_34 = arith.constant 0 : i32
    %scan3A_35 = arith.constant 20 : i32
    %scan3A_36 = arith.addi %scan3A_34, %scan3A_35 : i32
    %scan3A_37 = arith.constant 1 : i32
    %scan3A_38 = scf.for %scan3A_59 = %scan3A_34 to %scan3A_36 step %scan3A_37 iter_args(%scan3A_60 = %scan3A_33) -> (i32)  : i32 {
      %mul3A_61 = arith.constant 2 : i32
      %mul3A_62 = arith.muli %mul3A_61, %scan3A_59 : i32
      %add3A_63 = arith.constant 1 : i32
      %add3A_64 = arith.addi %mul3A_62, %add3A_63 : i32
      %dma_start3A_65 = arith.constant 0 : i32
      %dma_start3A_66 = tpu.memref_slice %arg6[%add3A_64, %dma_start3A_65] : memref<40x128xi32, #tpu.memory_space<vmem>> -> memref<1x128xi32, #tpu.memory_space<vmem>>
      %dma_start3A_67 = tpu.memref_squeeze %dma_start3A_66 : memref<1x128xi32, #tpu.memory_space<vmem>> -> memref<128xi32, #tpu.memory_space<vmem>>
      %dma_start3A_68 = arith.constant 0 : i32
      %dma_start3A_69 = arith.constant 0 : i32
      %dma_start3A_70 = tpu.memref_slice %arg2[%dma_start3A_68, %dma_start3A_69] : memref<10000x128xf32, #tpu.memory_space<hbm>> -> memref<10000x128xf32, #tpu.memory_space<hbm>>
      tpu.enqueue_indirect_dma source(%dma_start3A_70 : memref<10000x128xf32, #tpu.memory_space<hbm>>) target(%arg9 : memref<128x128xf32, #tpu.memory_space<vmem>>) offsets(%dma_start3A_67 : memref<128xi32, #tpu.memory_space<vmem>>) semaphore(%arg12 : memref<!tpu.dma_semaphore, #tpu.memory_space<semaphore_mem>>)
      %dma_wait3A = arith.constant 0 : i32
      %dma_wait3A_71 = tpu.memref_slice %arg6[%mul3A_62, %dma_wait3A] : memref<40x128xi32, #tpu.memory_space<vmem>> -> memref<1x128xi32, #tpu.memory_space<vmem>>
      %dma_wait3A_72 = tpu.memref_squeeze %dma_wait3A_71 : memref<1x128xi32, #tpu.memory_space<vmem>> -> memref<128xi32, #tpu.memory_space<vmem>>
      %dma_wait3A_73 = arith.constant 0 : i32
      %dma_wait3A_74 = arith.constant 0 : i32
      %dma_wait3A_75 = tpu.memref_slice %arg2[%dma_wait3A_73, %dma_wait3A_74] : memref<10000x128xf32, #tpu.memory_space<hbm>> -> memref<10000x128xf32, #tpu.memory_space<hbm>>
      tpu.wait_indirect_dma semaphore(%arg11 : memref<!tpu.dma_semaphore, #tpu.memory_space<semaphore_mem>>) src(%dma_wait3A_75 : memref<10000x128xf32, #tpu.memory_space<hbm>>) dst(%arg8 : memref<128x128xf32, #tpu.memory_space<vmem>>)
      "tpu.region"() ({
        %run_scoped3A = tpu.sem_alloc : memref<!tpu.dma_semaphore, #tpu.memory_space<semaphore_mem>>
        %dma_start3A_87 = arith.constant 0 : i32
        %dma_start3A_88 = tpu.memref_slice %arg7[%mul3A_62, %dma_start3A_87] : memref<40x128xi32, #tpu.memory_space<vmem>> -> memref<1x128xi32, #tpu.memory_space<vmem>>
        %dma_start3A_89 = tpu.memref_squeeze %dma_start3A_88 : memref<1x128xi32, #tpu.memory_space<vmem>> -> memref<128xi32, #tpu.memory_space<vmem>>
        %dma_start3A_90 = arith.constant 0 : i32
        %dma_start3A_91 = arith.constant 0 : i32
        %dma_start3A_92 = tpu.memref_slice %arg10[%dma_start3A_90, %dma_start3A_91] : memref<10112x128xf32, #tpu.memory_space<vmem_shared>> -> memref<10112x128xf32, #tpu.memory_space<vmem_shared>>
        tpu.enqueue_indirect_dma source(%arg8 : memref<128x128xf32, #tpu.memory_space<vmem>>) target(%dma_start3A_92 : memref<10112x128xf32, #tpu.memory_space<vmem_shared>>) offsets(%dma_start3A_89 : memref<128xi32, #tpu.memory_space<vmem>>) semaphore(%run_scoped3A : memref<!tpu.dma_semaphore, #tpu.memory_space<semaphore_mem>>) {add = true}
        %dma_wait3A_93 = arith.constant 0 : i32
        %dma_wait3A_94 = tpu.memref_slice %arg7[%mul3A_62, %dma_wait3A_93] : memref<40x128xi32, #tpu.memory_space<vmem>> -> memref<1x128xi32, #tpu.memory_space<vmem>>
        %dma_wait3A_95 = tpu.memref_squeeze %dma_wait3A_94 : memref<1x128xi32, #tpu.memory_space<vmem>> -> memref<128xi32, #tpu.memory_space<vmem>>
        %dma_wait3A_96 = arith.constant 0 : i32
        %dma_wait3A_97 = arith.constant 0 : i32
        %dma_wait3A_98 = tpu.memref_slice %arg10[%dma_wait3A_96, %dma_wait3A_97] : memref<10112x128xf32, #tpu.memory_space<vmem_shared>> -> memref<10112x128xf32, #tpu.memory_space<vmem_shared>>
        tpu.wait_indirect_dma semaphore(%run_scoped3A : memref<!tpu.dma_semaphore, #tpu.memory_space<semaphore_mem>>) src(%arg8 : memref<128x128xf32, #tpu.memory_space<vmem>>) dst(%dma_wait3A_98 : memref<10112x128xf32, #tpu.memory_space<vmem_shared>>)
        tpu.yield
      }) : () -> ()
      %add3A_76 = arith.constant 2 : i32
      %add3A_77 = arith.addi %mul3A_62, %add3A_76 : i32
      %lt3A = arith.constant 40 : i32
      %lt3A_78 = arith.cmpi slt, %add3A_77, %lt3A : i32
      %convert_element_type3A = arith.extui %lt3A_78 : i1 to i32
      %cond3A = arith.constant 0 : i32
      %cond3A_79 = arith.cmpi ne, %convert_element_type3A, %cond3A : i32
      scf.if %cond3A_79 {
        %add3A_87 = arith.constant 2 : i32
        %add3A_88 = arith.addi %mul3A_62, %add3A_87 : i32
        %dma_start3A_89 = arith.constant 0 : i32
        %dma_start3A_90 = tpu.memref_slice %arg6[%add3A_88, %dma_start3A_89] : memref<40x128xi32, #tpu.memory_space<vmem>> -> memref<1x128xi32, #tpu.memory_space<vmem>>
        %dma_start3A_91 = tpu.memref_squeeze %dma_start3A_90 : memref<1x128xi32, #tpu.memory_space<vmem>> -> memref<128xi32, #tpu.memory_space<vmem>>
        %dma_start3A_92 = arith.constant 0 : i32
        %dma_start3A_93 = arith.constant 0 : i32
        %dma_start3A_94 = tpu.memref_slice %arg2[%dma_start3A_92, %dma_start3A_93] : memref<10000x128xf32, #tpu.memory_space<hbm>> -> memref<10000x128xf32, #tpu.memory_space<hbm>>
        tpu.enqueue_indirect_dma source(%dma_start3A_94 : memref<10000x128xf32, #tpu.memory_space<hbm>>) target(%arg8 : memref<128x128xf32, #tpu.memory_space<vmem>>) offsets(%dma_start3A_91 : memref<128xi32, #tpu.memory_space<vmem>>) semaphore(%arg11 : memref<!tpu.dma_semaphore, #tpu.memory_space<semaphore_mem>>)
      } else {
      }
      %dma_wait3A_80 = arith.constant 0 : i32
      %dma_wait3A_81 = tpu.memref_slice %arg6[%add3A_64, %dma_wait3A_80] : memref<40x128xi32, #tpu.memory_space<vmem>> -> memref<1x128xi32, #tpu.memory_space<vmem>>
      %dma_wait3A_82 = tpu.memref_squeeze %dma_wait3A_81 : memref<1x128xi32, #tpu.memory_space<vmem>> -> memref<128xi32, #tpu.memory_space<vmem>>
      %dma_wait3A_83 = arith.constant 0 : i32
      %dma_wait3A_84 = arith.constant 0 : i32
      %dma_wait3A_85 = tpu.memref_slice %arg2[%dma_wait3A_83, %dma_wait3A_84] : memref<10000x128xf32, #tpu.memory_space<hbm>> -> memref<10000x128xf32, #tpu.memory_space<hbm>>
      tpu.wait_indirect_dma semaphore(%arg12 : memref<!tpu.dma_semaphore, #tpu.memory_space<semaphore_mem>>) src(%dma_wait3A_85 : memref<10000x128xf32, #tpu.memory_space<hbm>>) dst(%arg9 : memref<128x128xf32, #tpu.memory_space<vmem>>)
      "tpu.region"() ({
        %run_scoped3A = tpu.sem_alloc : memref<!tpu.dma_semaphore, #tpu.memory_space<semaphore_mem>>
        %dma_start3A_87 = arith.constant 0 : i32
        %dma_start3A_88 = tpu.memref_slice %arg7[%add3A_64, %dma_start3A_87] : memref<40x128xi32, #tpu.memory_space<vmem>> -> memref<1x128xi32, #tpu.memory_space<vmem>>
        %dma_start3A_89 = tpu.memref_squeeze %dma_start3A_88 : memref<1x128xi32, #tpu.memory_space<vmem>> -> memref<128xi32, #tpu.memory_space<vmem>>
        %dma_start3A_90 = arith.constant 0 : i32
        %dma_start3A_91 = arith.constant 0 : i32
        %dma_start3A_92 = tpu.memref_slice %arg10[%dma_start3A_90, %dma_start3A_91] : memref<10112x128xf32, #tpu.memory_space<vmem_shared>> -> memref<10112x128xf32, #tpu.memory_space<vmem_shared>>
        tpu.enqueue_indirect_dma source(%arg9 : memref<128x128xf32, #tpu.memory_space<vmem>>) target(%dma_start3A_92 : memref<10112x128xf32, #tpu.memory_space<vmem_shared>>) offsets(%dma_start3A_89 : memref<128xi32, #tpu.memory_space<vmem>>) semaphore(%run_scoped3A : memref<!tpu.dma_semaphore, #tpu.memory_space<semaphore_mem>>) {add = true}
        %dma_wait3A_93 = arith.constant 0 : i32
        %dma_wait3A_94 = tpu.memref_slice %arg7[%add3A_64, %dma_wait3A_93] : memref<40x128xi32, #tpu.memory_space<vmem>> -> memref<1x128xi32, #tpu.memory_space<vmem>>
        %dma_wait3A_95 = tpu.memref_squeeze %dma_wait3A_94 : memref<1x128xi32, #tpu.memory_space<vmem>> -> memref<128xi32, #tpu.memory_space<vmem>>
        %dma_wait3A_96 = arith.constant 0 : i32
        %dma_wait3A_97 = arith.constant 0 : i32
        %dma_wait3A_98 = tpu.memref_slice %arg10[%dma_wait3A_96, %dma_wait3A_97] : memref<10112x128xf32, #tpu.memory_space<vmem_shared>> -> memref<10112x128xf32, #tpu.memory_space<vmem_shared>>
        tpu.wait_indirect_dma semaphore(%run_scoped3A : memref<!tpu.dma_semaphore, #tpu.memory_space<semaphore_mem>>) src(%arg9 : memref<128x128xf32, #tpu.memory_space<vmem>>) dst(%dma_wait3A_98 : memref<10112x128xf32, #tpu.memory_space<vmem_shared>>)
        tpu.yield
      }) : () -> ()
      %scan3A_86 = arith.constant 0 : i32
      scf.yield %scan3A_86 : i32
    }
    %scan3A_39 = arith.constant 20 : i32
    "tpu.region"() ({
      %run_scoped3A = tpu.sem_alloc : memref<!tpu.dma_semaphore, #tpu.memory_space<semaphore_mem>>
      %dma_start3A_59 = arith.constant 40 : i32
      %dma_start3A_60 = arith.constant 0 : i32
      %dma_start3A_61 = tpu.memref_slice %arg3[%add3A, %dma_start3A_59, %dma_start3A_60] : memref<32x80x128xi32, #tpu.memory_space<hbm>> -> memref<1x40x128xi32, #tpu.memory_space<hbm>>
      %dma_start3A_62 = tpu.memref_squeeze %dma_start3A_61 : memref<1x40x128xi32, #tpu.memory_space<hbm>> -> memref<40x128xi32, #tpu.memory_space<hbm>>
      %dma_start3A_63 = arith.constant 40 : i32
      %dma_start3A_64 = arith.constant 0 : i32
      %dma_start3A_65 = tpu.memref_slice %arg3[%add3A, %dma_start3A_63, %dma_start3A_64] : memref<32x80x128xi32, #tpu.memory_space<hbm>> -> memref<1x40x128xi32, #tpu.memory_space<hbm>>
      %dma_start3A_66 = tpu.memref_squeeze %dma_start3A_65 : memref<1x40x128xi32, #tpu.memory_space<hbm>> -> memref<40x128xi32, #tpu.memory_space<hbm>>
      tpu.enqueue_dma source(%dma_start3A_66 : memref<40x128xi32, #tpu.memory_space<hbm>>) target(%arg6 : memref<40x128xi32, #tpu.memory_space<vmem>>) target_semaphore(%run_scoped3A : memref<!tpu.dma_semaphore, #tpu.memory_space<semaphore_mem>>)
      %dma_wait3A = arith.constant 40 : i32
      %dma_wait3A_67 = arith.constant 0 : i32
      %dma_wait3A_68 = tpu.memref_slice %arg3[%add3A, %dma_wait3A, %dma_wait3A_67] : memref<32x80x128xi32, #tpu.memory_space<hbm>> -> memref<1x40x128xi32, #tpu.memory_space<hbm>>
      %dma_wait3A_69 = tpu.memref_squeeze %dma_wait3A_68 : memref<1x40x128xi32, #tpu.memory_space<hbm>> -> memref<40x128xi32, #tpu.memory_space<hbm>>
      %dma_wait3A_70 = arith.constant 40 : i32
      %dma_wait3A_71 = arith.constant 0 : i32
      %dma_wait3A_72 = tpu.memref_slice %arg3[%add3A, %dma_wait3A_70, %dma_wait3A_71] : memref<32x80x128xi32, #tpu.memory_space<hbm>> -> memref<1x40x128xi32, #tpu.memory_space<hbm>>
      %dma_wait3A_73 = tpu.memref_squeeze %dma_wait3A_72 : memref<1x40x128xi32, #tpu.memory_space<hbm>> -> memref<40x128xi32, #tpu.memory_space<hbm>>
      tpu.wait_dma2 semaphore(%run_scoped3A : memref<!tpu.dma_semaphore, #tpu.memory_space<semaphore_mem>>) src(%dma_wait3A_73 : memref<40x128xi32, #tpu.memory_space<hbm>>) dst(%arg6 : memref<40x128xi32, #tpu.memory_space<vmem>>)
      tpu.yield
    }) : () -> ()
    "tpu.region"() ({
      %run_scoped3A = tpu.sem_alloc : memref<!tpu.dma_semaphore, #tpu.memory_space<semaphore_mem>>
      %dma_start3A_59 = arith.constant 40 : i32
      %dma_start3A_60 = arith.constant 0 : i32
      %dma_start3A_61 = tpu.memref_slice %arg4[%add3A, %dma_start3A_59, %dma_start3A_60] : memref<32x80x128xi32, #tpu.memory_space<hbm>> -> memref<1x40x128xi32, #tpu.memory_space<hbm>>
      %dma_start3A_62 = tpu.memref_squeeze %dma_start3A_61 : memref<1x40x128xi32, #tpu.memory_space<hbm>> -> memref<40x128xi32, #tpu.memory_space<hbm>>
      %dma_start3A_63 = arith.constant 40 : i32
      %dma_start3A_64 = arith.constant 0 : i32
      %dma_start3A_65 = tpu.memref_slice %arg4[%add3A, %dma_start3A_63, %dma_start3A_64] : memref<32x80x128xi32, #tpu.memory_space<hbm>> -> memref<1x40x128xi32, #tpu.memory_space<hbm>>
      %dma_start3A_66 = tpu.memref_squeeze %dma_start3A_65 : memref<1x40x128xi32, #tpu.memory_space<hbm>> -> memref<40x128xi32, #tpu.memory_space<hbm>>
      tpu.enqueue_dma source(%dma_start3A_66 : memref<40x128xi32, #tpu.memory_space<hbm>>) target(%arg7 : memref<40x128xi32, #tpu.memory_space<vmem>>) target_semaphore(%run_scoped3A : memref<!tpu.dma_semaphore, #tpu.memory_space<semaphore_mem>>)
      %dma_wait3A = arith.constant 40 : i32
      %dma_wait3A_67 = arith.constant 0 : i32
      %dma_wait3A_68 = tpu.memref_slice %arg4[%add3A, %dma_wait3A, %dma_wait3A_67] : memref<32x80x128xi32, #tpu.memory_space<hbm>> -> memref<1x40x128xi32, #tpu.memory_space<hbm>>
      %dma_wait3A_69 = tpu.memref_squeeze %dma_wait3A_68 : memref<1x40x128xi32, #tpu.memory_space<hbm>> -> memref<40x128xi32, #tpu.memory_space<hbm>>
      %dma_wait3A_70 = arith.constant 40 : i32
      %dma_wait3A_71 = arith.constant 0 : i32
      %dma_wait3A_72 = tpu.memref_slice %arg4[%add3A, %dma_wait3A_70, %dma_wait3A_71] : memref<32x80x128xi32, #tpu.memory_space<hbm>> -> memref<1x40x128xi32, #tpu.memory_space<hbm>>
      %dma_wait3A_73 = tpu.memref_squeeze %dma_wait3A_72 : memref<1x40x128xi32, #tpu.memory_space<hbm>> -> memref<40x128xi32, #tpu.memory_space<hbm>>
      tpu.wait_dma2 semaphore(%run_scoped3A : memref<!tpu.dma_semaphore, #tpu.memory_space<semaphore_mem>>) src(%dma_wait3A_73 : memref<40x128xi32, #tpu.memory_space<hbm>>) dst(%arg7 : memref<40x128xi32, #tpu.memory_space<vmem>>)
      tpu.yield
    }) : () -> ()
    %dma_start3A_40 = arith.constant 0 : i32
    %dma_start3A_41 = arith.constant 0 : i32
    %dma_start3A_42 = tpu.memref_slice %arg6[%dma_start3A_40, %dma_start3A_41] : memref<40x128xi32, #tpu.memory_space<vmem>> -> memref<1x128xi32, #tpu.memory_space<vmem>>
    %dma_start3A_43 = tpu.memref_squeeze %dma_start3A_42 : memref<1x128xi32, #tpu.memory_space<vmem>> -> memref<128xi32, #tpu.memory_space<vmem>>
    %dma_start3A_44 = arith.constant 0 : i32
    %dma_start3A_45 = arith.constant 0 : i32
    %dma_start3A_46 = tpu.memref_slice %arg2[%dma_start3A_44, %dma_start3A_45] : memref<10000x128xf32, #tpu.memory_space<hbm>> -> memref<10000x128xf32, #tpu.memory_space<hbm>>
    tpu.enqueue_indirect_dma source(%dma_start3A_46 : memref<10000x128xf32, #tpu.memory_space<hbm>>) target(%arg8 : memref<128x128xf32, #tpu.memory_space<vmem>>) offsets(%dma_start3A_43 : memref<128xi32, #tpu.memory_space<vmem>>) semaphore(%arg11 : memref<!tpu.dma_semaphore, #tpu.memory_space<semaphore_mem>>)
    %scan3A_47 = arith.constant 0 : i32
    %scan3A_48 = arith.constant 0 : i32
    %scan3A_49 = arith.constant 20 : i32
    %scan3A_50 = arith.addi %scan3A_48, %scan3A_49 : i32
    %scan3A_51 = arith.constant 1 : i32
    %scan3A_52 = scf.for %scan3A_59 = %scan3A_48 to %scan3A_50 step %scan3A_51 iter_args(%scan3A_60 = %scan3A_47) -> (i32)  : i32 {
      %mul3A_61 = arith.constant 2 : i32
      %mul3A_62 = arith.muli %mul3A_61, %scan3A_59 : i32
      %add3A_63 = arith.constant 1 : i32
      %add3A_64 = arith.addi %mul3A_62, %add3A_63 : i32
      %dma_start3A_65 = arith.constant 0 : i32
      %dma_start3A_66 = tpu.memref_slice %arg6[%add3A_64, %dma_start3A_65] : memref<40x128xi32, #tpu.memory_space<vmem>> -> memref<1x128xi32, #tpu.memory_space<vmem>>
      %dma_start3A_67 = tpu.memref_squeeze %dma_start3A_66 : memref<1x128xi32, #tpu.memory_space<vmem>> -> memref<128xi32, #tpu.memory_space<vmem>>
      %dma_start3A_68 = arith.constant 0 : i32
      %dma_start3A_69 = arith.constant 0 : i32
      %dma_start3A_70 = tpu.memref_slice %arg2[%dma_start3A_68, %dma_start3A_69] : memref<10000x128xf32, #tpu.memory_space<hbm>> -> memref<10000x128xf32, #tpu.memory_space<hbm>>
      tpu.enqueue_indirect_dma source(%dma_start3A_70 : memref<10000x128xf32, #tpu.memory_space<hbm>>) target(%arg9 : memref<128x128xf32, #tpu.memory_space<vmem>>) offsets(%dma_start3A_67 : memref<128xi32, #tpu.memory_space<vmem>>) semaphore(%arg12 : memref<!tpu.dma_semaphore, #tpu.memory_space<semaphore_mem>>)
      %dma_wait3A = arith.constant 0 : i32
      %dma_wait3A_71 = tpu.memref_slice %arg6[%mul3A_62, %dma_wait3A] : memref<40x128xi32, #tpu.memory_space<vmem>> -> memref<1x128xi32, #tpu.memory_space<vmem>>
      %dma_wait3A_72 = tpu.memref_squeeze %dma_wait3A_71 : memref<1x128xi32, #tpu.memory_space<vmem>> -> memref<128xi32, #tpu.memory_space<vmem>>
      %dma_wait3A_73 = arith.constant 0 : i32
      %dma_wait3A_74 = arith.constant 0 : i32
      %dma_wait3A_75 = tpu.memref_slice %arg2[%dma_wait3A_73, %dma_wait3A_74] : memref<10000x128xf32, #tpu.memory_space<hbm>> -> memref<10000x128xf32, #tpu.memory_space<hbm>>
      tpu.wait_indirect_dma semaphore(%arg11 : memref<!tpu.dma_semaphore, #tpu.memory_space<semaphore_mem>>) src(%dma_wait3A_75 : memref<10000x128xf32, #tpu.memory_space<hbm>>) dst(%arg8 : memref<128x128xf32, #tpu.memory_space<vmem>>)
      "tpu.region"() ({
        %run_scoped3A = tpu.sem_alloc : memref<!tpu.dma_semaphore, #tpu.memory_space<semaphore_mem>>
        %dma_start3A_87 = arith.constant 0 : i32
        %dma_start3A_88 = tpu.memref_slice %arg7[%mul3A_62, %dma_start3A_87] : memref<40x128xi32, #tpu.memory_space<vmem>> -> memref<1x128xi32, #tpu.memory_space<vmem>>
        %dma_start3A_89 = tpu.memref_squeeze %dma_start3A_88 : memref<1x128xi32, #tpu.memory_space<vmem>> -> memref<128xi32, #tpu.memory_space<vmem>>
        %dma_start3A_90 = arith.constant 0 : i32
        %dma_start3A_91 = arith.constant 0 : i32
        %dma_start3A_92 = tpu.memref_slice %arg10[%dma_start3A_90, %dma_start3A_91] : memref<10112x128xf32, #tpu.memory_space<vmem_shared>> -> memref<10112x128xf32, #tpu.memory_space<vmem_shared>>
        tpu.enqueue_indirect_dma source(%arg8 : memref<128x128xf32, #tpu.memory_space<vmem>>) target(%dma_start3A_92 : memref<10112x128xf32, #tpu.memory_space<vmem_shared>>) offsets(%dma_start3A_89 : memref<128xi32, #tpu.memory_space<vmem>>) semaphore(%run_scoped3A : memref<!tpu.dma_semaphore, #tpu.memory_space<semaphore_mem>>) {add = true}
        %dma_wait3A_93 = arith.constant 0 : i32
        %dma_wait3A_94 = tpu.memref_slice %arg7[%mul3A_62, %dma_wait3A_93] : memref<40x128xi32, #tpu.memory_space<vmem>> -> memref<1x128xi32, #tpu.memory_space<vmem>>
        %dma_wait3A_95 = tpu.memref_squeeze %dma_wait3A_94 : memref<1x128xi32, #tpu.memory_space<vmem>> -> memref<128xi32, #tpu.memory_space<vmem>>
        %dma_wait3A_96 = arith.constant 0 : i32
        %dma_wait3A_97 = arith.constant 0 : i32
        %dma_wait3A_98 = tpu.memref_slice %arg10[%dma_wait3A_96, %dma_wait3A_97] : memref<10112x128xf32, #tpu.memory_space<vmem_shared>> -> memref<10112x128xf32, #tpu.memory_space<vmem_shared>>
        tpu.wait_indirect_dma semaphore(%run_scoped3A : memref<!tpu.dma_semaphore, #tpu.memory_space<semaphore_mem>>) src(%arg8 : memref<128x128xf32, #tpu.memory_space<vmem>>) dst(%dma_wait3A_98 : memref<10112x128xf32, #tpu.memory_space<vmem_shared>>)
        tpu.yield
      }) : () -> ()
      %add3A_76 = arith.constant 2 : i32
      %add3A_77 = arith.addi %mul3A_62, %add3A_76 : i32
      %lt3A = arith.constant 40 : i32
      %lt3A_78 = arith.cmpi slt, %add3A_77, %lt3A : i32
      %convert_element_type3A = arith.extui %lt3A_78 : i1 to i32
      %cond3A = arith.constant 0 : i32
      %cond3A_79 = arith.cmpi ne, %convert_element_type3A, %cond3A : i32
      scf.if %cond3A_79 {
        %add3A_87 = arith.constant 2 : i32
        %add3A_88 = arith.addi %mul3A_62, %add3A_87 : i32
        %dma_start3A_89 = arith.constant 0 : i32
        %dma_start3A_90 = tpu.memref_slice %arg6[%add3A_88, %dma_start3A_89] : memref<40x128xi32, #tpu.memory_space<vmem>> -> memref<1x128xi32, #tpu.memory_space<vmem>>
        %dma_start3A_91 = tpu.memref_squeeze %dma_start3A_90 : memref<1x128xi32, #tpu.memory_space<vmem>> -> memref<128xi32, #tpu.memory_space<vmem>>
        %dma_start3A_92 = arith.constant 0 : i32
        %dma_start3A_93 = arith.constant 0 : i32
        %dma_start3A_94 = tpu.memref_slice %arg2[%dma_start3A_92, %dma_start3A_93] : memref<10000x128xf32, #tpu.memory_space<hbm>> -> memref<10000x128xf32, #tpu.memory_space<hbm>>
        tpu.enqueue_indirect_dma source(%dma_start3A_94 : memref<10000x128xf32, #tpu.memory_space<hbm>>) target(%arg8 : memref<128x128xf32, #tpu.memory_space<vmem>>) offsets(%dma_start3A_91 : memref<128xi32, #tpu.memory_space<vmem>>) semaphore(%arg11 : memref<!tpu.dma_semaphore, #tpu.memory_space<semaphore_mem>>)
      } else {
      }
      %dma_wait3A_80 = arith.constant 0 : i32
      %dma_wait3A_81 = tpu.memref_slice %arg6[%add3A_64, %dma_wait3A_80] : memref<40x128xi32, #tpu.memory_space<vmem>> -> memref<1x128xi32, #tpu.memory_space<vmem>>
      %dma_wait3A_82 = tpu.memref_squeeze %dma_wait3A_81 : memref<1x128xi32, #tpu.memory_space<vmem>> -> memref<128xi32, #tpu.memory_space<vmem>>
      %dma_wait3A_83 = arith.constant 0 : i32
      %dma_wait3A_84 = arith.constant 0 : i32
      %dma_wait3A_85 = tpu.memref_slice %arg2[%dma_wait3A_83, %dma_wait3A_84] : memref<10000x128xf32, #tpu.memory_space<hbm>> -> memref<10000x128xf32, #tpu.memory_space<hbm>>
      tpu.wait_indirect_dma semaphore(%arg12 : memref<!tpu.dma_semaphore, #tpu.memory_space<semaphore_mem>>) src(%dma_wait3A_85 : memref<10000x128xf32, #tpu.memory_space<hbm>>) dst(%arg9 : memref<128x128xf32, #tpu.memory_space<vmem>>)
      "tpu.region"() ({
        %run_scoped3A = tpu.sem_alloc : memref<!tpu.dma_semaphore, #tpu.memory_space<semaphore_mem>>
        %dma_start3A_87 = arith.constant 0 : i32
        %dma_start3A_88 = tpu.memref_slice %arg7[%add3A_64, %dma_start3A_87] : memref<40x128xi32, #tpu.memory_space<vmem>> -> memref<1x128xi32, #tpu.memory_space<vmem>>
        %dma_start3A_89 = tpu.memref_squeeze %dma_start3A_88 : memref<1x128xi32, #tpu.memory_space<vmem>> -> memref<128xi32, #tpu.memory_space<vmem>>
        %dma_start3A_90 = arith.constant 0 : i32
        %dma_start3A_91 = arith.constant 0 : i32
        %dma_start3A_92 = tpu.memref_slice %arg10[%dma_start3A_90, %dma_start3A_91] : memref<10112x128xf32, #tpu.memory_space<vmem_shared>> -> memref<10112x128xf32, #tpu.memory_space<vmem_shared>>
        tpu.enqueue_indirect_dma source(%arg9 : memref<128x128xf32, #tpu.memory_space<vmem>>) target(%dma_start3A_92 : memref<10112x128xf32, #tpu.memory_space<vmem_shared>>) offsets(%dma_start3A_89 : memref<128xi32, #tpu.memory_space<vmem>>) semaphore(%run_scoped3A : memref<!tpu.dma_semaphore, #tpu.memory_space<semaphore_mem>>) {add = true}
        %dma_wait3A_93 = arith.constant 0 : i32
        %dma_wait3A_94 = tpu.memref_slice %arg7[%add3A_64, %dma_wait3A_93] : memref<40x128xi32, #tpu.memory_space<vmem>> -> memref<1x128xi32, #tpu.memory_space<vmem>>
        %dma_wait3A_95 = tpu.memref_squeeze %dma_wait3A_94 : memref<1x128xi32, #tpu.memory_space<vmem>> -> memref<128xi32, #tpu.memory_space<vmem>>
        %dma_wait3A_96 = arith.constant 0 : i32
        %dma_wait3A_97 = arith.constant 0 : i32
        %dma_wait3A_98 = tpu.memref_slice %arg10[%dma_wait3A_96, %dma_wait3A_97] : memref<10112x128xf32, #tpu.memory_space<vmem_shared>> -> memref<10112x128xf32, #tpu.memory_space<vmem_shared>>
        tpu.wait_indirect_dma semaphore(%run_scoped3A : memref<!tpu.dma_semaphore, #tpu.memory_space<semaphore_mem>>) src(%arg9 : memref<128x128xf32, #tpu.memory_space<vmem>>) dst(%dma_wait3A_98 : memref<10112x128xf32, #tpu.memory_space<vmem_shared>>)
        tpu.yield
      }) : () -> ()
      %scan3A_86 = arith.constant 0 : i32
      scf.yield %scan3A_86 : i32
    }
    %scan3A_53 = arith.constant 20 : i32
    %barrier3A_54 = arith.constant 0 : index
    tpu.barrier barrier_id(%barrier3A_54)
    %mul3A_55 = arith.constant 632 : i32
    %mul3A_56 = arith.muli %arg1, %mul3A_55 : i32
    %mul3A_57 = arith.constant 632 : i32
    %mul3A_58 = arith.muli %arg1, %mul3A_57 : i32
    "tpu.region"() ({
      %run_scoped3A = tpu.sem_alloc : memref<!tpu.dma_semaphore, #tpu.memory_space<semaphore_mem>>
      %dma_start3A_59 = arith.constant 0 : i32
      %dma_start3A_60 = tpu.memref_slice %arg5[%arg0, %mul3A_58, %dma_start3A_59] : memref<2x10112x128xf32, #tpu.memory_space<hbm>> -> memref<1x632x128xf32, #tpu.memory_space<hbm>>
      %dma_start3A_61 = tpu.memref_squeeze %dma_start3A_60 : memref<1x632x128xf32, #tpu.memory_space<hbm>> -> memref<632x128xf32, #tpu.memory_space<hbm>>
      %dma_start3A_62 = arith.constant 0 : i32
      %dma_start3A_63 = tpu.memref_slice %arg10[%mul3A_56, %dma_start3A_62] : memref<10112x128xf32, #tpu.memory_space<vmem_shared>> -> memref<632x128xf32, #tpu.memory_space<vmem_shared>>
      tpu.enqueue_dma source(%dma_start3A_63 : memref<632x128xf32, #tpu.memory_space<vmem_shared>>) target(%dma_start3A_61 : memref<632x128xf32, #tpu.memory_space<hbm>>) target_semaphore(%run_scoped3A : memref<!tpu.dma_semaphore, #tpu.memory_space<semaphore_mem>>)
      %dma_wait3A = arith.constant 0 : i32
      %dma_wait3A_64 = tpu.memref_slice %arg5[%arg0, %mul3A_58, %dma_wait3A] : memref<2x10112x128xf32, #tpu.memory_space<hbm>> -> memref<1x632x128xf32, #tpu.memory_space<hbm>>
      %dma_wait3A_65 = tpu.memref_squeeze %dma_wait3A_64 : memref<1x632x128xf32, #tpu.memory_space<hbm>> -> memref<632x128xf32, #tpu.memory_space<hbm>>
      %dma_wait3A_66 = arith.constant 0 : i32
      %dma_wait3A_67 = tpu.memref_slice %arg10[%mul3A_56, %dma_wait3A_66] : memref<10112x128xf32, #tpu.memory_space<vmem_shared>> -> memref<632x128xf32, #tpu.memory_space<vmem_shared>>
      tpu.wait_dma2 semaphore(%run_scoped3A : memref<!tpu.dma_semaphore, #tpu.memory_space<semaphore_mem>>) src(%dma_wait3A_67 : memref<632x128xf32, #tpu.memory_space<vmem_shared>>) dst(%dma_wait3A_65 : memref<632x128xf32, #tpu.memory_space<hbm>>)
      tpu.yield
    }) : () -> ()
    return
  }
}

#map = affine_map<(d0, d1) -> (0, 0)>
#map1 = affine_map<(d0, d1) -> (0, 0, 0)>
module attributes {stable_mosaic.version = 14 : i64} {
  func.func @scatter_kernel(%arg0: i32, %arg1: i32, %arg2: memref<10000x128xf32, #tpu.memory_space<hbm>>, %arg3: memref<32x80x128xi32, #tpu.memory_space<hbm>>, %arg4: memref<32x80x128xi32, #tpu.memory_space<hbm>>, %arg5: memref<2x10112x128xf32, #tpu.memory_space<hbm>>, %arg6: memref<40x128xi32, #tpu.memory_space<vmem>>, %arg7: memref<40x128xi32, #tpu.memory_space<vmem>>, %arg8: memref<128x128xf32, #tpu.memory_space<vmem>>, %arg9: memref<128x128xf32, #tpu.memory_space<vmem>>, %arg10: memref<10112x128xf32, #tpu.memory_space<vmem_shared>>, %arg11: memref<!tpu.dma_semaphore, #tpu.memory_space<semaphore_mem>>, %arg12: memref<!tpu.dma_semaphore, #tpu.memory_space<semaphore_mem>>) attributes {dimension_semantics = [#tpu.dimension_semantics<core_parallel>, #tpu.dimension_semantics<subcore_parallel>], iteration_bounds = array<i64: 2, 16>, scalar_prefetch = 0 : i64, scratch_operands = 7 : i64, tpu.core_type = #tpu.core_type<sc_vector_subcore>, window_params = [{transform_indices = #map}, {transform_indices = #map1}, {transform_indices = #map1}, {transform_indices = #map1}]} {
    %mul3A = arith.constant 16 : i32
    %mul3A_0 = arith.muli %arg0, %mul3A : i32
    %add3A = arith.addi %mul3A_0, %arg1 : i32
    %scan3A = arith.constant 0 : i32
    %scan3A_1 = arith.constant 0 : i32
    %scan3A_2 = arith.constant 128 : i32
    %scan3A_3 = arith.addi %scan3A_1, %scan3A_2 : i32
    %scan3A_4 = arith.constant 1 : i32
    %scan3A_5 = scf.for %scan3A_59 = %scan3A_1 to %scan3A_3 step %scan3A_4 iter_args(%scan3A_60 = %scan3A) -> (i32)  : i32 {
      %scan3A_61 = arith.constant 0 : i32
      %scan3A_62 = arith.constant 0 : i32
      %scan3A_63 = arith.constant 8 : i32
      %scan3A_64 = arith.addi %scan3A_62, %scan3A_63 : i32
      %scan3A_65 = arith.constant 1 : i32
      %scan3A_66 = scf.for %scan3A_69 = %scan3A_62 to %scan3A_64 step %scan3A_65 iter_args(%scan3A_70 = %scan3A_61) -> (i32)  : i32 {
        %broadcast_in_dim3A = arith.constant 0.000000e+00 : f32
        %broadcast_in_dim3A_71 = vector.broadcast %broadcast_in_dim3A : f32 to vector<16xf32>
        %mul3A_72 = arith.constant 16 : i32
        %mul3A_73 = arith.muli %scan3A_69, %mul3A_72 : i32
        %swap3A = arith.index_cast %scan3A_59 : i32 to index
        %swap3A_74 = arith.index_cast %mul3A_73 : i32 to index
        %swap3A_75 = tpu.vector_load %arg8[%swap3A, %swap3A_74] {strides = array<i32>} : memref<128x128xf32, #tpu.memory_space<vmem>>, vector<1x16xf32>,
        %swap3A_76 = vector.shape_cast %swap3A_75 : vector<1x16xf32> to vector<16xf32>
        %swap3A_77 = vector.shape_cast %broadcast_in_dim3A_71 : vector<16xf32> to vector<1x16xf32>
        tpu.vector_store %arg8[%swap3A, %swap3A_74], %swap3A_77 {strides = array<i32>} : memref<128x128xf32, #tpu.memory_space<vmem>>, vector<1x16xf32>,
        %scan3A_78 = arith.constant 0 : i32
        scf.yield %scan3A_78 : i32
      }
      %scan3A_67 = arith.constant 8 : i32
      %scan3A_68 = arith.constant 0 : i32
      scf.yield %scan3A_68 : i32
    }
    %scan3A_6 = arith.constant 128 : i32
    %mul3A_7 = arith.constant 632 : i32
    %mul3A_8 = arith.muli %arg1, %mul3A_7 : i32
    %add3A_9 = arith.constant 0 : i32
    %add3A_10 = arith.addi %mul3A_8, %add3A_9 : i32
    "tpu.region"() ({
      %run_scoped3A = tpu.sem_alloc : memref<!tpu.dma_semaphore, #tpu.memory_space<semaphore_mem>>
      %dma_start3A_59 = arith.constant 0 : i32
      %dma_start3A_60 = arith.constant 0 : i32
      %dma_start3A_61 = tpu.memref_slice %arg8[%dma_start3A_59, %dma_start3A_60] : memref<128x128xf32, #tpu.memory_space<vmem>> -> memref<128x128xf32, #tpu.memory_space<vmem>>
      %dma_start3A_62 = arith.constant 0 : i32
      %dma_start3A_63 = tpu.memref_slice %arg10[%add3A_10, %dma_start3A_62] : memref<10112x128xf32, #tpu.memory_space<vmem_shared>> -> memref<128x128xf32, #tpu.memory_space<vmem_shared>>
      %dma_start3A_64 = arith.constant 0 : i32
      %dma_start3A_65 = tpu.memref_slice %arg10[%add3A_10, %dma_start3A_64] : memref<10112x128xf32, #tpu.memory_space<vmem_shared>> -> memref<128x128xf32, #tpu.memory_space<vmem_shared>>
      %dma_start3A_66 = arith.constant 0 : i32
      %dma_start3A_67 = arith.constant 0 : i32
      %dma_start3A_68 = tpu.memref_slice %arg8[%dma_start3A_66, %dma_start3A_67] : memref<128x128xf32, #tpu.memory_space<vmem>> -> memref<128x128xf32, #tpu.memory_space<vmem>>
      tpu.enqueue_dma source(%dma_start3A_68 : memref<128x128xf32, #tpu.memory_space<vmem>>) target(%dma_start3A_65 : memref<128x128xf32, #tpu.memory_space<vmem_shared>>) target_semaphore(%run_scoped3A : memref<!tpu.dma_semaphore, #tpu.memory_space<semaphore_mem>>)
      %dma_wait3A = arith.constant 0 : i32
      %dma_wait3A_69 = arith.constant 0 : i32
      %dma_wait3A_70 = tpu.memref_slice %arg8[%dma_wait3A, %dma_wait3A_69] : memref<128x128xf32, #tpu.memory_space<vmem>> -> memref<128x128xf32, #tpu.memory_space<vmem>>
      %dma_wait3A_71 = arith.constant 0 : i32
      %dma_wait3A_72 = tpu.memref_slice %arg10[%add3A_10, %dma_wait3A_71] : memref<10112x128xf32, #tpu.memory_space<vmem_shared>> -> memref<128x128xf32, #tpu.memory_space<vmem_shared>>
      %dma_wait3A_73 = arith.constant 0 : i32
      %dma_wait3A_74 = tpu.memref_slice %arg10[%add3A_10, %dma_wait3A_73] : memref<10112x128xf32, #tpu.memory_space<vmem_shared>> -> memref<128x128xf32, #tpu.memory_space<vmem_shared>>
      %dma_wait3A_75 = arith.constant 0 : i32
      %dma_wait3A_76 = arith.constant 0 : i32
      %dma_wait3A_77 = tpu.memref_slice %arg8[%dma_wait3A_75, %dma_wait3A_76] : memref<128x128xf32, #tpu.memory_space<vmem>> -> memref<128x128xf32, #tpu.memory_space<vmem>>
      tpu.wait_dma2 semaphore(%run_scoped3A : memref<!tpu.dma_semaphore, #tpu.memory_space<semaphore_mem>>) src(%dma_wait3A_77 : memref<128x128xf32, #tpu.memory_space<vmem>>) dst(%dma_wait3A_74 : memref<128x128xf32, #tpu.memory_space<vmem_shared>>)
      tpu.yield
    }) : () -> ()
    %mul3A_11 = arith.constant 632 : i32
    %mul3A_12 = arith.muli %arg1, %mul3A_11 : i32
    %add3A_13 = arith.constant 128 : i32
    %add3A_14 = arith.addi %mul3A_12, %add3A_13 : i32
    "tpu.region"() ({
      %run_scoped3A = tpu.sem_alloc : memref<!tpu.dma_semaphore, #tpu.memory_space<semaphore_mem>>
      %dma_start3A_59 = arith.constant 0 : i32
      %dma_start3A_60 = arith.constant 0 : i32
      %dma_start3A_61 = tpu.memref_slice %arg8[%dma_start3A_59, %dma_start3A_60] : memref<128x128xf32, #tpu.memory_space<vmem>> -> memref<128x128xf32, #tpu.memory_space<vmem>>
      %dma_start3A_62 = arith.constant 0 : i32
      %dma_start3A_63 = tpu.memref_slice %arg10[%add3A_14, %dma_start3A_62] : memref<10112x128xf32, #tpu.memory_space<vmem_shared>> -> memref<128x128xf32, #tpu.memory_space<vmem_shared>>
      %dma_start3A_64 = arith.constant 0 : i32
      %dma_start3A_65 = tpu.memref_slice %arg10[%add3A_14, %dma_start3A_64] : memref<10112x128xf32, #tpu.memory_space<vmem_shared>> -> memref<128x128xf32, #tpu.memory_space<vmem_shared>>
      %dma_start3A_66 = arith.constant 0 : i32
      %dma_start3A_67 = arith.constant 0 : i32
      %dma_start3A_68 = tpu.memref_slice %arg8[%dma_start3A_66, %dma_start3A_67] : memref<128x128xf32, #tpu.memory_space<vmem>> -> memref<128x128xf32, #tpu.memory_space<vmem>>
      tpu.enqueue_dma source(%dma_start3A_68 : memref<128x128xf32, #tpu.memory_space<vmem>>) target(%dma_start3A_65 : memref<128x128xf32, #tpu.memory_space<vmem_shared>>) target_semaphore(%run_scoped3A : memref<!tpu.dma_semaphore, #tpu.memory_space<semaphore_mem>>)
      %dma_wait3A = arith.constant 0 : i32
      %dma_wait3A_69 = arith.constant 0 : i32
      %dma_wait3A_70 = tpu.memref_slice %arg8[%dma_wait3A, %dma_wait3A_69] : memref<128x128xf32, #tpu.memory_space<vmem>> -> memref<128x128xf32, #tpu.memory_space<vmem>>
      %dma_wait3A_71 = arith.constant 0 : i32
      %dma_wait3A_72 = tpu.memref_slice %arg10[%add3A_14, %dma_wait3A_71] : memref<10112x128xf32, #tpu.memory_space<vmem_shared>> -> memref<128x128xf32, #tpu.memory_space<vmem_shared>>
      %dma_wait3A_73 = arith.constant 0 : i32
      %dma_wait3A_74 = tpu.memref_slice %arg10[%add3A_14, %dma_wait3A_73] : memref<10112x128xf32, #tpu.memory_space<vmem_shared>> -> memref<128x128xf32, #tpu.memory_space<vmem_shared>>
      %dma_wait3A_75 = arith.constant 0 : i32
      %dma_wait3A_76 = arith.constant 0 : i32
      %dma_wait3A_77 = tpu.memref_slice %arg8[%dma_wait3A_75, %dma_wait3A_76] : memref<128x128xf32, #tpu.memory_space<vmem>> -> memref<128x128xf32, #tpu.memory_space<vmem>>
      tpu.wait_dma2 semaphore(%run_scoped3A : memref<!tpu.dma_semaphore, #tpu.memory_space<semaphore_mem>>) src(%dma_wait3A_77 : memref<128x128xf32, #tpu.memory_space<vmem>>) dst(%dma_wait3A_74 : memref<128x128xf32, #tpu.memory_space<vmem_shared>>)
      tpu.yield
    }) : () -> ()
    %mul3A_15 = arith.constant 632 : i32
    %mul3A_16 = arith.muli %arg1, %mul3A_15 : i32
    %add3A_17 = arith.constant 256 : i32
    %add3A_18 = arith.addi %mul3A_16, %add3A_17 : i32
    "tpu.region"() ({
      %run_scoped3A = tpu.sem_alloc : memref<!tpu.dma_semaphore, #tpu.memory_space<semaphore_mem>>
      %dma_start3A_59 = arith.constant 0 : i32
      %dma_start3A_60 = arith.constant 0 : i32
      %dma_start3A_61 = tpu.memref_slice %arg8[%dma_start3A_59, %dma_start3A_60] : memref<128x128xf32, #tpu.memory_space<vmem>> -> memref<128x128xf32, #tpu.memory_space<vmem>>
      %dma_start3A_62 = arith.constant 0 : i32
      %dma_start3A_63 = tpu.memref_slice %arg10[%add3A_18, %dma_start3A_62] : memref<10112x128xf32, #tpu.memory_space<vmem_shared>> -> memref<128x128xf32, #tpu.memory_space<vmem_shared>>
      %dma_start3A_64 = arith.constant 0 : i32
      %dma_start3A_65 = tpu.memref_slice %arg10[%add3A_18, %dma_start3A_64] : memref<10112x128xf32, #tpu.memory_space<vmem_shared>> -> memref<128x128xf32, #tpu.memory_space<vmem_shared>>
      %dma_start3A_66 = arith.constant 0 : i32
      %dma_start3A_67 = arith.constant 0 : i32
      %dma_start3A_68 = tpu.memref_slice %arg8[%dma_start3A_66, %dma_start3A_67] : memref<128x128xf32, #tpu.memory_space<vmem>> -> memref<128x128xf32, #tpu.memory_space<vmem>>
      tpu.enqueue_dma source(%dma_start3A_68 : memref<128x128xf32, #tpu.memory_space<vmem>>) target(%dma_start3A_65 : memref<128x128xf32, #tpu.memory_space<vmem_shared>>) target_semaphore(%run_scoped3A : memref<!tpu.dma_semaphore, #tpu.memory_space<semaphore_mem>>)
      %dma_wait3A = arith.constant 0 : i32
      %dma_wait3A_69 = arith.constant 0 : i32
      %dma_wait3A_70 = tpu.memref_slice %arg8[%dma_wait3A, %dma_wait3A_69] : memref<128x128xf32, #tpu.memory_space<vmem>> -> memref<128x128xf32, #tpu.memory_space<vmem>>
      %dma_wait3A_71 = arith.constant 0 : i32
      %dma_wait3A_72 = tpu.memref_slice %arg10[%add3A_18, %dma_wait3A_71] : memref<10112x128xf32, #tpu.memory_space<vmem_shared>> -> memref<128x128xf32, #tpu.memory_space<vmem_shared>>
      %dma_wait3A_73 = arith.constant 0 : i32
      %dma_wait3A_74 = tpu.memref_slice %arg10[%add3A_18, %dma_wait3A_73] : memref<10112x128xf32, #tpu.memory_space<vmem_shared>> -> memref<128x128xf32, #tpu.memory_space<vmem_shared>>
      %dma_wait3A_75 = arith.constant 0 : i32
      %dma_wait3A_76 = arith.constant 0 : i32
      %dma_wait3A_77 = tpu.memref_slice %arg8[%dma_wait3A_75, %dma_wait3A_76] : memref<128x128xf32, #tpu.memory_space<vmem>> -> memref<128x128xf32, #tpu.memory_space<vmem>>
      tpu.wait_dma2 semaphore(%run_scoped3A : memref<!tpu.dma_semaphore, #tpu.memory_space<semaphore_mem>>) src(%dma_wait3A_77 : memref<128x128xf32, #tpu.memory_space<vmem>>) dst(%dma_wait3A_74 : memref<128x128xf32, #tpu.memory_space<vmem_shared>>)
      tpu.yield
    }) : () -> ()
    %mul3A_19 = arith.constant 632 : i32
    %mul3A_20 = arith.muli %arg1, %mul3A_19 : i32
    %add3A_21 = arith.constant 384 : i32
    %add3A_22 = arith.addi %mul3A_20, %add3A_21 : i32
    "tpu.region"() ({
      %run_scoped3A = tpu.sem_alloc : memref<!tpu.dma_semaphore, #tpu.memory_space<semaphore_mem>>
      %dma_start3A_59 = arith.constant 0 : i32
      %dma_start3A_60 = arith.constant 0 : i32
      %dma_start3A_61 = tpu.memref_slice %arg8[%dma_start3A_59, %dma_start3A_60] : memref<128x128xf32, #tpu.memory_space<vmem>> -> memref<128x128xf32, #tpu.memory_space<vmem>>
      %dma_start3A_62 = arith.constant 0 : i32
      %dma_start3A_63 = tpu.memref_slice %arg10[%add3A_22, %dma_start3A_62] : memref<10112x128xf32, #tpu.memory_space<vmem_shared>> -> memref<128x128xf32, #tpu.memory_space<vmem_shared>>
      %dma_start3A_64 = arith.constant 0 : i32
      %dma_start3A_65 = tpu.memref_slice %arg10[%add3A_22, %dma_start3A_64] : memref<10112x128xf32, #tpu.memory_space<vmem_shared>> -> memref<128x128xf32, #tpu.memory_space<vmem_shared>>
      %dma_start3A_66 = arith.constant 0 : i32
      %dma_start3A_67 = arith.constant 0 : i32
      %dma_start3A_68 = tpu.memref_slice %arg8[%dma_start3A_66, %dma_start3A_67] : memref<128x128xf32, #tpu.memory_space<vmem>> -> memref<128x128xf32, #tpu.memory_space<vmem>>
      tpu.enqueue_dma source(%dma_start3A_68 : memref<128x128xf32, #tpu.memory_space<vmem>>) target(%dma_start3A_65 : memref<128x128xf32, #tpu.memory_space<vmem_shared>>) target_semaphore(%run_scoped3A : memref<!tpu.dma_semaphore, #tpu.memory_space<semaphore_mem>>)
      %dma_wait3A = arith.constant 0 : i32
      %dma_wait3A_69 = arith.constant 0 : i32
      %dma_wait3A_70 = tpu.memref_slice %arg8[%dma_wait3A, %dma_wait3A_69] : memref<128x128xf32, #tpu.memory_space<vmem>> -> memref<128x128xf32, #tpu.memory_space<vmem>>
      %dma_wait3A_71 = arith.constant 0 : i32
      %dma_wait3A_72 = tpu.memref_slice %arg10[%add3A_22, %dma_wait3A_71] : memref<10112x128xf32, #tpu.memory_space<vmem_shared>> -> memref<128x128xf32, #tpu.memory_space<vmem_shared>>
      %dma_wait3A_73 = arith.constant 0 : i32
      %dma_wait3A_74 = tpu.memref_slice %arg10[%add3A_22, %dma_wait3A_73] : memref<10112x128xf32, #tpu.memory_space<vmem_shared>> -> memref<128x128xf32, #tpu.memory_space<vmem_shared>>
      %dma_wait3A_75 = arith.constant 0 : i32
      %dma_wait3A_76 = arith.constant 0 : i32
      %dma_wait3A_77 = tpu.memref_slice %arg8[%dma_wait3A_75, %dma_wait3A_76] : memref<128x128xf32, #tpu.memory_space<vmem>> -> memref<128x128xf32, #tpu.memory_space<vmem>>
      tpu.wait_dma2 semaphore(%run_scoped3A : memref<!tpu.dma_semaphore, #tpu.memory_space<semaphore_mem>>) src(%dma_wait3A_77 : memref<128x128xf32, #tpu.memory_space<vmem>>) dst(%dma_wait3A_74 : memref<128x128xf32, #tpu.memory_space<vmem_shared>>)
      tpu.yield
    }) : () -> ()
    %mul3A_23 = arith.constant 632 : i32
    %mul3A_24 = arith.muli %arg1, %mul3A_23 : i32
    %add3A_25 = arith.constant 512 : i32
    %add3A_26 = arith.addi %mul3A_24, %add3A_25 : i32
    "tpu.region"() ({
      %run_scoped3A = tpu.sem_alloc : memref<!tpu.dma_semaphore, #tpu.memory_space<semaphore_mem>>
      %dma_start3A_59 = arith.constant 0 : i32
      %dma_start3A_60 = arith.constant 0 : i32
      %dma_start3A_61 = tpu.memref_slice %arg8[%dma_start3A_59, %dma_start3A_60] : memref<128x128xf32, #tpu.memory_space<vmem>> -> memref<120x128xf32, #tpu.memory_space<vmem>>
      %dma_start3A_62 = arith.constant 0 : i32
      %dma_start3A_63 = tpu.memref_slice %arg10[%add3A_26, %dma_start3A_62] : memref<10112x128xf32, #tpu.memory_space<vmem_shared>> -> memref<120x128xf32, #tpu.memory_space<vmem_shared>>
      %dma_start3A_64 = arith.constant 0 : i32
      %dma_start3A_65 = tpu.memref_slice %arg10[%add3A_26, %dma_start3A_64] : memref<10112x128xf32, #tpu.memory_space<vmem_shared>> -> memref<120x128xf32, #tpu.memory_space<vmem_shared>>
      %dma_start3A_66 = arith.constant 0 : i32
      %dma_start3A_67 = arith.constant 0 : i32
      %dma_start3A_68 = tpu.memref_slice %arg8[%dma_start3A_66, %dma_start3A_67] : memref<128x128xf32, #tpu.memory_space<vmem>> -> memref<120x128xf32, #tpu.memory_space<vmem>>
      tpu.enqueue_dma source(%dma_start3A_68 : memref<120x128xf32, #tpu.memory_space<vmem>>) target(%dma_start3A_65 : memref<120x128xf32, #tpu.memory_space<vmem_shared>>) target_semaphore(%run_scoped3A : memref<!tpu.dma_semaphore, #tpu.memory_space<semaphore_mem>>)
      %dma_wait3A = arith.constant 0 : i32
      %dma_wait3A_69 = arith.constant 0 : i32
      %dma_wait3A_70 = tpu.memref_slice %arg8[%dma_wait3A, %dma_wait3A_69] : memref<128x128xf32, #tpu.memory_space<vmem>> -> memref<120x128xf32, #tpu.memory_space<vmem>>
      %dma_wait3A_71 = arith.constant 0 : i32
      %dma_wait3A_72 = tpu.memref_slice %arg10[%add3A_26, %dma_wait3A_71] : memref<10112x128xf32, #tpu.memory_space<vmem_shared>> -> memref<120x128xf32, #tpu.memory_space<vmem_shared>>
      %dma_wait3A_73 = arith.constant 0 : i32
      %dma_wait3A_74 = tpu.memref_slice %arg10[%add3A_26, %dma_wait3A_73] : memref<10112x128xf32, #tpu.memory_space<vmem_shared>> -> memref<120x128xf32, #tpu.memory_space<vmem_shared>>
      %dma_wait3A_75 = arith.constant 0 : i32
      %dma_wait3A_76 = arith.constant 0 : i32
      %dma_wait3A_77 = tpu.memref_slice %arg8[%dma_wait3A_75, %dma_wait3A_76] : memref<128x128xf32, #tpu.memory_space<vmem>> -> memref<120x128xf32, #tpu.memory_space<vmem>>
      tpu.wait_dma2 semaphore(%run_scoped3A : memref<!tpu.dma_semaphore, #tpu.memory_space<semaphore_mem>>) src(%dma_wait3A_77 : memref<120x128xf32, #tpu.memory_space<vmem>>) dst(%dma_wait3A_74 : memref<120x128xf32, #tpu.memory_space<vmem_shared>>)
      tpu.yield
    }) : () -> ()
    %barrier3A = arith.constant 0 : index
    tpu.barrier barrier_id(%barrier3A)
    "tpu.region"() ({
      %run_scoped3A = tpu.sem_alloc : memref<!tpu.dma_semaphore, #tpu.memory_space<semaphore_mem>>
      %dma_start3A_59 = arith.constant 0 : i32
      %dma_start3A_60 = arith.constant 0 : i32
      %dma_start3A_61 = tpu.memref_slice %arg3[%add3A, %dma_start3A_59, %dma_start3A_60] : memref<32x80x128xi32, #tpu.memory_space<hbm>> -> memref<1x40x128xi32, #tpu.memory_space<hbm>>
      %dma_start3A_62 = tpu.memref_squeeze %dma_start3A_61 : memref<1x40x128xi32, #tpu.memory_space<hbm>> -> memref<40x128xi32, #tpu.memory_space<hbm>>
      %dma_start3A_63 = arith.constant 0 : i32
      %dma_start3A_64 = arith.constant 0 : i32
      %dma_start3A_65 = tpu.memref_slice %arg3[%add3A, %dma_start3A_63, %dma_start3A_64] : memref<32x80x128xi32, #tpu.memory_space<hbm>> -> memref<1x40x128xi32, #tpu.memory_space<hbm>>
      %dma_start3A_66 = tpu.memref_squeeze %dma_start3A_65 : memref<1x40x128xi32, #tpu.memory_space<hbm>> -> memref<40x128xi32, #tpu.memory_space<hbm>>
      tpu.enqueue_dma source(%dma_start3A_66 : memref<40x128xi32, #tpu.memory_space<hbm>>) target(%arg6 : memref<40x128xi32, #tpu.memory_space<vmem>>) target_semaphore(%run_scoped3A : memref<!tpu.dma_semaphore, #tpu.memory_space<semaphore_mem>>)
      %dma_wait3A = arith.constant 0 : i32
      %dma_wait3A_67 = arith.constant 0 : i32
      %dma_wait3A_68 = tpu.memref_slice %arg3[%add3A, %dma_wait3A, %dma_wait3A_67] : memref<32x80x128xi32, #tpu.memory_space<hbm>> -> memref<1x40x128xi32, #tpu.memory_space<hbm>>
      %dma_wait3A_69 = tpu.memref_squeeze %dma_wait3A_68 : memref<1x40x128xi32, #tpu.memory_space<hbm>> -> memref<40x128xi32, #tpu.memory_space<hbm>>
      %dma_wait3A_70 = arith.constant 0 : i32
      %dma_wait3A_71 = arith.constant 0 : i32
      %dma_wait3A_72 = tpu.memref_slice %arg3[%add3A, %dma_wait3A_70, %dma_wait3A_71] : memref<32x80x128xi32, #tpu.memory_space<hbm>> -> memref<1x40x128xi32, #tpu.memory_space<hbm>>
      %dma_wait3A_73 = tpu.memref_squeeze %dma_wait3A_72 : memref<1x40x128xi32, #tpu.memory_space<hbm>> -> memref<40x128xi32, #tpu.memory_space<hbm>>
      tpu.wait_dma2 semaphore(%run_scoped3A : memref<!tpu.dma_semaphore, #tpu.memory_space<semaphore_mem>>) src(%dma_wait3A_73 : memref<40x128xi32, #tpu.memory_space<hbm>>) dst(%arg6 : memref<40x128xi32, #tpu.memory_space<vmem>>)
      tpu.yield
    }) : () -> ()
    "tpu.region"() ({
      %run_scoped3A = tpu.sem_alloc : memref<!tpu.dma_semaphore, #tpu.memory_space<semaphore_mem>>
      %dma_start3A_59 = arith.constant 0 : i32
      %dma_start3A_60 = arith.constant 0 : i32
      %dma_start3A_61 = tpu.memref_slice %arg4[%add3A, %dma_start3A_59, %dma_start3A_60] : memref<32x80x128xi32, #tpu.memory_space<hbm>> -> memref<1x40x128xi32, #tpu.memory_space<hbm>>
      %dma_start3A_62 = tpu.memref_squeeze %dma_start3A_61 : memref<1x40x128xi32, #tpu.memory_space<hbm>> -> memref<40x128xi32, #tpu.memory_space<hbm>>
      %dma_start3A_63 = arith.constant 0 : i32
      %dma_start3A_64 = arith.constant 0 : i32
      %dma_start3A_65 = tpu.memref_slice %arg4[%add3A, %dma_start3A_63, %dma_start3A_64] : memref<32x80x128xi32, #tpu.memory_space<hbm>> -> memref<1x40x128xi32, #tpu.memory_space<hbm>>
      %dma_start3A_66 = tpu.memref_squeeze %dma_start3A_65 : memref<1x40x128xi32, #tpu.memory_space<hbm>> -> memref<40x128xi32, #tpu.memory_space<hbm>>
      tpu.enqueue_dma source(%dma_start3A_66 : memref<40x128xi32, #tpu.memory_space<hbm>>) target(%arg7 : memref<40x128xi32, #tpu.memory_space<vmem>>) target_semaphore(%run_scoped3A : memref<!tpu.dma_semaphore, #tpu.memory_space<semaphore_mem>>)
      %dma_wait3A = arith.constant 0 : i32
      %dma_wait3A_67 = arith.constant 0 : i32
      %dma_wait3A_68 = tpu.memref_slice %arg4[%add3A, %dma_wait3A, %dma_wait3A_67] : memref<32x80x128xi32, #tpu.memory_space<hbm>> -> memref<1x40x128xi32, #tpu.memory_space<hbm>>
      %dma_wait3A_69 = tpu.memref_squeeze %dma_wait3A_68 : memref<1x40x128xi32, #tpu.memory_space<hbm>> -> memref<40x128xi32, #tpu.memory_space<hbm>>
      %dma_wait3A_70 = arith.constant 0 : i32
      %dma_wait3A_71 = arith.constant 0 : i32
      %dma_wait3A_72 = tpu.memref_slice %arg4[%add3A, %dma_wait3A_70, %dma_wait3A_71] : memref<32x80x128xi32, #tpu.memory_space<hbm>> -> memref<1x40x128xi32, #tpu.memory_space<hbm>>
      %dma_wait3A_73 = tpu.memref_squeeze %dma_wait3A_72 : memref<1x40x128xi32, #tpu.memory_space<hbm>> -> memref<40x128xi32, #tpu.memory_space<hbm>>
      tpu.wait_dma2 semaphore(%run_scoped3A : memref<!tpu.dma_semaphore, #tpu.memory_space<semaphore_mem>>) src(%dma_wait3A_73 : memref<40x128xi32, #tpu.memory_space<hbm>>) dst(%arg7 : memref<40x128xi32, #tpu.memory_space<vmem>>)
      tpu.yield
    }) : () -> ()
    %dma_start3A = arith.constant 0 : i32
    %dma_start3A_27 = arith.constant 0 : i32
    %dma_start3A_28 = tpu.memref_slice %arg6[%dma_start3A, %dma_start3A_27] : memref<40x128xi32, #tpu.memory_space<vmem>> -> memref<1x128xi32, #tpu.memory_space<vmem>>
    %dma_start3A_29 = tpu.memref_squeeze %dma_start3A_28 : memref<1x128xi32, #tpu.memory_space<vmem>> -> memref<128xi32, #tpu.memory_space<vmem>>
    %dma_start3A_30 = arith.constant 0 : i32
    %dma_start3A_31 = arith.constant 0 : i32
    %dma_start3A_32 = tpu.memref_slice %arg2[%dma_start3A_30, %dma_start3A_31] : memref<10000x128xf32, #tpu.memory_space<hbm>> -> memref<10000x128xf32, #tpu.memory_space<hbm>>
    tpu.enqueue_indirect_dma source(%dma_start3A_32 : memref<10000x128xf32, #tpu.memory_space<hbm>>) target(%arg8 : memref<128x128xf32, #tpu.memory_space<vmem>>) offsets(%dma_start3A_29 : memref<128xi32, #tpu.memory_space<vmem>>) semaphore(%arg11 : memref<!tpu.dma_semaphore, #tpu.memory_space<semaphore_mem>>)
    %scan3A_33 = arith.constant 0 : i32
    %scan3A_34 = arith.constant 0 : i32
    %scan3A_35 = arith.constant 20 : i32
    %scan3A_36 = arith.addi %scan3A_34, %scan3A_35 : i32
    %scan3A_37 = arith.constant 1 : i32
    %scan3A_38 = scf.for %scan3A_59 = %scan3A_34 to %scan3A_36 step %scan3A_37 iter_args(%scan3A_60 = %scan3A_33) -> (i32)  : i32 {
      %mul3A_61 = arith.constant 2 : i32
      %mul3A_62 = arith.muli %mul3A_61, %scan3A_59 : i32
      %add3A_63 = arith.constant 1 : i32
      %add3A_64 = arith.addi %mul3A_62, %add3A_63 : i32
      %dma_start3A_65 = arith.constant 0 : i32
      %dma_start3A_66 = tpu.memref_slice %arg6[%add3A_64, %dma_start3A_65] : memref<40x128xi32, #tpu.memory_space<vmem>> -> memref<1x128xi32, #tpu.memory_space<vmem>>
      %dma_start3A_67 = tpu.memref_squeeze %dma_start3A_66 : memref<1x128xi32, #tpu.memory_space<vmem>> -> memref<128xi32, #tpu.memory_space<vmem>>
      %dma_start3A_68 = arith.constant 0 : i32
      %dma_start3A_69 = arith.constant 0 : i32
      %dma_start3A_70 = tpu.memref_slice %arg2[%dma_start3A_68, %dma_start3A_69] : memref<10000x128xf32, #tpu.memory_space<hbm>> -> memref<10000x128xf32, #tpu.memory_space<hbm>>
      tpu.enqueue_indirect_dma source(%dma_start3A_70 : memref<10000x128xf32, #tpu.memory_space<hbm>>) target(%arg9 : memref<128x128xf32, #tpu.memory_space<vmem>>) offsets(%dma_start3A_67 : memref<128xi32, #tpu.memory_space<vmem>>) semaphore(%arg12 : memref<!tpu.dma_semaphore, #tpu.memory_space<semaphore_mem>>)
      %dma_wait3A = arith.constant 0 : i32
      %dma_wait3A_71 = tpu.memref_slice %arg6[%mul3A_62, %dma_wait3A] : memref<40x128xi32, #tpu.memory_space<vmem>> -> memref<1x128xi32, #tpu.memory_space<vmem>>
      %dma_wait3A_72 = tpu.memref_squeeze %dma_wait3A_71 : memref<1x128xi32, #tpu.memory_space<vmem>> -> memref<128xi32, #tpu.memory_space<vmem>>
      %dma_wait3A_73 = arith.constant 0 : i32
      %dma_wait3A_74 = arith.constant 0 : i32
      %dma_wait3A_75 = tpu.memref_slice %arg2[%dma_wait3A_73, %dma_wait3A_74] : memref<10000x128xf32, #tpu.memory_space<hbm>> -> memref<10000x128xf32, #tpu.memory_space<hbm>>
      tpu.wait_indirect_dma semaphore(%arg11 : memref<!tpu.dma_semaphore, #tpu.memory_space<semaphore_mem>>) src(%dma_wait3A_75 : memref<10000x128xf32, #tpu.memory_space<hbm>>) dst(%arg8 : memref<128x128xf32, #tpu.memory_space<vmem>>)
      "tpu.region"() ({
        %run_scoped3A = tpu.sem_alloc : memref<!tpu.dma_semaphore, #tpu.memory_space<semaphore_mem>>
        %dma_start3A_87 = arith.constant 0 : i32
        %dma_start3A_88 = tpu.memref_slice %arg7[%mul3A_62, %dma_start3A_87] : memref<40x128xi32, #tpu.memory_space<vmem>> -> memref<1x128xi32, #tpu.memory_space<vmem>>
        %dma_start3A_89 = tpu.memref_squeeze %dma_start3A_88 : memref<1x128xi32, #tpu.memory_space<vmem>> -> memref<128xi32, #tpu.memory_space<vmem>>
        %dma_start3A_90 = arith.constant 0 : i32
        %dma_start3A_91 = arith.constant 0 : i32
        %dma_start3A_92 = tpu.memref_slice %arg10[%dma_start3A_90, %dma_start3A_91] : memref<10112x128xf32, #tpu.memory_space<vmem_shared>> -> memref<10112x128xf32, #tpu.memory_space<vmem_shared>>
        tpu.enqueue_indirect_dma source(%arg8 : memref<128x128xf32, #tpu.memory_space<vmem>>) target(%dma_start3A_92 : memref<10112x128xf32, #tpu.memory_space<vmem_shared>>) offsets(%dma_start3A_89 : memref<128xi32, #tpu.memory_space<vmem>>) semaphore(%run_scoped3A : memref<!tpu.dma_semaphore, #tpu.memory_space<semaphore_mem>>) {add = true}
        %dma_wait3A_93 = arith.constant 0 : i32
        %dma_wait3A_94 = tpu.memref_slice %arg7[%mul3A_62, %dma_wait3A_93] : memref<40x128xi32, #tpu.memory_space<vmem>> -> memref<1x128xi32, #tpu.memory_space<vmem>>
        %dma_wait3A_95 = tpu.memref_squeeze %dma_wait3A_94 : memref<1x128xi32, #tpu.memory_space<vmem>> -> memref<128xi32, #tpu.memory_space<vmem>>
        %dma_wait3A_96 = arith.constant 0 : i32
        %dma_wait3A_97 = arith.constant 0 : i32
        %dma_wait3A_98 = tpu.memref_slice %arg10[%dma_wait3A_96, %dma_wait3A_97] : memref<10112x128xf32, #tpu.memory_space<vmem_shared>> -> memref<10112x128xf32, #tpu.memory_space<vmem_shared>>
        tpu.wait_indirect_dma semaphore(%run_scoped3A : memref<!tpu.dma_semaphore, #tpu.memory_space<semaphore_mem>>) src(%arg8 : memref<128x128xf32, #tpu.memory_space<vmem>>) dst(%dma_wait3A_98 : memref<10112x128xf32, #tpu.memory_space<vmem_shared>>)
        tpu.yield
      }) : () -> ()
      %add3A_76 = arith.constant 2 : i32
      %add3A_77 = arith.addi %mul3A_62, %add3A_76 : i32
      %lt3A = arith.constant 40 : i32
      %lt3A_78 = arith.cmpi slt, %add3A_77, %lt3A : i32
      %convert_element_type3A = arith.extui %lt3A_78 : i1 to i32
      %cond3A = arith.constant 0 : i32
      %cond3A_79 = arith.cmpi ne, %convert_element_type3A, %cond3A : i32
      scf.if %cond3A_79 {
        %add3A_87 = arith.constant 2 : i32
        %add3A_88 = arith.addi %mul3A_62, %add3A_87 : i32
        %dma_start3A_89 = arith.constant 0 : i32
        %dma_start3A_90 = tpu.memref_slice %arg6[%add3A_88, %dma_start3A_89] : memref<40x128xi32, #tpu.memory_space<vmem>> -> memref<1x128xi32, #tpu.memory_space<vmem>>
        %dma_start3A_91 = tpu.memref_squeeze %dma_start3A_90 : memref<1x128xi32, #tpu.memory_space<vmem>> -> memref<128xi32, #tpu.memory_space<vmem>>
        %dma_start3A_92 = arith.constant 0 : i32
        %dma_start3A_93 = arith.constant 0 : i32
        %dma_start3A_94 = tpu.memref_slice %arg2[%dma_start3A_92, %dma_start3A_93] : memref<10000x128xf32, #tpu.memory_space<hbm>> -> memref<10000x128xf32, #tpu.memory_space<hbm>>
        tpu.enqueue_indirect_dma source(%dma_start3A_94 : memref<10000x128xf32, #tpu.memory_space<hbm>>) target(%arg8 : memref<128x128xf32, #tpu.memory_space<vmem>>) offsets(%dma_start3A_91 : memref<128xi32, #tpu.memory_space<vmem>>) semaphore(%arg11 : memref<!tpu.dma_semaphore, #tpu.memory_space<semaphore_mem>>)
      } else {
      }
      %dma_wait3A_80 = arith.constant 0 : i32
      %dma_wait3A_81 = tpu.memref_slice %arg6[%add3A_64, %dma_wait3A_80] : memref<40x128xi32, #tpu.memory_space<vmem>> -> memref<1x128xi32, #tpu.memory_space<vmem>>
      %dma_wait3A_82 = tpu.memref_squeeze %dma_wait3A_81 : memref<1x128xi32, #tpu.memory_space<vmem>> -> memref<128xi32, #tpu.memory_space<vmem>>
      %dma_wait3A_83 = arith.constant 0 : i32
      %dma_wait3A_84 = arith.constant 0 : i32
      %dma_wait3A_85 = tpu.memref_slice %arg2[%dma_wait3A_83, %dma_wait3A_84] : memref<10000x128xf32, #tpu.memory_space<hbm>> -> memref<10000x128xf32, #tpu.memory_space<hbm>>
      tpu.wait_indirect_dma semaphore(%arg12 : memref<!tpu.dma_semaphore, #tpu.memory_space<semaphore_mem>>) src(%dma_wait3A_85 : memref<10000x128xf32, #tpu.memory_space<hbm>>) dst(%arg9 : memref<128x128xf32, #tpu.memory_space<vmem>>)
      "tpu.region"() ({
        %run_scoped3A = tpu.sem_alloc : memref<!tpu.dma_semaphore, #tpu.memory_space<semaphore_mem>>
        %dma_start3A_87 = arith.constant 0 : i32
        %dma_start3A_88 = tpu.memref_slice %arg7[%add3A_64, %dma_start3A_87] : memref<40x128xi32, #tpu.memory_space<vmem>> -> memref<1x128xi32, #tpu.memory_space<vmem>>
        %dma_start3A_89 = tpu.memref_squeeze %dma_start3A_88 : memref<1x128xi32, #tpu.memory_space<vmem>> -> memref<128xi32, #tpu.memory_space<vmem>>
        %dma_start3A_90 = arith.constant 0 : i32
        %dma_start3A_91 = arith.constant 0 : i32
        %dma_start3A_92 = tpu.memref_slice %arg10[%dma_start3A_90, %dma_start3A_91] : memref<10112x128xf32, #tpu.memory_space<vmem_shared>> -> memref<10112x128xf32, #tpu.memory_space<vmem_shared>>
        tpu.enqueue_indirect_dma source(%arg9 : memref<128x128xf32, #tpu.memory_space<vmem>>) target(%dma_start3A_92 : memref<10112x128xf32, #tpu.memory_space<vmem_shared>>) offsets(%dma_start3A_89 : memref<128xi32, #tpu.memory_space<vmem>>) semaphore(%run_scoped3A : memref<!tpu.dma_semaphore, #tpu.memory_space<semaphore_mem>>) {add = true}
        %dma_wait3A_93 = arith.constant 0 : i32
        %dma_wait3A_94 = tpu.memref_slice %arg7[%add3A_64, %dma_wait3A_93] : memref<40x128xi32, #tpu.memory_space<vmem>> -> memref<1x128xi32, #tpu.memory_space<vmem>>
        %dma_wait3A_95 = tpu.memref_squeeze %dma_wait3A_94 : memref<1x128xi32, #tpu.memory_space<vmem>> -> memref<128xi32, #tpu.memory_space<vmem>>
        %dma_wait3A_96 = arith.constant 0 : i32
        %dma_wait3A_97 = arith.constant 0 : i32
        %dma_wait3A_98 = tpu.memref_slice %arg10[%dma_wait3A_96, %dma_wait3A_97] : memref<10112x128xf32, #tpu.memory_space<vmem_shared>> -> memref<10112x128xf32, #tpu.memory_space<vmem_shared>>
        tpu.wait_indirect_dma semaphore(%run_scoped3A : memref<!tpu.dma_semaphore, #tpu.memory_space<semaphore_mem>>) src(%arg9 : memref<128x128xf32, #tpu.memory_space<vmem>>) dst(%dma_wait3A_98 : memref<10112x128xf32, #tpu.memory_space<vmem_shared>>)
        tpu.yield
      }) : () -> ()
      %scan3A_86 = arith.constant 0 : i32
      scf.yield %scan3A_86 : i32
    }
    %scan3A_39 = arith.constant 20 : i32
    "tpu.region"() ({
      %run_scoped3A = tpu.sem_alloc : memref<!tpu.dma_semaphore, #tpu.memory_space<semaphore_mem>>
      %dma_start3A_59 = arith.constant 40 : i32
      %dma_start3A_60 = arith.constant 0 : i32
      %dma_start3A_61 = tpu.memref_slice %arg3[%add3A, %dma_start3A_59, %dma_start3A_60] : memref<32x80x128xi32, #tpu.memory_space<hbm>> -> memref<1x40x128xi32, #tpu.memory_space<hbm>>
      %dma_start3A_62 = tpu.memref_squeeze %dma_start3A_61 : memref<1x40x128xi32, #tpu.memory_space<hbm>> -> memref<40x128xi32, #tpu.memory_space<hbm>>
      %dma_start3A_63 = arith.constant 40 : i32
      %dma_start3A_64 = arith.constant 0 : i32
      %dma_start3A_65 = tpu.memref_slice %arg3[%add3A, %dma_start3A_63, %dma_start3A_64] : memref<32x80x128xi32, #tpu.memory_space<hbm>> -> memref<1x40x128xi32, #tpu.memory_space<hbm>>
      %dma_start3A_66 = tpu.memref_squeeze %dma_start3A_65 : memref<1x40x128xi32, #tpu.memory_space<hbm>> -> memref<40x128xi32, #tpu.memory_space<hbm>>
      tpu.enqueue_dma source(%dma_start3A_66 : memref<40x128xi32, #tpu.memory_space<hbm>>) target(%arg6 : memref<40x128xi32, #tpu.memory_space<vmem>>) target_semaphore(%run_scoped3A : memref<!tpu.dma_semaphore, #tpu.memory_space<semaphore_mem>>)
      %dma_wait3A = arith.constant 40 : i32
      %dma_wait3A_67 = arith.constant 0 : i32
      %dma_wait3A_68 = tpu.memref_slice %arg3[%add3A, %dma_wait3A, %dma_wait3A_67] : memref<32x80x128xi32, #tpu.memory_space<hbm>> -> memref<1x40x128xi32, #tpu.memory_space<hbm>>
      %dma_wait3A_69 = tpu.memref_squeeze %dma_wait3A_68 : memref<1x40x128xi32, #tpu.memory_space<hbm>> -> memref<40x128xi32, #tpu.memory_space<hbm>>
      %dma_wait3A_70 = arith.constant 40 : i32
      %dma_wait3A_71 = arith.constant 0 : i32
      %dma_wait3A_72 = tpu.memref_slice %arg3[%add3A, %dma_wait3A_70, %dma_wait3A_71] : memref<32x80x128xi32, #tpu.memory_space<hbm>> -> memref<1x40x128xi32, #tpu.memory_space<hbm>>
      %dma_wait3A_73 = tpu.memref_squeeze %dma_wait3A_72 : memref<1x40x128xi32, #tpu.memory_space<hbm>> -> memref<40x128xi32, #tpu.memory_space<hbm>>
      tpu.wait_dma2 semaphore(%run_scoped3A : memref<!tpu.dma_semaphore, #tpu.memory_space<semaphore_mem>>) src(%dma_wait3A_73 : memref<40x128xi32, #tpu.memory_space<hbm>>) dst(%arg6 : memref<40x128xi32, #tpu.memory_space<vmem>>)
      tpu.yield
    }) : () -> ()
    "tpu.region"() ({
      %run_scoped3A = tpu.sem_alloc : memref<!tpu.dma_semaphore, #tpu.memory_space<semaphore_mem>>
      %dma_start3A_59 = arith.constant 40 : i32
      %dma_start3A_60 = arith.constant 0 : i32
      %dma_start3A_61 = tpu.memref_slice %arg4[%add3A, %dma_start3A_59, %dma_start3A_60] : memref<32x80x128xi32, #tpu.memory_space<hbm>> -> memref<1x40x128xi32, #tpu.memory_space<hbm>>
      %dma_start3A_62 = tpu.memref_squeeze %dma_start3A_61 : memref<1x40x128xi32, #tpu.memory_space<hbm>> -> memref<40x128xi32, #tpu.memory_space<hbm>>
      %dma_start3A_63 = arith.constant 40 : i32
      %dma_start3A_64 = arith.constant 0 : i32
      %dma_start3A_65 = tpu.memref_slice %arg4[%add3A, %dma_start3A_63, %dma_start3A_64] : memref<32x80x128xi32, #tpu.memory_space<hbm>> -> memref<1x40x128xi32, #tpu.memory_space<hbm>>
      %dma_start3A_66 = tpu.memref_squeeze %dma_start3A_65 : memref<1x40x128xi32, #tpu.memory_space<hbm>> -> memref<40x128xi32, #tpu.memory_space<hbm>>
      tpu.enqueue_dma source(%dma_start3A_66 : memref<40x128xi32, #tpu.memory_space<hbm>>) target(%arg7 : memref<40x128xi32, #tpu.memory_space<vmem>>) target_semaphore(%run_scoped3A : memref<!tpu.dma_semaphore, #tpu.memory_space<semaphore_mem>>)
      %dma_wait3A = arith.constant 40 : i32
      %dma_wait3A_67 = arith.constant 0 : i32
      %dma_wait3A_68 = tpu.memref_slice %arg4[%add3A, %dma_wait3A, %dma_wait3A_67] : memref<32x80x128xi32, #tpu.memory_space<hbm>> -> memref<1x40x128xi32, #tpu.memory_space<hbm>>
      %dma_wait3A_69 = tpu.memref_squeeze %dma_wait3A_68 : memref<1x40x128xi32, #tpu.memory_space<hbm>> -> memref<40x128xi32, #tpu.memory_space<hbm>>
      %dma_wait3A_70 = arith.constant 40 : i32
      %dma_wait3A_71 = arith.constant 0 : i32
      %dma_wait3A_72 = tpu.memref_slice %arg4[%add3A, %dma_wait3A_70, %dma_wait3A_71] : memref<32x80x128xi32, #tpu.memory_space<hbm>> -> memref<1x40x128xi32, #tpu.memory_space<hbm>>
      %dma_wait3A_73 = tpu.memref_squeeze %dma_wait3A_72 : memref<1x40x128xi32, #tpu.memory_space<hbm>> -> memref<40x128xi32, #tpu.memory_space<hbm>>
      tpu.wait_dma2 semaphore(%run_scoped3A : memref<!tpu.dma_semaphore, #tpu.memory_space<semaphore_mem>>) src(%dma_wait3A_73 : memref<40x128xi32, #tpu.memory_space<hbm>>) dst(%arg7 : memref<40x128xi32, #tpu.memory_space<vmem>>)
      tpu.yield
    }) : () -> ()
    %dma_start3A_40 = arith.constant 0 : i32
    %dma_start3A_41 = arith.constant 0 : i32
    %dma_start3A_42 = tpu.memref_slice %arg6[%dma_start3A_40, %dma_start3A_41] : memref<40x128xi32, #tpu.memory_space<vmem>> -> memref<1x128xi32, #tpu.memory_space<vmem>>
    %dma_start3A_43 = tpu.memref_squeeze %dma_start3A_42 : memref<1x128xi32, #tpu.memory_space<vmem>> -> memref<128xi32, #tpu.memory_space<vmem>>
    %dma_start3A_44 = arith.constant 0 : i32
    %dma_start3A_45 = arith.constant 0 : i32
    %dma_start3A_46 = tpu.memref_slice %arg2[%dma_start3A_44, %dma_start3A_45] : memref<10000x128xf32, #tpu.memory_space<hbm>> -> memref<10000x128xf32, #tpu.memory_space<hbm>>
    tpu.enqueue_indirect_dma source(%dma_start3A_46 : memref<10000x128xf32, #tpu.memory_space<hbm>>) target(%arg8 : memref<128x128xf32, #tpu.memory_space<vmem>>) offsets(%dma_start3A_43 : memref<128xi32, #tpu.memory_space<vmem>>) semaphore(%arg11 : memref<!tpu.dma_semaphore, #tpu.memory_space<semaphore_mem>>)
    %scan3A_47 = arith.constant 0 : i32
    %scan3A_48 = arith.constant 0 : i32
    %scan3A_49 = arith.constant 20 : i32
    %scan3A_50 = arith.addi %scan3A_48, %scan3A_49 : i32
    %scan3A_51 = arith.constant 1 : i32
    %scan3A_52 = scf.for %scan3A_59 = %scan3A_48 to %scan3A_50 step %scan3A_51 iter_args(%scan3A_60 = %scan3A_47) -> (i32)  : i32 {
      %mul3A_61 = arith.constant 2 : i32
      %mul3A_62 = arith.muli %mul3A_61, %scan3A_59 : i32
      %add3A_63 = arith.constant 1 : i32
      %add3A_64 = arith.addi %mul3A_62, %add3A_63 : i32
      %dma_start3A_65 = arith.constant 0 : i32
      %dma_start3A_66 = tpu.memref_slice %arg6[%add3A_64, %dma_start3A_65] : memref<40x128xi32, #tpu.memory_space<vmem>> -> memref<1x128xi32, #tpu.memory_space<vmem>>
      %dma_start3A_67 = tpu.memref_squeeze %dma_start3A_66 : memref<1x128xi32, #tpu.memory_space<vmem>> -> memref<128xi32, #tpu.memory_space<vmem>>
      %dma_start3A_68 = arith.constant 0 : i32
      %dma_start3A_69 = arith.constant 0 : i32
      %dma_start3A_70 = tpu.memref_slice %arg2[%dma_start3A_68, %dma_start3A_69] : memref<10000x128xf32, #tpu.memory_space<hbm>> -> memref<10000x128xf32, #tpu.memory_space<hbm>>
      tpu.enqueue_indirect_dma source(%dma_start3A_70 : memref<10000x128xf32, #tpu.memory_space<hbm>>) target(%arg9 : memref<128x128xf32, #tpu.memory_space<vmem>>) offsets(%dma_start3A_67 : memref<128xi32, #tpu.memory_space<vmem>>) semaphore(%arg12 : memref<!tpu.dma_semaphore, #tpu.memory_space<semaphore_mem>>)
      %dma_wait3A = arith.constant 0 : i32
      %dma_wait3A_71 = tpu.memref_slice %arg6[%mul3A_62, %dma_wait3A] : memref<40x128xi32, #tpu.memory_space<vmem>> -> memref<1x128xi32, #tpu.memory_space<vmem>>
      %dma_wait3A_72 = tpu.memref_squeeze %dma_wait3A_71 : memref<1x128xi32, #tpu.memory_space<vmem>> -> memref<128xi32, #tpu.memory_space<vmem>>
      %dma_wait3A_73 = arith.constant 0 : i32
      %dma_wait3A_74 = arith.constant 0 : i32
      %dma_wait3A_75 = tpu.memref_slice %arg2[%dma_wait3A_73, %dma_wait3A_74] : memref<10000x128xf32, #tpu.memory_space<hbm>> -> memref<10000x128xf32, #tpu.memory_space<hbm>>
      tpu.wait_indirect_dma semaphore(%arg11 : memref<!tpu.dma_semaphore, #tpu.memory_space<semaphore_mem>>) src(%dma_wait3A_75 : memref<10000x128xf32, #tpu.memory_space<hbm>>) dst(%arg8 : memref<128x128xf32, #tpu.memory_space<vmem>>)
      "tpu.region"() ({
        %run_scoped3A = tpu.sem_alloc : memref<!tpu.dma_semaphore, #tpu.memory_space<semaphore_mem>>
        %dma_start3A_87 = arith.constant 0 : i32
        %dma_start3A_88 = tpu.memref_slice %arg7[%mul3A_62, %dma_start3A_87] : memref<40x128xi32, #tpu.memory_space<vmem>> -> memref<1x128xi32, #tpu.memory_space<vmem>>
        %dma_start3A_89 = tpu.memref_squeeze %dma_start3A_88 : memref<1x128xi32, #tpu.memory_space<vmem>> -> memref<128xi32, #tpu.memory_space<vmem>>
        %dma_start3A_90 = arith.constant 0 : i32
        %dma_start3A_91 = arith.constant 0 : i32
        %dma_start3A_92 = tpu.memref_slice %arg10[%dma_start3A_90, %dma_start3A_91] : memref<10112x128xf32, #tpu.memory_space<vmem_shared>> -> memref<10112x128xf32, #tpu.memory_space<vmem_shared>>
        tpu.enqueue_indirect_dma source(%arg8 : memref<128x128xf32, #tpu.memory_space<vmem>>) target(%dma_start3A_92 : memref<10112x128xf32, #tpu.memory_space<vmem_shared>>) offsets(%dma_start3A_89 : memref<128xi32, #tpu.memory_space<vmem>>) semaphore(%run_scoped3A : memref<!tpu.dma_semaphore, #tpu.memory_space<semaphore_mem>>) {add = true}
        %dma_wait3A_93 = arith.constant 0 : i32
        %dma_wait3A_94 = tpu.memref_slice %arg7[%mul3A_62, %dma_wait3A_93] : memref<40x128xi32, #tpu.memory_space<vmem>> -> memref<1x128xi32, #tpu.memory_space<vmem>>
        %dma_wait3A_95 = tpu.memref_squeeze %dma_wait3A_94 : memref<1x128xi32, #tpu.memory_space<vmem>> -> memref<128xi32, #tpu.memory_space<vmem>>
        %dma_wait3A_96 = arith.constant 0 : i32
        %dma_wait3A_97 = arith.constant 0 : i32
        %dma_wait3A_98 = tpu.memref_slice %arg10[%dma_wait3A_96, %dma_wait3A_97] : memref<10112x128xf32, #tpu.memory_space<vmem_shared>> -> memref<10112x128xf32, #tpu.memory_space<vmem_shared>>
        tpu.wait_indirect_dma semaphore(%run_scoped3A : memref<!tpu.dma_semaphore, #tpu.memory_space<semaphore_mem>>) src(%arg8 : memref<128x128xf32, #tpu.memory_space<vmem>>) dst(%dma_wait3A_98 : memref<10112x128xf32, #tpu.memory_space<vmem_shared>>)
        tpu.yield
      }) : () -> ()
      %add3A_76 = arith.constant 2 : i32
      %add3A_77 = arith.addi %mul3A_62, %add3A_76 : i32
      %lt3A = arith.constant 40 : i32
      %lt3A_78 = arith.cmpi slt, %add3A_77, %lt3A : i32
      %convert_element_type3A = arith.extui %lt3A_78 : i1 to i32
      %cond3A = arith.constant 0 : i32
      %cond3A_79 = arith.cmpi ne, %convert_element_type3A, %cond3A : i32
      scf.if %cond3A_79 {
        %add3A_87 = arith.constant 2 : i32
        %add3A_88 = arith.addi %mul3A_62, %add3A_87 : i32
        %dma_start3A_89 = arith.constant 0 : i32
        %dma_start3A_90 = tpu.memref_slice %arg6[%add3A_88, %dma_start3A_89] : memref<40x128xi32, #tpu.memory_space<vmem>> -> memref<1x128xi32, #tpu.memory_space<vmem>>
        %dma_start3A_91 = tpu.memref_squeeze %dma_start3A_90 : memref<1x128xi32, #tpu.memory_space<vmem>> -> memref<128xi32, #tpu.memory_space<vmem>>
        %dma_start3A_92 = arith.constant 0 : i32
        %dma_start3A_93 = arith.constant 0 : i32
        %dma_start3A_94 = tpu.memref_slice %arg2[%dma_start3A_92, %dma_start3A_93] : memref<10000x128xf32, #tpu.memory_space<hbm>> -> memref<10000x128xf32, #tpu.memory_space<hbm>>
        tpu.enqueue_indirect_dma source(%dma_start3A_94 : memref<10000x128xf32, #tpu.memory_space<hbm>>) target(%arg8 : memref<128x128xf32, #tpu.memory_space<vmem>>) offsets(%dma_start3A_91 : memref<128xi32, #tpu.memory_space<vmem>>) semaphore(%arg11 : memref<!tpu.dma_semaphore, #tpu.memory_space<semaphore_mem>>)
      } else {
      }
      %dma_wait3A_80 = arith.constant 0 : i32
      %dma_wait3A_81 = tpu.memref_slice %arg6[%add3A_64, %dma_wait3A_80] : memref<40x128xi32, #tpu.memory_space<vmem>> -> memref<1x128xi32, #tpu.memory_space<vmem>>
      %dma_wait3A_82 = tpu.memref_squeeze %dma_wait3A_81 : memref<1x128xi32, #tpu.memory_space<vmem>> -> memref<128xi32, #tpu.memory_space<vmem>>
      %dma_wait3A_83 = arith.constant 0 : i32
      %dma_wait3A_84 = arith.constant 0 : i32
      %dma_wait3A_85 = tpu.memref_slice %arg2[%dma_wait3A_83, %dma_wait3A_84] : memref<10000x128xf32, #tpu.memory_space<hbm>> -> memref<10000x128xf32, #tpu.memory_space<hbm>>
      tpu.wait_indirect_dma semaphore(%arg12 : memref<!tpu.dma_semaphore, #tpu.memory_space<semaphore_mem>>) src(%dma_wait3A_85 : memref<10000x128xf32, #tpu.memory_space<hbm>>) dst(%arg9 : memref<128x128xf32, #tpu.memory_space<vmem>>)
      "tpu.region"() ({
        %run_scoped3A = tpu.sem_alloc : memref<!tpu.dma_semaphore, #tpu.memory_space<semaphore_mem>>
        %dma_start3A_87 = arith.constant 0 : i32
        %dma_start3A_88 = tpu.memref_slice %arg7[%add3A_64, %dma_start3A_87] : memref<40x128xi32, #tpu.memory_space<vmem>> -> memref<1x128xi32, #tpu.memory_space<vmem>>
        %dma_start3A_89 = tpu.memref_squeeze %dma_start3A_88 : memref<1x128xi32, #tpu.memory_space<vmem>> -> memref<128xi32, #tpu.memory_space<vmem>>
        %dma_start3A_90 = arith.constant 0 : i32
        %dma_start3A_91 = arith.constant 0 : i32
        %dma_start3A_92 = tpu.memref_slice %arg10[%dma_start3A_90, %dma_start3A_91] : memref<10112x128xf32, #tpu.memory_space<vmem_shared>> -> memref<10112x128xf32, #tpu.memory_space<vmem_shared>>
        tpu.enqueue_indirect_dma source(%arg9 : memref<128x128xf32, #tpu.memory_space<vmem>>) target(%dma_start3A_92 : memref<10112x128xf32, #tpu.memory_space<vmem_shared>>) offsets(%dma_start3A_89 : memref<128xi32, #tpu.memory_space<vmem>>) semaphore(%run_scoped3A : memref<!tpu.dma_semaphore, #tpu.memory_space<semaphore_mem>>) {add = true}
        %dma_wait3A_93 = arith.constant 0 : i32
        %dma_wait3A_94 = tpu.memref_slice %arg7[%add3A_64, %dma_wait3A_93] : memref<40x128xi32, #tpu.memory_space<vmem>> -> memref<1x128xi32, #tpu.memory_space<vmem>>
        %dma_wait3A_95 = tpu.memref_squeeze %dma_wait3A_94 : memref<1x128xi32, #tpu.memory_space<vmem>> -> memref<128xi32, #tpu.memory_space<vmem>>
        %dma_wait3A_96 = arith.constant 0 : i32
        %dma_wait3A_97 = arith.constant 0 : i32
        %dma_wait3A_98 = tpu.memref_slice %arg10[%dma_wait3A_96, %dma_wait3A_97] : memref<10112x128xf32, #tpu.memory_space<vmem_shared>> -> memref<10112x128xf32, #tpu.memory_space<vmem_shared>>
        tpu.wait_indirect_dma semaphore(%run_scoped3A : memref<!tpu.dma_semaphore, #tpu.memory_space<semaphore_mem>>) src(%arg9 : memref<128x128xf32, #tpu.memory_space<vmem>>) dst(%dma_wait3A_98 : memref<10112x128xf32, #tpu.memory_space<vmem_shared>>)
        tpu.yield
      }) : () -> ()
      %scan3A_86 = arith.constant 0 : i32
      scf.yield %scan3A_86 : i32
    }
    %scan3A_53 = arith.constant 20 : i32
    %barrier3A_54 = arith.constant 0 : index
    tpu.barrier barrier_id(%barrier3A_54)
    %mul3A_55 = arith.constant 632 : i32
    %mul3A_56 = arith.muli %arg1, %mul3A_55 : i32
    %mul3A_57 = arith.constant 632 : i32
    %mul3A_58 = arith.muli %arg1, %mul3A_57 : i32
    "tpu.region"() ({
      %run_scoped3A = tpu.sem_alloc : memref<!tpu.dma_semaphore, #tpu.memory_space<semaphore_mem>>
      %dma_start3A_59 = arith.constant 0 : i32
      %dma_start3A_60 = tpu.memref_slice %arg5[%arg0, %mul3A_58, %dma_start3A_59] : memref<2x10112x128xf32, #tpu.memory_space<hbm>> -> memref<1x632x128xf32, #tpu.memory_space<hbm>>
      %dma_start3A_61 = tpu.memref_squeeze %dma_start3A_60 : memref<1x632x128xf32, #tpu.memory_space<hbm>> -> memref<632x128xf32, #tpu.memory_space<hbm>>
      %dma_start3A_62 = arith.constant 0 : i32
      %dma_start3A_63 = tpu.memref_slice %arg10[%mul3A_56, %dma_start3A_62] : memref<10112x128xf32, #tpu.memory_space<vmem_shared>> -> memref<632x128xf32, #tpu.memory_space<vmem_shared>>
      tpu.enqueue_dma source(%dma_start3A_63 : memref<632x128xf32, #tpu.memory_space<vmem_shared>>) target(%dma_start3A_61 : memref<632x128xf32, #tpu.memory_space<hbm>>) target_semaphore(%run_scoped3A : memref<!tpu.dma_semaphore, #tpu.memory_space<semaphore_mem>>)
      %dma_wait3A = arith.constant 0 : i32
      %dma_wait3A_64 = tpu.memref_slice %arg5[%arg0, %mul3A_58, %dma_wait3A] : memref<2x10112x128xf32, #tpu.memory_space<hbm>> -> memref<1x632x128xf32, #tpu.memory_space<hbm>>
      %dma_wait3A_65 = tpu.memref_squeeze %dma_wait3A_64 : memref<1x632x128xf32, #tpu.memory_space<hbm>> -> memref<632x128xf32, #tpu.memory_space<hbm>>
      %dma_wait3A_66 = arith.constant 0 : i32
      %dma_wait3A_67 = tpu.memref_slice %arg10[%mul3A_56, %dma_wait3A_66] : memref<10112x128xf32, #tpu.memory_space<vmem_shared>> -> memref<632x128xf32, #tpu.memory_space<vmem_shared>>
      tpu.wait_dma2 semaphore(%run_scoped3A : memref<!tpu.dma_semaphore, #tpu.memory_space<semaphore_mem>>) src(%dma_wait3A_67 : memref<632x128xf32, #tpu.memory_space<vmem_shared>>) dst(%dma_wait3A_65 : memref<632x128xf32, #tpu.memory_space<hbm>>)
      tpu.yield
    }) : () -> ()
    return
  }
}

module attributes {stable_mosaic.version = 14 : i64} {
  func.func @_scale_mm_body(%arg0: i32, %arg1: memref<2000x128xf32, #tpu.memory_space<vmem>>, %arg2: memref<128x128xf32, #tpu.memory_space<vmem>>, %arg3: memref<2x2000x16xf32, #tpu.memory_space<vmem>>, %arg4: memref<2000x128xf32, #tpu.memory_space<vmem>>) attributes {dimension_semantics = [#tpu.dimension_semantics<arbitrary>], iteration_bounds = array<i64: 5>, scalar_prefetch = 0 : i64, scratch_operands = 0 : i64, tpu.core_type = #tpu.core_type<tc>, window_params = [{transform_indices = @transform_0, window_bounds = array<i64: 2000, 128>}, {pipeline_mode = #tpu.pipeline_mode<synchronous>, transform_indices = @transform_1, window_bounds = array<i64: 128, 128>}, {transform_indices = @transform_2, window_bounds = array<i64: 2, 2000, 16>}, {transform_indices = @transform_3, window_bounds = array<i64: 2000, 128>}]} {
    %get3A = arith.constant 0 : index
    %get3A_0 = arith.constant 0 : index
    %get3A_1 = vector.load %arg1[%get3A, %get3A_0] : memref<2000x128xf32, #tpu.memory_space<vmem>>, vector<2000x128xf32>
    %get3A_2 = arith.constant 0 : index
    %get3A_3 = arith.constant 0 : index
    %get3A_4 = vector.load %arg2[%get3A_2, %get3A_3] : memref<128x128xf32, #tpu.memory_space<vmem>>, vector<128x128xf32>
    %dot_general3A = arith.constant dense<0.000000e+00> : vector<2000x128xf32>
    %dot_general3A_5 = tpu.matmul %get3A_1, %get3A_4, %dot_general3A {dimension_numbers = #tpu.dot_dimension_numbers<[1], [0], [0], [1], [0, 0, 1, 1], [], []>, transpose_lhs_hint = false} : vector<2000x128xf32>, vector<128x128xf32>, vector<2000x128xf32> -> vector<2000x128xf32>
    %get3A_6 = arith.constant 0 : index
    %get3A_7 = arith.constant 0 : index
    %get3A_8 = arith.constant 0 : index
    %get3A_9 = vector.load %arg3[%get3A_6, %get3A_7, %get3A_8] : memref<2x2000x16xf32, #tpu.memory_space<vmem>>, vector<1x2000x1xf32>
    %get3A_10 = vector.shape_cast %get3A_9 : vector<1x2000x1xf32> to vector<2000x1xf32>
    %get3A_11 = arith.constant 1 : index
    %get3A_12 = arith.constant 0 : index
    %get3A_13 = arith.constant 0 : index
    %get3A_14 = vector.load %arg3[%get3A_11, %get3A_12, %get3A_13] : memref<2x2000x16xf32, #tpu.memory_space<vmem>>, vector<1x2000x1xf32>
    %get3A_15 = vector.shape_cast %get3A_14 : vector<1x2000x1xf32> to vector<2000x1xf32>
    %add3A = arith.addf %get3A_10, %get3A_15 : vector<2000x1xf32>
    %add3A_16 = arith.constant 1.000000e+00 : f32
    %add3A_17 = vector.broadcast %add3A_16 : f32 to vector<2000x1xf32>
    %add3A_18 = arith.addf %add3A, %add3A_17 : vector<2000x1xf32>
    %rsqrt3A = math.rsqrt %add3A_18 : vector<2000x1xf32>
    %mul3A = vector.broadcast %rsqrt3A : vector<2000x1xf32> to vector<2000x128xf32>
    %mul3A_19 = arith.mulf %dot_general3A_5, %mul3A : vector<2000x128xf32>
    %swap3A = arith.constant 0 : index
    %swap3A_20 = arith.constant 0 : index
    %swap3A_21 = vector.load %arg4[%swap3A, %swap3A_20] : memref<2000x128xf32, #tpu.memory_space<vmem>>, vector<2000x128xf32>
    tpu.vector_store %arg4[%swap3A, %swap3A_20], %mul3A_19 {strides = array<i32>} : memref<2000x128xf32, #tpu.memory_space<vmem>>, vector<2000x128xf32>,
    return
  }
  func.func @transform_0(%arg0: i32) -> (i32, i32) {
    %c0_i32 = arith.constant 0 : i32
    %c0_i32_0 = arith.constant 0 : i32
    return %arg0, %c0_i32 : i32, i32
  }
  func.func @transform_1(%arg0: i32) -> (i32, i32) {
    %c0_i32 = arith.constant 0 : i32
    %c0_i32_0 = arith.constant 0 : i32
    %c0_i32_1 = arith.constant 0 : i32
    return %c0_i32, %c0_i32_0 : i32, i32
  }
  func.func @transform_2(%arg0: i32) -> (i32, i32, i32) {
    %c0_i32 = arith.constant 0 : i32
    %c0_i32_0 = arith.constant 0 : i32
    %c0_i32_1 = arith.constant 0 : i32
    return %c0_i32, %arg0, %c0_i32_0 : i32, i32, i32
  }
  func.func @transform_3(%arg0: i32) -> (i32, i32) {
    %c0_i32 = arith.constant 0 : i32
    %c0_i32_0 = arith.constant 0 : i32
    return %arg0, %c0_i32 : i32, i32
  }
}

module attributes {stable_mosaic.version = 14 : i64} {
  func.func @_layer_body(%arg0: i32, %arg1: memref<2x2000x128xf32, #tpu.memory_space<vmem>>, %arg2: memref<2000x128xf32, #tpu.memory_space<vmem>>, %arg3: memref<2x2000x16xf32, #tpu.memory_space<vmem>>, %arg4: memref<1x128xf32, #tpu.memory_space<vmem>>, %arg5: memref<128x128xf32, #tpu.memory_space<vmem>>, %arg6: memref<2000x128xf32, #tpu.memory_space<vmem>>) attributes {dimension_semantics = [#tpu.dimension_semantics<arbitrary>], iteration_bounds = array<i64: 5>, scalar_prefetch = 0 : i64, scratch_operands = 0 : i64, tpu.core_type = #tpu.core_type<tc>, window_params = [{transform_indices = @transform_0, window_bounds = array<i64: 2, 2000, 128>}, {transform_indices = @transform_1, window_bounds = array<i64: 2000, 128>}, {transform_indices = @transform_2, window_bounds = array<i64: 2, 2000, 16>}, {pipeline_mode = #tpu.pipeline_mode<synchronous>, transform_indices = @transform_3, window_bounds = array<i64: 1, 128>}, {pipeline_mode = #tpu.pipeline_mode<synchronous>, transform_indices = @transform_4, window_bounds = array<i64: 128, 128>}, {transform_indices = @transform_5, window_bounds = array<i64: 2000, 128>}]} {
    %get3A = arith.constant 0 : index
    %get3A_0 = arith.constant 0 : index
    %get3A_1 = arith.constant 0 : index
    %get3A_2 = vector.load %arg3[%get3A, %get3A_0, %get3A_1] : memref<2x2000x16xf32, #tpu.memory_space<vmem>>, vector<1x2000x1xf32>
    %get3A_3 = vector.shape_cast %get3A_2 : vector<1x2000x1xf32> to vector<2000x1xf32>
    %get3A_4 = arith.constant 1 : index
    %get3A_5 = arith.constant 0 : index
    %get3A_6 = arith.constant 0 : index
    %get3A_7 = vector.load %arg3[%get3A_4, %get3A_5, %get3A_6] : memref<2x2000x16xf32, #tpu.memory_space<vmem>>, vector<1x2000x1xf32>
    %get3A_8 = vector.shape_cast %get3A_7 : vector<1x2000x1xf32> to vector<2000x1xf32>
    %add3A = arith.addf %get3A_3, %get3A_8 : vector<2000x1xf32>
    %add3A_9 = arith.constant 1.000000e+00 : f32
    %add3A_10 = vector.broadcast %add3A_9 : f32 to vector<2000x1xf32>
    %add3A_11 = arith.addf %add3A, %add3A_10 : vector<2000x1xf32>
    %rsqrt3A = math.rsqrt %add3A_11 : vector<2000x1xf32>
    %get3A_12 = arith.constant 0 : index
    %get3A_13 = arith.constant 0 : index
    %get3A_14 = arith.constant 0 : index
    %get3A_15 = vector.load %arg1[%get3A_12, %get3A_13, %get3A_14] : memref<2x2000x128xf32, #tpu.memory_space<vmem>>, vector<1x2000x128xf32>
    %get3A_16 = vector.shape_cast %get3A_15 : vector<1x2000x128xf32> to vector<2000x128xf32>
    %get3A_17 = arith.constant 1 : index
    %get3A_18 = arith.constant 0 : index
    %get3A_19 = arith.constant 0 : index
    %get3A_20 = vector.load %arg1[%get3A_17, %get3A_18, %get3A_19] : memref<2x2000x128xf32, #tpu.memory_space<vmem>>, vector<1x2000x128xf32>
    %get3A_21 = vector.shape_cast %get3A_20 : vector<1x2000x128xf32> to vector<2000x128xf32>
    %add3A_22 = arith.addf %get3A_16, %get3A_21 : vector<2000x128xf32>
    %get3A_23 = arith.constant 0 : index
    %get3A_24 = arith.constant 0 : index
    %get3A_25 = vector.load %arg2[%get3A_23, %get3A_24] : memref<2000x128xf32, #tpu.memory_space<vmem>>, vector<2000x128xf32>
    %add3A_26 = arith.addf %add3A_22, %get3A_25 : vector<2000x128xf32>
    %mul3A = vector.broadcast %rsqrt3A : vector<2000x1xf32> to vector<2000x128xf32>
    %mul3A_27 = arith.mulf %mul3A, %add3A_26 : vector<2000x128xf32>
    %get3A_28 = arith.constant 0 : index
    %get3A_29 = arith.constant 0 : index
    %get3A_30 = vector.load %arg4[%get3A_28, %get3A_29] : memref<1x128xf32, #tpu.memory_space<vmem>>, vector<1x128xf32>
    %add3A_31 = vector.broadcast %get3A_30 : vector<1x128xf32> to vector<2000x128xf32>
    %add3A_32 = arith.addf %mul3A_27, %add3A_31 : vector<2000x128xf32>
    %max3A = arith.constant 0.000000e+00 : f32
    %max3A_33 = vector.broadcast %max3A : f32 to vector<2000x128xf32>
    %max3A_34 = arith.maximumf %add3A_32, %max3A_33 : vector<2000x128xf32>
    %get3A_35 = arith.constant 0 : index
    %get3A_36 = arith.constant 0 : index
    %get3A_37 = vector.load %arg5[%get3A_35, %get3A_36] : memref<128x128xf32, #tpu.memory_space<vmem>>, vector<128x128xf32>
    %dot_general3A = arith.constant dense<0.000000e+00> : vector<2000x128xf32>
    %dot_general3A_38 = tpu.matmul %max3A_34, %get3A_37, %dot_general3A {dimension_numbers = #tpu.dot_dimension_numbers<[1], [0], [0], [1], [0, 0, 1, 1], [], []>, transpose_lhs_hint = false} : vector<2000x128xf32>, vector<128x128xf32>, vector<2000x128xf32> -> vector<2000x128xf32>
    %mul3A_39 = vector.broadcast %rsqrt3A : vector<2000x1xf32> to vector<2000x128xf32>
    %mul3A_40 = arith.mulf %dot_general3A_38, %mul3A_39 : vector<2000x128xf32>
    %swap3A = arith.constant 0 : index
    %swap3A_41 = arith.constant 0 : index
    %swap3A_42 = vector.load %arg6[%swap3A, %swap3A_41] : memref<2000x128xf32, #tpu.memory_space<vmem>>, vector<2000x128xf32>
    tpu.vector_store %arg6[%swap3A, %swap3A_41], %mul3A_40 {strides = array<i32>} : memref<2000x128xf32, #tpu.memory_space<vmem>>, vector<2000x128xf32>,
    return
  }
  func.func @transform_0(%arg0: i32) -> (i32, i32, i32) {
    %c0_i32 = arith.constant 0 : i32
    %c0_i32_0 = arith.constant 0 : i32
    %c0_i32_1 = arith.constant 0 : i32
    return %c0_i32, %arg0, %c0_i32_0 : i32, i32, i32
  }
  func.func @transform_1(%arg0: i32) -> (i32, i32) {
    %c0_i32 = arith.constant 0 : i32
    %c0_i32_0 = arith.constant 0 : i32
    return %arg0, %c0_i32 : i32, i32
  }
  func.func @transform_2(%arg0: i32) -> (i32, i32, i32) {
    %c0_i32 = arith.constant 0 : i32
    %c0_i32_0 = arith.constant 0 : i32
    %c0_i32_1 = arith.constant 0 : i32
    return %c0_i32, %arg0, %c0_i32_0 : i32, i32, i32
  }
  func.func @transform_3(%arg0: i32) -> (i32, i32) {
    %c0_i32 = arith.constant 0 : i32
    %c0_i32_0 = arith.constant 0 : i32
    %c0_i32_1 = arith.constant 0 : i32
    return %c0_i32, %c0_i32_0 : i32, i32
  }
  func.func @transform_4(%arg0: i32) -> (i32, i32) {
    %c0_i32 = arith.constant 0 : i32
    %c0_i32_0 = arith.constant 0 : i32
    %c0_i32_1 = arith.constant 0 : i32
    return %c0_i32, %c0_i32_0 : i32, i32
  }
  func.func @transform_5(%arg0: i32) -> (i32, i32) {
    %c0_i32 = arith.constant 0 : i32
    %c0_i32_0 = arith.constant 0 : i32
    return %arg0, %c0_i32 : i32, i32
  }
}

module attributes {stable_mosaic.version = 14 : i64} {
  func.func @_final_body(%arg0: i32, %arg1: memref<2x2000x128xf32, #tpu.memory_space<vmem>>, %arg2: memref<2000x128xf32, #tpu.memory_space<vmem>>, %arg3: memref<2x2000x16xf32, #tpu.memory_space<vmem>>, %arg4: memref<1x128xf32, #tpu.memory_space<vmem>>, %arg5: memref<128x128xf32, #tpu.memory_space<vmem>>, %arg6: memref<1x128xf32, #tpu.memory_space<vmem>>, %arg7: memref<2000x10xf32, #tpu.memory_space<vmem>>) attributes {dimension_semantics = [#tpu.dimension_semantics<arbitrary>], iteration_bounds = array<i64: 5>, scalar_prefetch = 0 : i64, scratch_operands = 0 : i64, tpu.core_type = #tpu.core_type<tc>, window_params = [{transform_indices = @transform_0, window_bounds = array<i64: 2, 2000, 128>}, {transform_indices = @transform_1, window_bounds = array<i64: 2000, 128>}, {transform_indices = @transform_2, window_bounds = array<i64: 2, 2000, 16>}, {pipeline_mode = #tpu.pipeline_mode<synchronous>, transform_indices = @transform_3, window_bounds = array<i64: 1, 128>}, {pipeline_mode = #tpu.pipeline_mode<synchronous>, transform_indices = @transform_4, window_bounds = array<i64: 128, 128>}, {pipeline_mode = #tpu.pipeline_mode<synchronous>, transform_indices = @transform_5, window_bounds = array<i64: 1, 128>}, {transform_indices = @transform_6, window_bounds = array<i64: 2000, 10>}]} {
    %get3A = arith.constant 0 : index
    %get3A_0 = arith.constant 0 : index
    %get3A_1 = arith.constant 0 : index
    %get3A_2 = vector.load %arg3[%get3A, %get3A_0, %get3A_1] : memref<2x2000x16xf32, #tpu.memory_space<vmem>>, vector<1x2000x1xf32>
    %get3A_3 = vector.shape_cast %get3A_2 : vector<1x2000x1xf32> to vector<2000x1xf32>
    %get3A_4 = arith.constant 1 : index
    %get3A_5 = arith.constant 0 : index
    %get3A_6 = arith.constant 0 : index
    %get3A_7 = vector.load %arg3[%get3A_4, %get3A_5, %get3A_6] : memref<2x2000x16xf32, #tpu.memory_space<vmem>>, vector<1x2000x1xf32>
    %get3A_8 = vector.shape_cast %get3A_7 : vector<1x2000x1xf32> to vector<2000x1xf32>
    %add3A = arith.addf %get3A_3, %get3A_8 : vector<2000x1xf32>
    %add3A_9 = arith.constant 1.000000e+00 : f32
    %add3A_10 = vector.broadcast %add3A_9 : f32 to vector<2000x1xf32>
    %add3A_11 = arith.addf %add3A, %add3A_10 : vector<2000x1xf32>
    %rsqrt3A = math.rsqrt %add3A_11 : vector<2000x1xf32>
    %get3A_12 = arith.constant 0 : index
    %get3A_13 = arith.constant 0 : index
    %get3A_14 = arith.constant 0 : index
    %get3A_15 = vector.load %arg1[%get3A_12, %get3A_13, %get3A_14] : memref<2x2000x128xf32, #tpu.memory_space<vmem>>, vector<1x2000x128xf32>
    %get3A_16 = vector.shape_cast %get3A_15 : vector<1x2000x128xf32> to vector<2000x128xf32>
    %get3A_17 = arith.constant 1 : index
    %get3A_18 = arith.constant 0 : index
    %get3A_19 = arith.constant 0 : index
    %get3A_20 = vector.load %arg1[%get3A_17, %get3A_18, %get3A_19] : memref<2x2000x128xf32, #tpu.memory_space<vmem>>, vector<1x2000x128xf32>
    %get3A_21 = vector.shape_cast %get3A_20 : vector<1x2000x128xf32> to vector<2000x128xf32>
    %add3A_22 = arith.addf %get3A_16, %get3A_21 : vector<2000x128xf32>
    %get3A_23 = arith.constant 0 : index
    %get3A_24 = arith.constant 0 : index
    %get3A_25 = vector.load %arg2[%get3A_23, %get3A_24] : memref<2000x128xf32, #tpu.memory_space<vmem>>, vector<2000x128xf32>
    %add3A_26 = arith.addf %add3A_22, %get3A_25 : vector<2000x128xf32>
    %mul3A = vector.broadcast %rsqrt3A : vector<2000x1xf32> to vector<2000x128xf32>
    %mul3A_27 = arith.mulf %mul3A, %add3A_26 : vector<2000x128xf32>
    %get3A_28 = arith.constant 0 : index
    %get3A_29 = arith.constant 0 : index
    %get3A_30 = vector.load %arg4[%get3A_28, %get3A_29] : memref<1x128xf32, #tpu.memory_space<vmem>>, vector<1x128xf32>
    %add3A_31 = vector.broadcast %get3A_30 : vector<1x128xf32> to vector<2000x128xf32>
    %add3A_32 = arith.addf %mul3A_27, %add3A_31 : vector<2000x128xf32>
    %max3A = arith.constant 0.000000e+00 : f32
    %max3A_33 = vector.broadcast %max3A : f32 to vector<2000x128xf32>
    %max3A_34 = arith.maximumf %add3A_32, %max3A_33 : vector<2000x128xf32>
    %get3A_35 = arith.constant 0 : index
    %get3A_36 = arith.constant 0 : index
    %get3A_37 = vector.load %arg5[%get3A_35, %get3A_36] : memref<128x128xf32, #tpu.memory_space<vmem>>, vector<128x128xf32>
    %dot_general3A = arith.constant dense<0.000000e+00> : vector<2000x128xf32>
    %dot_general3A_38 = tpu.matmul %max3A_34, %get3A_37, %dot_general3A {dimension_numbers = #tpu.dot_dimension_numbers<[1], [0], [0], [1], [0, 0, 1, 1], [], []>, transpose_lhs_hint = false} : vector<2000x128xf32>, vector<128x128xf32>, vector<2000x128xf32> -> vector<2000x128xf32>
    %get3A_39 = arith.constant 0 : index
    %get3A_40 = arith.constant 0 : index
    %get3A_41 = vector.load %arg6[%get3A_39, %get3A_40] : memref<1x128xf32, #tpu.memory_space<vmem>>, vector<1x128xf32>
    %add3A_42 = vector.broadcast %get3A_41 : vector<1x128xf32> to vector<2000x128xf32>
    %add3A_43 = arith.addf %dot_general3A_38, %add3A_42 : vector<2000x128xf32>
    %slice3A = vector.extract_strided_slice %add3A_43 {offsets = [0, 0], sizes = [2000, 10], strides = [1, 1]} : vector<2000x128xf32> to vector<2000x10xf32>
    %swap3A = arith.constant 0 : index
    %swap3A_44 = arith.constant 0 : index
    %swap3A_45 = vector.load %arg7[%swap3A, %swap3A_44] : memref<2000x10xf32, #tpu.memory_space<vmem>>, vector<2000x10xf32>
    tpu.vector_store %arg7[%swap3A, %swap3A_44], %slice3A {strides = array<i32>} : memref<2000x10xf32, #tpu.memory_space<vmem>>, vector<2000x10xf32>,
    return
  }
  func.func @transform_0(%arg0: i32) -> (i32, i32, i32) {
    %c0_i32 = arith.constant 0 : i32
    %c0_i32_0 = arith.constant 0 : i32
    %c0_i32_1 = arith.constant 0 : i32
    return %c0_i32, %arg0, %c0_i32_0 : i32, i32, i32
  }
  func.func @transform_1(%arg0: i32) -> (i32, i32) {
    %c0_i32 = arith.constant 0 : i32
    %c0_i32_0 = arith.constant 0 : i32
    return %arg0, %c0_i32 : i32, i32
  }
  func.func @transform_2(%arg0: i32) -> (i32, i32, i32) {
    %c0_i32 = arith.constant 0 : i32
    %c0_i32_0 = arith.constant 0 : i32
    %c0_i32_1 = arith.constant 0 : i32
    return %c0_i32, %arg0, %c0_i32_0 : i32, i32, i32
  }
  func.func @transform_3(%arg0: i32) -> (i32, i32) {
    %c0_i32 = arith.constant 0 : i32
    %c0_i32_0 = arith.constant 0 : i32
    %c0_i32_1 = arith.constant 0 : i32
    return %c0_i32, %c0_i32_0 : i32, i32
  }
  func.func @transform_4(%arg0: i32) -> (i32, i32) {
    %c0_i32 = arith.constant 0 : i32
    %c0_i32_0 = arith.constant 0 : i32
    %c0_i32_1 = arith.constant 0 : i32
    return %c0_i32, %c0_i32_0 : i32, i32
  }
  func.func @transform_5(%arg0: i32) -> (i32, i32) {
    %c0_i32 = arith.constant 0 : i32
    %c0_i32_0 = arith.constant 0 : i32
    %c0_i32_1 = arith.constant 0 : i32
    return %c0_i32, %c0_i32_0 : i32, i32
  }
  func.func @transform_6(%arg0: i32) -> (i32, i32) {
    %c0_i32 = arith.constant 0 : i32
    %c0_i32_0 = arith.constant 0 : i32
    return %arg0, %c0_i32 : i32, i32
  }
}

</mosaic_0001>

<sc_bundles>
// kernel: kernel.11.cloned.1.call-start
scs
__scs_entry_jumppad:
0x0: {  	(pc) =	sbr.rel $0x88, $3  }
0x1: {  	(tag) =	ssettag $0x0;
	lr =	simm.s32 $0x1  }
0x2: {  	[smem:$0x3F99] =	sst lr;
	_ =	strace $0xD0000000  }
0x3: {  	_ = 	snop  }
0x4: {  	_ = 	snop  }
0x5: {  	_ = 	snop  }
0x6: {  	_ = 	snop  }
0x7: {  	_ = 	snop  }
__scs_overlays_trampoline_lowered:
0x8: {  	[smem:$0x3FA8] =	sst s0  }
0x9: {  	[smem:$0x3FA9] =	sst s1  }
0xa: {  	[smem:$0x3FAA] =	sst s2  }
0xb: {  	[smem:$0x3FAB] =	sst s3  }
0xc: {  	[smem:$0x3FAC] =	sst s4  }
0xd: {  	[smem:$0x3FAD] =	sst s5  }
0xe: {  	[smem:$0x3FAE] =	sst s6  }
0xf: {  	[smem:$0x3FAF] =	sst s7  }
0x10: {  	[smem:$0x3FB0] =	sst s8  }
0x11: {  	[smem:$0x3FB1] =	sst s9;
	s0 =	simm.s32 @!p0 $0x0  }
0x12: {  	s1 =	sld [smem:$0x3F97];
	s0 =	simm.s32 @p0 $0x1  }
0x13: {  	[smem:$0x3FB2] =	sst s0;
	s0 =	simm.s32 @!p1 $0x0  }
0x14: {  	s2 =	sld [smem:$0x3F96];
	s0 =	simm.s32 @p1 $0x1  }
0x15: {  	[smem:$0x3FB3] =	sst s0;
	s0 =	simm.s32 @!p2 $0x0  }
0x16: {  	s3 =	sld [smem:$0x3FDB];
	s0 =	simm.s32 @p2 $0x1  }
0x17: {  	s4 =	simm.s32 $0x1BF5;
	[smem:$0x3FB5] =	sst s0  }
0x18: {  	s0 =	sld [smem:$0x3F98];
	_ =	swait.ge [sflag:s4], $0x0  }
0x19: {  	s7 =	sld [smem:$0x3F99]  }
0x1a: {  	s8 =	sadd.s32 $0xFFFFE003, lr  }
0x1b: {  	s9 =	sadd.s32 $0xFFFFFEF7, lr;
	s5 =	simm.s32 $0xFFFFFFFF;
	p2 =	slt.u32 s8, $0xFFFFF086  }
0x1c: {  	p1 =	slt.u32 s9, $0xF7A;
	s5 =	simm.s32 @!p2 $0x0  }
0x1d: {  	s5 =	simm.s32 @p1 $0x1;
	p0 =	seq.s32 s7, s2  }
0x1e: {  	s7 =	smul.u32 @!p0 $0xF7A, s2;
	p2 =	seq.s32 @!p0 s5, $0x0  }
0x1f: {  	s9 =	smul.u32 $0xF7A, s1;
	s8 =	simm.s32 @!p0 $0x1BF5;
	p2 =	por !p2, p0  }
0x20: {  	[sflag:s8] =	ssyncset.s32 @!p0 $0xFFFFF086;
	s6 =	sadd.s32 @!p0 s3, s7;
	s7 =	simm.s32 @!p0 $0x108  }
0x21: {  	s3 =	sadd.s32 s3, s9;
	s6 =	sadd.s32 @!p0 $0x88, s6;
	s7 =	simm.s32 @p2 $0x1082  }
0x22: {  	[simem:s7], [sflag:s8] =	dma.local @!p0 [hbm:s6], $0xF7A  }
0x23: {  	s9 =	sor.u32 $0xD0000000, s2;
	s6 =	simm.s32 $0x108;
	_ =	swait.ge @!p0 [sflag:s8], $0x0  }
0x24: {  	s3 =	sadd.s32 $0x88, s3;
	s6 =	simm.s32 @!p1 $0x1082;
	[sflag:s4] =	ssyncset.s32 $0xFFFFF086  }
0x25: {  	[simem:s6], [sflag:s4] =	dma.local [hbm:s3], $0xF7A  }
0x26: {  	[smem:$0x3F99] =	sst s1;
	(tag) =	ssettag s2;
	_ =	strace s9  }
0x27: {  	s1 =	sld [smem:$0x3FA9]  }
0x28: {  	s2 =	sld [smem:$0x3FAA]  }
0x29: {  	s4 =	sld [smem:$0x3FAC]  }
0x2a: {  	p0 =	seq.s32 s5, $0x0;
	s5 =	sld [smem:$0x3FAD]  }
0x2b: {  	s6 =	sld [smem:$0x3FAE]  }
0x2c: {  	s7 =	sld [smem:$0x3FAF]  }
0x2d: {  	s3 =	simm.s32 $0x108;
	s8 =	sld [smem:$0x3FB0]  }
0x2e: {  	s3 =	simm.s32 @!p0 $0x1082;
	s9 =	sld [smem:$0x3FB1]  }
0x2f: {  	lr =	sadd.s32 s0, s3;
	s0 =	sld [smem:$0x3FA8]  }
0x30: {  	s3 =	sld [smem:$0x3FAB]  }
0x31: {  	[smem:$0x3FB4] =	sst s10  }
0x32: {  	s10 =	sld [smem:$0x3FB2];
	_ =	sdelay $0x3  }
0x33: {  	p0 =	seq.s32 s10, $0x1;
	s10 =	sld [smem:$0x3FB4];
	_ =	sdelay $0x3  }
0x34: {  	[smem:$0x3FB4] =	sst s10  }
0x35: {  	s10 =	sld [smem:$0x3FB3];
	_ =	sdelay $0x3  }
0x36: {  	p1 =	seq.s32 s10, $0x1;
	s10 =	sld [smem:$0x3FB4];
	_ =	sdelay $0x3  }
0x37: {  	[smem:$0x3FB4] =	sst s10  }
0x38: {  	s10 =	sld [smem:$0x3FB5]  }
0x39: {  	_ = 	snop;
	(pc) =	sbr.ind lr, $3  }
0x3a: {  	_ = 	snop  }
0x3b: {  	_ = 	snop  }
0x3c: {  	p2 =	seq.s32 s10, $0x1;
	s10 =	sld [smem:$0x3FB4]  }
0x3d: {  	_ =	shalt  }
0x3e: {  	_ =	shalt  }
0x3f: {  	_ =	shalt  }
0x40: {  	_ =	shalt  }
0x41: {  	_ =	shalt  }
0x42: {  	_ =	shalt  }
0x43: {  	_ =	shalt  }
0x44: {  	_ =	shalt  }
0x45: {  	_ =	shalt  }
0x46: {  	_ =	shalt  }
0x47: {  	_ =	shalt  }
0x48: {  	_ =	shalt  }
0x49: {  	_ =	shalt  }
0x4a: {  	_ =	shalt  }
0x4b: {  	_ =	shalt  }
0x4c: {  	_ =	shalt  }
0x4d: {  	_ =	shalt  }
0x4e: {  	_ =	shalt  }
0x4f: {  	_ =	shalt  }
0x50: {  	_ =	shalt  }
0x51: {  	_ =	shalt  }
0x52: {  	_ =	shalt  }
0x53: {  	_ =	shalt  }
0x54: {  	_ =	shalt  }
0x55: {  	_ =	shalt  }
0x56: {  	_ =	shalt  }
0x57: {  	_ =	shalt  }
0x58: {  	_ =	shalt  }
0x59: {  	_ =	shalt  }
0x5a: {  	_ =	shalt  }
0x5b: {  	_ =	shalt  }
0x5c: {  	_ =	shalt  }
0x5d: {  	_ =	shalt  }
0x5e: {  	_ =	shalt  }
0x5f: {  	_ =	shalt  }
0x60: {  	_ =	shalt  }
0x61: {  	_ =	shalt  }
0x62: {  	_ =	shalt  }
0x63: {  	_ =	shalt  }
0x64: {  	_ =	shalt  }
0x65: {  	_ =	shalt  }
0x66: {  	_ =	shalt  }
0x67: {  	_ =	shalt  }
0x68: {  	_ =	shalt  }
0x69: {  	_ =	shalt  }
0x6a: {  	_ =	shalt  }
0x6b: {  	_ =	shalt  }
0x6c: {  	_ =	shalt  }
0x6d: {  	_ =	shalt  }
0x6e: {  	_ =	shalt  }
0x6f: {  	_ =	shalt  }
0x70: {  	_ =	shalt  }
0x71: {  	_ =	shalt  }
0x72: {  	_ =	shalt  }
0x73: {  	_ =	shalt  }
0x74: {  	_ =	shalt  }
0x75: {  	_ =	shalt  }
0x76: {  	_ =	shalt  }
0x77: {  	_ =	shalt  }
0x78: {  	_ =	shalt  }
0x79: {  	_ =	shalt  }
0x7a: {  	_ =	shalt  }
0x7b: {  	_ =	shalt  }
0x7c: {  	_ =	shalt  }
0x7d: {  	_ =	shalt  }
0x7e: {  	_ =	shalt  }
0x7f: {  	_ =	shalt  }
0x80: {  	_ =	shalt  }
0x81: {  	_ =	shalt  }
0x82: {  	_ =	shalt  }
0x83: {  	_ =	shalt  }
0x84: {  	_ =	shalt  }
0x85: {  	_ =	shalt  }
0x86: {  	_ =	shalt  }
0x87: {  	_ =	shalt  }
.Lfunc_end0:
.L_simem_size_0:
called_computation.1_lowered:
.L_overlay_start_0:
0x88: {  	s2 =	sld [smem:$0x3FD9]  }
0x89: {  	s3 =	sld [smem:$0x3FFE];
	_ =	sdelay $0x1  }
0x8a: {  	s1 =	srdreg.scid  }
0x8b: {  	s0 =	sand.u32 $0x1, s1  }
0x8c: {  	s16 =	sshll.u32 s0, $0xA;
	s2 =	sadd.s32 s3, s2  }
0x8d: {  	s2 =	sadd.s32 s2, s16  }
0x8e: {  	[smem:$0x3FC0] =	sst s2  }
0x8f: {  	_ = 	snop  }
0x90: {  	(tm) =	ssettm $0x1  }
0x91: {  	s17 =	sld [smem:$0x3FFB];
	_ =	sdelay $0x3  }
0x92: {  	_ =	strace s17  }
0x93: {  	s2 =	sld [smem:$0x3FFC];
	_ =	sdelay $0x3  }
0x94: {  	_ =	strace s2  }
0x95: {  	s2 =	sld [smem:$0x3FFD];
	_ =	sdelay $0x3  }
0x96: {  	_ =	strace s2  }
0x97: {  	_ =	strace $0x8FFFFFFF  }
0x98: {  	s18 =	sld [smem:$0x3FDB];
	_ =	sdelay $0x1  }
0x99: {  	s19 =	simm.s32 $_scs_section_size  }
0x9a: {  	s4 =	simm.s32 $_size__tile_overlayer_lowered;
	s5 =	simm.s32 $_tile_overlayer_lowered  }
0x9b: {  	s22 =	simm.s32 $0x1BFF;
	s21 =	sshll.u32 s5, $0x1;
	s2 =	sadd.s32 s19, s18  }
0x9c: {  	s6 =	simm.s32 $0x0;
	s20 =	sshll.u32 s4, $0x1;
	s4 =	sadd.s32 s21, s2  }
0x9d: {  	[timem:s6], [sflag:s22] =	dma.local [hbm:s4], s20  }
0x9e: {  	_ =	swait.ge [sflag:s22], s20  }
0x9f: {  	s3 =	ssub.s32 $0x0, s20;
	[sflag:s22] =	ssyncset.done $0x0  }
0xa0: {  	[sflag:s22] =	ssyncadd.s32 s3;
	_ =	sdelay $0x1  }
0xa1: {  	s23 =	simm.s32 $0x1B8B  }
0xa2: {  	_ =	swait.ge [sflag:s23], $0x1  }
0xa3: {  	[sflag:s23] =	ssyncset.done $0x0  }
0xa4: {  	s25 =	simm.s32 $0x1B8E;
	s24 =	sld [smem:$0x3FFE];
	[sflag:s23] =	ssyncadd.s32 $0xFFFFFFFF  }
0xa5: {  	s26 =	simm.s32 $execute0_lowered;
	[smem:$0x3FD2] =	sst s25  }
0xa6: {  	s4 =	sshll.u32 s26, $0x1;
	_ =	strace $0x80000049;
	[dreg:$0x1] =	wrdreg $0xFFFFFFFF  }
0xa7: {  	s28 =	simm.s32 $_size_execute0_lowered;
	s2 =	sadd.s32 s2, s4;
	[dreg:$0x0] =	wrdreg $0x0  }
0xa8: {  	s4 =	sshll.u32 s28, $0x1;
	[dreg:$0x2] =	wrdreg s2  }
0xa9: {  	[dreg:$0x3] =	wrdreg s4  }
0xaa: {  	[dreg:$0x4] =	wrdreg $0xC0  }
0xab: {  	_ =	task [dreg:s6], $0x5FFFF  }
0xac: {  	[dreg:$0x1] =	wrdreg $0xFFFFFFFF  }
0xad: {  	[dreg:$0x0] =	wrdreg $0x60  }
0xae: {  	[dreg:$0x2] =	wrdreg s24  }
0xaf: {  	[dreg:$0x3] =	wrdreg $0xA8000  }
0xb0: {  	[dreg:$0x4] =	wrdreg $0x9  }
0xb1: {  	_ =	task.clear_ibuf [dreg:s6], $0x5FFFF;
	_ =	strace $0x90000049  }
0xb2: {  	s29 =	simm.s32 $0x9;
	_ =	strace $0x8000004B  }
0xb3: {  	_ =	swait.ge [sflag:s29], $0x1  }
0xb4: {  	[sflag:s29] =	ssyncadd.s32 $0xFFFFFFFF  }
0xb5: {  	_ =	strace $0x9000004B  }
0xb6: {  	_ =	sfence  }
0xb7: {  	s30 =	sld [smem:$0x0];
	_ =	sdelay $0x2  }
0xb8: {  	s31 =	sshll.u32 s1, $0xD;
	s1 =	sshrl.u32 s1, $0x2  }
0xb9: {  	s3 =	sand.u32 $0x4000, s31;
	s1 =	sadd.s32 s1, s30  }
0xba: {  	s0 =	sor.u32 s3, s0;
	s1 =	sshll.u32 s1, $0x11  }
0xbb: {  	s0 =	sor.u32 s1, s0  }
0xbc: {  	s0 =	sadd.s32 $0x8F2B, s0  }
0xbd: {  	[sflag:s0] =	ssyncadd.remote.s32 $0x1  }
0xbe: {  	_ =	sfence.sel $0xFFFF  }
0xbf: {  	[dreg:$0x0] =	wrdreg $0xFFFFFFFF;
	(pc) =	sbr.abs _section_cstart, $3  }
0xc0: {  	[dreg:$0x1] =	wrdreg $0xFFFFFFFF  }
0xc1: {  	_ =	task.clear_ibuf [dreg:s6], $0x2FFFF;
	_ =	strace $0x9FFFFFFF  }
0xc2: {  	(tm) =	ssettm $0x7FFFFFFF  }
0xc3: {  	_ =	shalt  }
tec
execute0_lowered:
.L_overlay_start_1:
0x0: {  	(tag) =	ssettag $0x1  }
0x1: {  	s6 =	rddreg [dreg:$0x0]  }
0x2: {  	s1 =	rddreg [dreg:$0x1];
	s2 =	srdreg.scid  }
0x3: {  	s0 =	rddreg [dreg:$0x2];
	s3 =	simm.s32 $0x0;
	s17 =	simm.s32 $0x3  }
0x4: {  	s18 =	simm.s32 $0x1400;
	s19 =	simm.s32 $0x80;
	s20 =	simm.s32 $0x6800  }
0x5: {  	s21 =	simm.s32 $0x1;
	s22 =	simm.s32 $0x2;
	s23 =	simm.s32 $0x1380  }
0x6: {  	s24 =	simm.s32 $0x2700;
	s5 =	sand.u32 $0x1, s2;
	s2 =	stileid.u32  }
0x7: {  	s25 =	simm.s32 $0x2780;
	[smem:$0x7FF] =	sst s3;
	s7 =	smul.u32 $0x13C000, s5  }
0x8: {  	s4 =	sadd.s32 $0x7A600, s6;
	s12 =	sadd.s32 $0x21600, s6;
	s8 =	smul.u32 $0x13C00, s2  }
0x9: {  	s13 =	sadd.s32 $0xD800, s6;
	s29 =	smul.u32 $0x4F000, s2;
	s9 =	sshll.u32 s5, $0x4  }
0xa: {  	_ =	strace $0x8000004A;
	s10 =	ssub.s32 $0x2, s5;
	s9 =	sor.u32 s2, s9  }
0xb: {  	s31 =	sshrl.u32 s10, $0x1;
	s7 =	sadd.s32 s8, s7;
	s30 =	sshrl.u32 s29, $0x2  }
0xc: {  	s9 =	smul.u32 $0x2800, s9;
	s15 =	ssub.s32 s10, s31;
	s7 =	sshrl.u32 s7, $0x3  }
0xd: {  	s5 =	sadd.s32 s30, s1;
	s15 =	smax.u32 s15, $0x1;
	s14 =	sadd.s32 s7, s6  }
0xe: {  	s6 =	sadd.s32 $0x4000, s5;
	s7 =	sadd.s32 $0x8000, s5;
	s11 =	sshrl.u32 s9, $0x3  }
0xf: {  	s8 =	sadd.s32 $0xC000, s5;
	s9 =	sadd.s32 $0x10000, s5;
	s10 =	sadd.s32 s12, s11  }
0x10: {  	s16 =	sadd.s32 $0x280, s11;
	s11 =	sadd.s32 s13, s11;
	s14 =	sadd.s32 $0xA1800, s14  }
0x11: {  	v0 =	vimm.f32 $0.0e+00;
	s12 =	sadd.s32 s12, s16;
	s13 =	sadd.s32 s13, s16;
	s16 =	simm.s32 $0x2800  }
.LBB2_1:
0x12: {  	s26 =	simm.s32 $0x0;
	s28 =	simm.s32 $0x200  }
.LBB2_2:
0x13: {  	p0 =	sne.s32 s28, $0xFE00;
	[tilespmem:s26+$0x2870] =	vst v0  }
0x14: {  	[tilespmem:s26+$0x2800] =	vst v0  }
0x15: {  	[tilespmem:s26+$0x2810] =	vst v0  }
.Ltmp0:
0x16: {  	[tilespmem:s26+$0x2820] =	vst v0;
	(pc) =	sbr.rel @p0 .LBB2_2-.Ltmp0, $4  }
0x17: {  	[tilespmem:s26+$0x2830] =	vst v0  }
0x18: {  	[tilespmem:s26+$0x2840] =	vst v0  }
0x19: {  	[tilespmem:s26+$0x2850] =	vst v0  }
0x1a: {  	[tilespmem:s26+$0x2860] =	vst v0;
	s26 =	sshra.s32 s28, $0x2;
	s28 =	sadd.s32 $0x200, s28  }
0x1b: {  	[tilespmem:s26+$0x2870] =	vst v0  }
0x1c: {  	[tilespmem:s26+$0x2800] =	vst v0  }
0x1d: {  	[tilespmem:s26+$0x2810] =	vst v0  }
0x1e: {  	[tilespmem:s26+$0x2820] =	vst v0  }
0x1f: {  	[tilespmem:s26+$0x2830] =	vst v0  }
0x20: {  	[tilespmem:s26+$0x2840] =	vst v0  }
0x21: {  	[tilespmem:s26+$0x2850] =	vst v0  }
0x22: {  	[tilespmem:s26+$0x2860] =	vst v0  }
0x23: {  	[spmem:s5] =	stream.linear.scatter [tilespmem:s16], [sflag:$0x3], $0x4000, $0x38;
	[tilespmem:$0x1E400] =	vst v63  }
0x24: {  	_ =	swait.ge [sflag:s17], $0x4000  }
0x25: {  	[sflag:s17] =	ssyncset.done $0x0  }
0x26: {  	[sflag:s17] =	ssyncadd.s32 $0xFFFFC000  }
0x27: {  	[spmem:s6] =	stream.linear.scatter [tilespmem:s16], [sflag:$0x3], $0x4000, $0x38;
	[tilespmem:$0x1E400] =	vst v63  }
0x28: {  	_ =	swait.ge [sflag:s17], $0x4000  }
0x29: {  	[sflag:s17] =	ssyncset.done $0x0  }
0x2a: {  	[sflag:s17] =	ssyncadd.s32 $0xFFFFC000  }
0x2b: {  	[spmem:s7] =	stream.linear.scatter [tilespmem:s16], [sflag:$0x3], $0x4000, $0x38;
	[tilespmem:$0x1E400] =	vst v63  }
0x2c: {  	_ =	swait.ge [sflag:s17], $0x4000  }
0x2d: {  	[sflag:s17] =	ssyncset.done $0x0  }
0x2e: {  	[sflag:s17] =	ssyncadd.s32 $0xFFFFC000  }
0x2f: {  	[spmem:s8] =	stream.linear.scatter [tilespmem:s16], [sflag:$0x3], $0x4000, $0x38;
	[tilespmem:$0x1E400] =	vst v63  }
0x30: {  	_ =	swait.ge [sflag:s17], $0x4000  }
0x31: {  	[sflag:s17] =	ssyncset.done $0x0  }
0x32: {  	[sflag:s17] =	ssyncadd.s32 $0xFFFFC000  }
0x33: {  	[spmem:s9] =	stream.linear.scatter [tilespmem:s16], [sflag:$0x3], $0x3C00, $0x38;
	[tilespmem:$0x1E400] =	vst v63  }
0x34: {  	_ =	swait.ge [sflag:s17], $0x3C00  }
0x35: {  	[sflag:s17] =	ssyncset.done $0x0  }
0x36: {  	[sflag:s17] =	ssyncadd.s32 $0xFFFFC400  }
0x37: {  	s30 =	simm.s32 $0x0;
	[bflag:$0x0] =	sbarrier.arrive $0xFFFF  }
0x38: {  	[tilespmem:s30], [sflag:$0x3] =	stream.linear.gather [hbm4b:s10+s30], $0x1400, $0x38;
	[tilespmem:$0x1E400] =	vst v63  }
0x39: {  	_ =	swait.ge [sflag:s17], $0x1400  }
0x3a: {  	[sflag:s17] =	ssyncset.done $0x0  }
0x3b: {  	[sflag:s17] =	ssyncadd.s32 $0xFFFFEC00  }
0x3c: {  	[tilespmem:s18], [sflag:$0x3] =	stream.linear.gather [hbm4b:s11+s30], $0x1400, $0x38;
	[tilespmem:$0x1E400] =	vst v63  }
0x3d: {  	_ =	swait.ge [sflag:s17], $0x1400  }
0x3e: {  	[sflag:s17] =	ssyncset.done $0x0  }
0x3f: {  	[sflag:s17] =	ssyncadd.s32 $0xFFFFEC00  }
0x40: {  	[tilespmem:s16], [sflag:$0x1] =	stream.indirect.gather [hbm4b:s4+s19], $0x80, s30, s19, $0xb8;
	[tilespmem:$0x1E400] =	vst v63  }
0x41: {  	s31 =	simm.s32 $0x80  }
0x42: {  	[tilespmem:s20], [sflag:$0x2] =	stream.indirect.gather [hbm4b:s4+s19], $0x80, s31, s19, $0xb8;
	[tilespmem:$0x1E400] =	vst v63  }
0x43: {  	_ =	swait.ge [sflag:s21], $0x4000  }
0x44: {  	[sflag:s21] =	ssyncset.done $0x0  }
0x45: {  	s29 =	simm.s32 $0x1400;
	[sflag:s21] =	ssyncadd.s32 $0xFFFFC000  }
0x46: {  	[spmem:s1] =	stream.indirect.scatter.add.f32 [tilespmem:s16], [sflag:$0x3], $0x80, s29, s19, $0xb8;
	[tilespmem:$0x1E400] =	vst v63  }
0x47: {  	_ =	swait.ge [sflag:s17], $0x4000  }
0x48: {  	[sflag:s17] =	ssyncset.done $0x0  }
0x49: {  	s30 =	simm.s32 $0x100;
	[sflag:s17] =	ssyncadd.s32 $0xFFFFC000  }
0x4a: {  	[tilespmem:s16], [sflag:$0x1] =	stream.indirect.gather [hbm4b:s4+s19], $0x80, s30, s19, $0xb8;
	[tilespmem:$0x1E400] =	vst v63  }
0x4b: {  	_ =	swait.ge [sflag:s22], $0x4000  }
0x4c: {  	[sflag:s22] =	ssyncset.done $0x0  }
0x4d: {  	s31 =	simm.s32 $0x1480;
	[sflag:s22] =	ssyncadd.s32 $0xFFFFC000  }
0x4e: {  	[spmem:s1] =	stream.indirect.scatter.add.f32 [tilespmem:s20], [sflag:$0x3], $0x80, s31, s19, $0xb8;
	[tilespmem:$0x1E400] =	vst v63  }
0x4f: {  	_ =	swait.ge [sflag:s17], $0x4000  }
0x50: {  	s28 =	simm.s32 $0x800;
	s26 =	simm.s32 $0x100;
	[sflag:s17] =	ssyncset.done $0x0  }
.LBB2_4:
0x51: {  	s29 =	sadd.s32 $0x80, s26  }
0x52: {  	[sflag:s17] =	ssyncadd.s32 $0xFFFFC000;
	s30 =	smov.u32 s28;
	s31 =	sadd.s32 $0x400, s28  }
0x53: {  	[tilespmem:s20], [sflag:$0x2] =	stream.indirect.gather [hbm4b:s4+s19], $0x80, s29, s19, $0xb8;
	[tilespmem:$0x1E400] =	vst v63  }
0x54: {  	p0 =	sne.s32 s28, $0x4800;
	_ =	swait.ge [sflag:s21], $0x4000  }
0x55: {  	[sflag:s21] =	ssyncset.done $0x0  }
0x56: {  	s28 =	sadd.s32 $0x1400, s26;
	[sflag:s21] =	ssyncadd.s32 $0xFFFFC000  }
0x57: {  	[spmem:s1] =	stream.indirect.scatter.add.f32 [tilespmem:s16], [sflag:$0x3], $0x80, s28, s19, $0xb8;
	[tilespmem:$0x1E400] =	vst v63  }
0x58: {  	_ =	swait.ge [sflag:s17], $0x4000  }
0x59: {  	[sflag:s17] =	ssyncset.done $0x0  }
0x5a: {  	s28 =	sadd.s32 $0x100, s26;
	[sflag:s17] =	ssyncadd.s32 $0xFFFFC000  }
0x5b: {  	[tilespmem:s16], [sflag:$0x1] =	stream.indirect.gather [hbm4b:s4+s19], $0x80, s28, s19, $0xb8;
	[tilespmem:$0x1E400] =	vst v63  }
0x5c: {  	_ =	swait.ge [sflag:s22], $0x4000  }
.Ltmp1:
0x5d: {  	[sflag:s22] =	ssyncset.done $0x0;
	(pc) =	sbr.rel @p0 .LBB2_4-.Ltmp1, $4  }
0x5e: {  	s26 =	sadd.s32 $0x1480, s26;
	[sflag:s22] =	ssyncadd.s32 $0xFFFFC000  }
0x5f: {  	[spmem:s1] =	stream.indirect.scatter.add.f32 [tilespmem:s20], [sflag:$0x3], $0x80, s26, s19, $0xb8;
	[tilespmem:$0x1E400] =	vst v63  }
0x60: {  	_ =	swait.ge [sflag:s17], $0x4000  }
0x61: {  	s28 =	smov.u32 s31;
	s26 =	sshra.s32 s30, $0x2;
	[sflag:s17] =	ssyncset.done $0x0  }
0x62: {  	s28 =	sadd.s32 $0x80, s26;
	[sflag:s17] =	ssyncadd.s32 $0xFFFFC000  }
0x63: {  	[tilespmem:s20], [sflag:$0x2] =	stream.indirect.gather [hbm4b:s4+s19], $0x80, s28, s19, $0xb8;
	[tilespmem:$0x1E400] =	vst v63  }
0x64: {  	_ =	swait.ge [sflag:s21], $0x4000  }
0x65: {  	[sflag:s21] =	ssyncset.done $0x0  }
0x66: {  	s28 =	sadd.s32 $0x1400, s26;
	[sflag:s21] =	ssyncadd.s32 $0xFFFFC000  }
0x67: {  	[spmem:s1] =	stream.indirect.scatter.add.f32 [tilespmem:s16], [sflag:$0x3], $0x80, s28, s19, $0xb8;
	[tilespmem:$0x1E400] =	vst v63  }
0x68: {  	_ =	swait.ge [sflag:s17], $0x4000  }
0x69: {  	[sflag:s17] =	ssyncset.done $0x0  }
0x6a: {  	s28 =	sadd.s32 $0x100, s26;
	[sflag:s17] =	ssyncadd.s32 $0xFFFFC000  }
0x6b: {  	[tilespmem:s16], [sflag:$0x1] =	stream.indirect.gather [hbm4b:s4+s19], $0x80, s28, s19, $0xb8;
	[tilespmem:$0x1E400] =	vst v63  }
0x6c: {  	_ =	swait.ge [sflag:s22], $0x4000  }
0x6d: {  	[sflag:s22] =	ssyncset.done $0x0  }
0x6e: {  	s29 =	sadd.s32 $0x1480, s26;
	[sflag:s22] =	ssyncadd.s32 $0xFFFFC000  }
0x6f: {  	[spmem:s1] =	stream.indirect.scatter.add.f32 [tilespmem:s20], [sflag:$0x3], $0x80, s29, s19, $0xb8;
	[tilespmem:$0x1E400] =	vst v63  }
0x70: {  	_ =	swait.ge [sflag:s17], $0x4000  }
0x71: {  	[sflag:s17] =	ssyncset.done $0x0  }
0x72: {  	[sflag:s17] =	ssyncadd.s32 $0xFFFFC000  }
0x73: {  	[tilespmem:s20], [sflag:$0x2] =	stream.indirect.gather [hbm4b:s4+s19], $0x80, s23, s19, $0xb8;
	[tilespmem:$0x1E400] =	vst v63  }
0x74: {  	_ =	swait.ge [sflag:s21], $0x4000  }
0x75: {  	[sflag:s21] =	ssyncset.done $0x0  }
0x76: {  	[sflag:s21] =	ssyncadd.s32 $0xFFFFC000  }
0x77: {  	[spmem:s1] =	stream.indirect.scatter.add.f32 [tilespmem:s16], [sflag:$0x3], $0x80, s24, s19, $0xb8;
	[tilespmem:$0x1E400] =	vst v63  }
0x78: {  	_ =	swait.ge [sflag:s17], $0x4000  }
0x79: {  	[sflag:s17] =	ssyncset.done $0x0  }
0x7a: {  	[sflag:s17] =	ssyncadd.s32 $0xFFFFC000  }
0x7b: {  	_ =	swait.ge [sflag:s22], $0x4000  }
0x7c: {  	[sflag:s22] =	ssyncset.done $0x0  }
0x7d: {  	[sflag:s22] =	ssyncadd.s32 $0xFFFFC000  }
0x7e: {  	[spmem:s1] =	stream.indirect.scatter.add.f32 [tilespmem:s20], [sflag:$0x3], $0x80, s25, s19, $0xb8;
	[tilespmem:$0x1E400] =	vst v63  }
0x7f: {  	_ =	swait.ge [sflag:s17], $0x4000  }
0x80: {  	[sflag:s17] =	ssyncset.done $0x0  }
0x81: {  	s30 =	simm.s32 $0x0;
	[sflag:s17] =	ssyncadd.s32 $0xFFFFC000  }
0x82: {  	[tilespmem:s30], [sflag:$0x3] =	stream.linear.gather [hbm4b:s12+s30], $0x1400, $0x38;
	[tilespmem:$0x1E400] =	vst v63  }
0x83: {  	_ =	swait.ge [sflag:s17], $0x1400  }
0x84: {  	[sflag:s17] =	ssyncset.done $0x0  }
0x85: {  	[sflag:s17] =	ssyncadd.s32 $0xFFFFEC00  }
0x86: {  	[tilespmem:s18], [sflag:$0x3] =	stream.linear.gather [hbm4b:s13+s30], $0x1400, $0x38;
	[tilespmem:$0x1E400] =	vst v63  }
0x87: {  	_ =	swait.ge [sflag:s17], $0x1400  }
0x88: {  	[sflag:s17] =	ssyncset.done $0x0  }
0x89: {  	[sflag:s17] =	ssyncadd.s32 $0xFFFFEC00  }
0x8a: {  	[tilespmem:s16], [sflag:$0x1] =	stream.indirect.gather [hbm4b:s4+s19], $0x80, s30, s19, $0xb8;
	[tilespmem:$0x1E400] =	vst v63  }
0x8b: {  	s31 =	simm.s32 $0x80  }
0x8c: {  	[tilespmem:s20], [sflag:$0x2] =	stream.indirect.gather [hbm4b:s4+s19], $0x80, s31, s19, $0xb8;
	[tilespmem:$0x1E400] =	vst v63  }
0x8d: {  	_ =	swait.ge [sflag:s21], $0x4000  }
0x8e: {  	[sflag:s21] =	ssyncset.done $0x0  }
0x8f: {  	s29 =	simm.s32 $0x1400;
	[sflag:s21] =	ssyncadd.s32 $0xFFFFC000  }
0x90: {  	[spmem:s1] =	stream.indirect.scatter.add.f32 [tilespmem:s16], [sflag:$0x3], $0x80, s29, s19, $0xb8;
	[tilespmem:$0x1E400] =	vst v63  }
0x91: {  	_ =	swait.ge [sflag:s17], $0x4000  }
0x92: {  	[sflag:s17] =	ssyncset.done $0x0  }
0x93: {  	s30 =	simm.s32 $0x100;
	[sflag:s17] =	ssyncadd.s32 $0xFFFFC000  }
0x94: {  	[tilespmem:s16], [sflag:$0x1] =	stream.indirect.gather [hbm4b:s4+s19], $0x80, s30, s19, $0xb8;
	[tilespmem:$0x1E400] =	vst v63  }
0x95: {  	_ =	swait.ge [sflag:s22], $0x4000  }
0x96: {  	[sflag:s22] =	ssyncset.done $0x0  }
0x97: {  	s31 =	simm.s32 $0x1480;
	[sflag:s22] =	ssyncadd.s32 $0xFFFFC000  }
0x98: {  	[spmem:s1] =	stream.indirect.scatter.add.f32 [tilespmem:s20], [sflag:$0x3], $0x80, s31, s19, $0xb8;
	[tilespmem:$0x1E400] =	vst v63  }
0x99: {  	_ =	swait.ge [sflag:s17], $0x4000  }
0x9a: {  	s26 =	simm.s32 $0x100;
	s28 =	simm.s32 $0x800;
	[sflag:s17] =	ssyncset.done $0x0  }
.LBB2_6:
0x9b: {  	s29 =	sadd.s32 $0x80, s26  }
0x9c: {  	[sflag:s17] =	ssyncadd.s32 $0xFFFFC000;
	s30 =	smov.u32 s28;
	s31 =	sadd.s32 $0x400, s28  }
0x9d: {  	[tilespmem:s20], [sflag:$0x2] =	stream.indirect.gather [hbm4b:s4+s19], $0x80, s29, s19, $0xb8;
	[tilespmem:$0x1E400] =	vst v63  }
0x9e: {  	p0 =	sne.s32 s28, $0x4800;
	_ =	swait.ge [sflag:s21], $0x4000  }
0x9f: {  	[sflag:s21] =	ssyncset.done $0x0  }
0xa0: {  	s28 =	sadd.s32 $0x1400, s26;
	[sflag:s21] =	ssyncadd.s32 $0xFFFFC000  }
0xa1: {  	[spmem:s1] =	stream.indirect.scatter.add.f32 [tilespmem:s16], [sflag:$0x3], $0x80, s28, s19, $0xb8;
	[tilespmem:$0x1E400] =	vst v63  }
0xa2: {  	_ =	swait.ge [sflag:s17], $0x4000  }
0xa3: {  	[sflag:s17] =	ssyncset.done $0x0  }
0xa4: {  	s28 =	sadd.s32 $0x100, s26;
	[sflag:s17] =	ssyncadd.s32 $0xFFFFC000  }
0xa5: {  	[tilespmem:s16], [sflag:$0x1] =	stream.indirect.gather [hbm4b:s4+s19], $0x80, s28, s19, $0xb8;
	[tilespmem:$0x1E400] =	vst v63  }
0xa6: {  	_ =	swait.ge [sflag:s22], $0x4000  }
.Ltmp2:
0xa7: {  	[sflag:s22] =	ssyncset.done $0x0;
	(pc) =	sbr.rel @p0 .LBB2_6-.Ltmp2, $4  }
0xa8: {  	s26 =	sadd.s32 $0x1480, s26;
	[sflag:s22] =	ssyncadd.s32 $0xFFFFC000  }
0xa9: {  	[spmem:s1] =	stream.indirect.scatter.add.f32 [tilespmem:s20], [sflag:$0x3], $0x80, s26, s19, $0xb8;
	[tilespmem:$0x1E400] =	vst v63  }
0xaa: {  	_ =	swait.ge [sflag:s17], $0x4000  }
0xab: {  	s28 =	smov.u32 s31;
	s26 =	sshra.s32 s30, $0x2;
	[sflag:s17] =	ssyncset.done $0x0  }
0xac: {  	s28 =	sadd.s32 $0x80, s26;
	[sflag:s17] =	ssyncadd.s32 $0xFFFFC000  }
0xad: {  	[tilespmem:s20], [sflag:$0x2] =	stream.indirect.gather [hbm4b:s4+s19], $0x80, s28, s19, $0xb8;
	[tilespmem:$0x1E400] =	vst v63  }
0xae: {  	_ =	swait.ge [sflag:s21], $0x4000  }
0xaf: {  	[sflag:s21] =	ssyncset.done $0x0  }
0xb0: {  	s30 =	sadd.s32 $0x1400, s26;
	[sflag:s21] =	ssyncadd.s32 $0xFFFFC000  }
0xb1: {  	[spmem:s1] =	stream.indirect.scatter.add.f32 [tilespmem:s16], [sflag:$0x3], $0x80, s30, s19, $0xb8;
	[tilespmem:$0x1E400] =	vst v63  }
0xb2: {  	_ =	swait.ge [sflag:s17], $0x4000  }
0xb3: {  	[sflag:s17] =	ssyncset.done $0x0  }
0xb4: {  	s31 =	sadd.s32 $0x100, s26;
	[sflag:s17] =	ssyncadd.s32 $0xFFFFC000  }
0xb5: {  	[tilespmem:s16], [sflag:$0x1] =	stream.indirect.gather [hbm4b:s4+s19], $0x80, s31, s19, $0xb8;
	[tilespmem:$0x1E400] =	vst v63  }
0xb6: {  	_ =	swait.ge [sflag:s22], $0x4000  }
0xb7: {  	[sflag:s22] =	ssyncset.done $0x0  }
0xb8: {  	s29 =	sadd.s32 $0x1480, s26;
	[sflag:s22] =	ssyncadd.s32 $0xFFFFC000  }
0xb9: {  	[spmem:s1] =	stream.indirect.scatter.add.f32 [tilespmem:s20], [sflag:$0x3], $0x80, s29, s19, $0xb8;
	[tilespmem:$0x1E400] =	vst v63  }
0xba: {  	_ =	swait.ge [sflag:s17], $0x4000  }
0xbb: {  	[sflag:s17] =	ssyncset.done $0x0  }
0xbc: {  	[sflag:s17] =	ssyncadd.s32 $0xFFFFC000  }
0xbd: {  	[tilespmem:s20], [sflag:$0x2] =	stream.indirect.gather [hbm4b:s4+s19], $0x80, s23, s19, $0xb8;
	[tilespmem:$0x1E400] =	vst v63  }
0xbe: {  	_ =	swait.ge [sflag:s21], $0x4000  }
0xbf: {  	[sflag:s21] =	ssyncset.done $0x0  }
0xc0: {  	[sflag:s21] =	ssyncadd.s32 $0xFFFFC000  }
0xc1: {  	[spmem:s1] =	stream.indirect.scatter.add.f32 [tilespmem:s16], [sflag:$0x3], $0x80, s24, s19, $0xb8;
	[tilespmem:$0x1E400] =	vst v63  }
0xc2: {  	_ =	swait.ge [sflag:s17], $0x4000  }
0xc3: {  	[sflag:s17] =	ssyncset.done $0x0  }
0xc4: {  	[sflag:s17] =	ssyncadd.s32 $0xFFFFC000  }
0xc5: {  	_ =	swait.ge [sflag:s22], $0x4000  }
0xc6: {  	[sflag:s22] =	ssyncset.done $0x0  }
0xc7: {  	[sflag:s22] =	ssyncadd.s32 $0xFFFFC000  }
0xc8: {  	[spmem:s1] =	stream.indirect.scatter.add.f32 [tilespmem:s20], [sflag:$0x3], $0x80, s25, s19, $0xb8;
	[tilespmem:$0x1E400] =	vst v63  }
0xc9: {  	_ =	swait.ge [sflag:s17], $0x4000  }
0xca: {  	s3 =	sadd.s32 $0x1, s3;
	s30 =	sshll.u32 s2, $0x6;
	[sflag:s17] =	ssyncset.done $0x0  }
0xcb: {  	p0 =	sne.s32 s3, s15;
	s26 =	sor.u32 $0x1C03, s30;
	[sflag:s17] =	ssyncadd.s32 $0xFFFFC000  }
.Ltmp3:
0xcc: {  	s31 =	sshrl.u32 s5, $0x3;
	[bflag:$0x0] =	sbarrier.arrive $0xFFFF;
	(pc) =	sbr.rel @p0 .LBB2_1-.Ltmp3, $4  }
0xcd: {  	[hbm:s14], [sflag:s26] =	dma.local [spmem:s31], $0x2780  }
0xce: {  	_ =	swait.ge [sflag:s17], $0x2780  }
0xcf: {  	[sflag:s17] =	ssyncset.done $0x0  }
0xd0: {  	[sflag:s17] =	ssyncadd.s32 $0xFFFFD880  }
0xd1: {  	_ =	sfence.sel $0x180000  }
0xd2: {  	[bflag:$0x0] =	sbarrier.arrive $0xFFFF  }
0xd3: {  	p0 =	sne.s32 s2, $0x0;
	_ =	strace $0x9000004A  }
0xd4: {  	s0 =	sadd.s32 @!p0 $0x100000, s0;
	[bflag:$0x2] =	sbarrier.arrive $0xFFFF  }
0xd5: {  	[sflag:s0] =	ssyncadd.tile.s32 @!p0 $0x1;
	_ =	shalt  }
.Lfunc_end2:
_tile_overlayer_lowered:
.L_overlay_start_2:
0xd6: {  	(tag) =	ssettag $0x2  }
0xd7: {  	s0 =	rddreg [dreg:$0x0];
	s2 =	stileid.u32  }
0xd8: {  	s1 =	rddreg [dreg:$0x1];
	p0 =	sne.s32 s2, $0x0  }
0xd9: {  	s3 =	rddreg [dreg:$0x2];
	[bflag:$0x3] =	sbarrier.arrive $0xFFFF;
	s2 =	simm.s32 @!p0 $0x1C03  }
0xda: {  	[timem:s3], [sflag:s2] =	dma.local @!p0 [hbm:s0], s1  }
0xdb: {  	s0 =	simm.s32 @!p0 $0x3  }
0xdc: {  	_ =	swait.ge @!p0 [sflag:s0], s1  }
0xdd: {  	s1 =	ssub.s32 @!p0 $0x0, s1;
	[sflag:s0] =	ssyncset.done @!p0 $0x0  }
0xde: {  	[sflag:s0] =	ssyncadd.s32 @!p0 s1  }
0xdf: {  	[bflag:$0x3] =	sbarrier.arrive $0xFFFF  }
0xe0: {  	_ =	shalt  }

// kernel: kernel.14.cloned.1.call-start
scs
__scs_entry_jumppad:
0x0: {  	(pc) =	sbr.rel $0x88, $3  }
0x1: {  	(tag) =	ssettag $0x0;
	lr =	simm.s32 $0x1  }
0x2: {  	[smem:$0x3F99] =	sst lr;
	_ =	strace $0xD0000000  }
0x3: {  	_ = 	snop  }
0x4: {  	_ = 	snop  }
0x5: {  	_ = 	snop  }
0x6: {  	_ = 	snop  }
0x7: {  	_ = 	snop  }
__scs_overlays_trampoline_lowered:
0x8: {  	[smem:$0x3FA8] =	sst s0  }
0x9: {  	[smem:$0x3FA9] =	sst s1  }
0xa: {  	[smem:$0x3FAA] =	sst s2  }
0xb: {  	[smem:$0x3FAB] =	sst s3  }
0xc: {  	[smem:$0x3FAC] =	sst s4  }
0xd: {  	[smem:$0x3FAD] =	sst s5  }
0xe: {  	[smem:$0x3FAE] =	sst s6  }
0xf: {  	[smem:$0x3FAF] =	sst s7  }
0x10: {  	[smem:$0x3FB0] =	sst s8  }
0x11: {  	[smem:$0x3FB1] =	sst s9;
	s0 =	simm.s32 @!p0 $0x0  }
0x12: {  	s1 =	sld [smem:$0x3F97];
	s0 =	simm.s32 @p0 $0x1  }
0x13: {  	[smem:$0x3FB2] =	sst s0;
	s0 =	simm.s32 @!p1 $0x0  }
0x14: {  	s2 =	sld [smem:$0x3F96];
	s0 =	simm.s32 @p1 $0x1  }
0x15: {  	[smem:$0x3FB3] =	sst s0;
	s0 =	simm.s32 @!p2 $0x0  }
0x16: {  	s3 =	sld [smem:$0x3FDB];
	s0 =	simm.s32 @p2 $0x1  }
0x17: {  	s4 =	simm.s32 $0x1BF5;
	[smem:$0x3FB5] =	sst s0  }
0x18: {  	s0 =	sld [smem:$0x3F98];
	_ =	swait.ge [sflag:s4], $0x0  }
0x19: {  	s7 =	sld [smem:$0x3F99]  }
0x1a: {  	s8 =	sadd.s32 $0xFFFFE003, lr  }
0x1b: {  	s9 =	sadd.s32 $0xFFFFFEF7, lr;
	s5 =	simm.s32 $0xFFFFFFFF;
	p2 =	slt.u32 s8, $0xFFFFF086  }
0x1c: {  	p1 =	slt.u32 s9, $0xF7A;
	s5 =	simm.s32 @!p2 $0x0  }
0x1d: {  	s5 =	simm.s32 @p1 $0x1;
	p0 =	seq.s32 s7, s2  }
0x1e: {  	s7 =	smul.u32 @!p0 $0xF7A, s2;
	p2 =	seq.s32 @!p0 s5, $0x0  }
0x1f: {  	s9 =	smul.u32 $0xF7A, s1;
	s8 =	simm.s32 @!p0 $0x1BF5;
	p2 =	por !p2, p0  }
0x20: {  	[sflag:s8] =	ssyncset.s32 @!p0 $0xFFFFF086;
	s6 =	sadd.s32 @!p0 s3, s7;
	s7 =	simm.s32 @!p0 $0x108  }
0x21: {  	s3 =	sadd.s32 s3, s9;
	s6 =	sadd.s32 @!p0 $0x88, s6;
	s7 =	simm.s32 @p2 $0x1082  }
0x22: {  	[simem:s7], [sflag:s8] =	dma.local @!p0 [hbm:s6], $0xF7A  }
0x23: {  	s9 =	sor.u32 $0xD0000000, s2;
	s6 =	simm.s32 $0x108;
	_ =	swait.ge @!p0 [sflag:s8], $0x0  }
0x24: {  	s3 =	sadd.s32 $0x88, s3;
	s6 =	simm.s32 @!p1 $0x1082;
	[sflag:s4] =	ssyncset.s32 $0xFFFFF086  }
0x25: {  	[simem:s6], [sflag:s4] =	dma.local [hbm:s3], $0xF7A  }
0x26: {  	[smem:$0x3F99] =	sst s1;
	(tag) =	ssettag s2;
	_ =	strace s9  }
0x27: {  	s1 =	sld [smem:$0x3FA9]  }
0x28: {  	s2 =	sld [smem:$0x3FAA]  }
0x29: {  	s4 =	sld [smem:$0x3FAC]  }
0x2a: {  	p0 =	seq.s32 s5, $0x0;
	s5 =	sld [smem:$0x3FAD]  }
0x2b: {  	s6 =	sld [smem:$0x3FAE]  }
0x2c: {  	s7 =	sld [smem:$0x3FAF]  }
0x2d: {  	s3 =	simm.s32 $0x108;
	s8 =	sld [smem:$0x3FB0]  }
0x2e: {  	s3 =	simm.s32 @!p0 $0x1082;
	s9 =	sld [smem:$0x3FB1]  }
0x2f: {  	lr =	sadd.s32 s0, s3;
	s0 =	sld [smem:$0x3FA8]  }
0x30: {  	s3 =	sld [smem:$0x3FAB]  }
0x31: {  	[smem:$0x3FB4] =	sst s10  }
0x32: {  	s10 =	sld [smem:$0x3FB2];
	_ =	sdelay $0x3  }
0x33: {  	p0 =	seq.s32 s10, $0x1;
	s10 =	sld [smem:$0x3FB4];
	_ =	sdelay $0x3  }
0x34: {  	[smem:$0x3FB4] =	sst s10  }
0x35: {  	s10 =	sld [smem:$0x3FB3];
	_ =	sdelay $0x3  }
0x36: {  	p1 =	seq.s32 s10, $0x1;
	s10 =	sld [smem:$0x3FB4];
	_ =	sdelay $0x3  }
0x37: {  	[smem:$0x3FB4] =	sst s10  }
0x38: {  	s10 =	sld [smem:$0x3FB5]  }
0x39: {  	_ = 	snop;
	(pc) =	sbr.ind lr, $3  }
0x3a: {  	_ = 	snop  }
0x3b: {  	_ = 	snop  }
0x3c: {  	p2 =	seq.s32 s10, $0x1;
	s10 =	sld [smem:$0x3FB4]  }
0x3d: {  	_ =	shalt  }
0x3e: {  	_ =	shalt  }
0x3f: {  	_ =	shalt  }
0x40: {  	_ =	shalt  }
0x41: {  	_ =	shalt  }
0x42: {  	_ =	shalt  }
0x43: {  	_ =	shalt  }
0x44: {  	_ =	shalt  }
0x45: {  	_ =	shalt  }
0x46: {  	_ =	shalt  }
0x47: {  	_ =	shalt  }
0x48: {  	_ =	shalt  }
0x49: {  	_ =	shalt  }
0x4a: {  	_ =	shalt  }
0x4b: {  	_ =	shalt  }
0x4c: {  	_ =	shalt  }
0x4d: {  	_ =	shalt  }
0x4e: {  	_ =	shalt  }
0x4f: {  	_ =	shalt  }
0x50: {  	_ =	shalt  }
0x51: {  	_ =	shalt  }
0x52: {  	_ =	shalt  }
0x53: {  	_ =	shalt  }
0x54: {  	_ =	shalt  }
0x55: {  	_ =	shalt  }
0x56: {  	_ =	shalt  }
0x57: {  	_ =	shalt  }
0x58: {  	_ =	shalt  }
0x59: {  	_ =	shalt  }
0x5a: {  	_ =	shalt  }
0x5b: {  	_ =	shalt  }
0x5c: {  	_ =	shalt  }
0x5d: {  	_ =	shalt  }
0x5e: {  	_ =	shalt  }
0x5f: {  	_ =	shalt  }
0x60: {  	_ =	shalt  }
0x61: {  	_ =	shalt  }
0x62: {  	_ =	shalt  }
0x63: {  	_ =	shalt  }
0x64: {  	_ =	shalt  }
0x65: {  	_ =	shalt  }
0x66: {  	_ =	shalt  }
0x67: {  	_ =	shalt  }
0x68: {  	_ =	shalt  }
0x69: {  	_ =	shalt  }
0x6a: {  	_ =	shalt  }
0x6b: {  	_ =	shalt  }
0x6c: {  	_ =	shalt  }
0x6d: {  	_ =	shalt  }
0x6e: {  	_ =	shalt  }
0x6f: {  	_ =	shalt  }
0x70: {  	_ =	shalt  }
0x71: {  	_ =	shalt  }
0x72: {  	_ =	shalt  }
0x73: {  	_ =	shalt  }
0x74: {  	_ =	shalt  }
0x75: {  	_ =	shalt  }
0x76: {  	_ =	shalt  }
0x77: {  	_ =	shalt  }
0x78: {  	_ =	shalt  }
0x79: {  	_ =	shalt  }
0x7a: {  	_ =	shalt  }
0x7b: {  	_ =	shalt  }
0x7c: {  	_ =	shalt  }
0x7d: {  	_ =	shalt  }
0x7e: {  	_ =	shalt  }
0x7f: {  	_ =	shalt  }
0x80: {  	_ =	shalt  }
0x81: {  	_ =	shalt  }
0x82: {  	_ =	shalt  }
0x83: {  	_ =	shalt  }
0x84: {  	_ =	shalt  }
0x85: {  	_ =	shalt  }
0x86: {  	_ =	shalt  }
0x87: {  	_ =	shalt  }
.Lfunc_end0:
.L_simem_size_0:
called_computation.2_lowered:
.L_overlay_start_0:
0x88: {  	s2 =	sld [smem:$0x3FD9]  }
0x89: {  	s3 =	sld [smem:$0x3FFE];
	_ =	sdelay $0x1  }
0x8a: {  	s1 =	srdreg.scid  }
0x8b: {  	s0 =	sand.u32 $0x1, s1  }
0x8c: {  	s16 =	sshll.u32 s0, $0xA;
	s2 =	sadd.s32 s3, s2  }
0x8d: {  	s2 =	sadd.s32 s2, s16  }
0x8e: {  	[smem:$0x3FC0] =	sst s2  }
0x8f: {  	_ = 	snop  }
0x90: {  	(tm) =	ssettm $0x1  }
0x91: {  	s17 =	sld [smem:$0x3FFB];
	_ =	sdelay $0x3  }
0x92: {  	_ =	strace s17  }
0x93: {  	s2 =	sld [smem:$0x3FFC];
	_ =	sdelay $0x3  }
0x94: {  	_ =	strace s2  }
0x95: {  	s2 =	sld [smem:$0x3FFD];
	_ =	sdelay $0x3  }
0x96: {  	_ =	strace s2  }
0x97: {  	_ =	strace $0x8FFFFFFF  }
0x98: {  	s18 =	sld [smem:$0x3FDB];
	_ =	sdelay $0x1  }
0x99: {  	s19 =	simm.s32 $_scs_section_size  }
0x9a: {  	s4 =	simm.s32 $_size__tile_overlayer_lowered;
	s5 =	simm.s32 $_tile_overlayer_lowered  }
0x9b: {  	s22 =	simm.s32 $0x1BFF;
	s21 =	sshll.u32 s5, $0x1;
	s2 =	sadd.s32 s19, s18  }
0x9c: {  	s6 =	simm.s32 $0x0;
	s20 =	sshll.u32 s4, $0x1;
	s4 =	sadd.s32 s21, s2  }
0x9d: {  	[timem:s6], [sflag:s22] =	dma.local [hbm:s4], s20  }
0x9e: {  	_ =	swait.ge [sflag:s22], s20  }
0x9f: {  	s3 =	ssub.s32 $0x0, s20;
	[sflag:s22] =	ssyncset.done $0x0  }
0xa0: {  	[sflag:s22] =	ssyncadd.s32 s3;
	_ =	sdelay $0x1  }
0xa1: {  	s23 =	simm.s32 $0x1B8B  }
0xa2: {  	_ =	swait.ge [sflag:s23], $0x1  }
0xa3: {  	[sflag:s23] =	ssyncset.done $0x0  }
0xa4: {  	s25 =	simm.s32 $0x1B8E;
	s24 =	sld [smem:$0x3FFE];
	[sflag:s23] =	ssyncadd.s32 $0xFFFFFFFF  }
0xa5: {  	s26 =	simm.s32 $execute0_lowered;
	[smem:$0x3FD2] =	sst s25  }
0xa6: {  	s4 =	sshll.u32 s26, $0x1;
	_ =	strace $0x8000004C;
	[dreg:$0x1] =	wrdreg $0xFFFFFFFF  }
0xa7: {  	s28 =	simm.s32 $_size_execute0_lowered;
	s2 =	sadd.s32 s2, s4;
	[dreg:$0x0] =	wrdreg $0x0  }
0xa8: {  	s4 =	sshll.u32 s28, $0x1;
	[dreg:$0x2] =	wrdreg s2  }
0xa9: {  	[dreg:$0x3] =	wrdreg s4  }
0xaa: {  	[dreg:$0x4] =	wrdreg $0xC0  }
0xab: {  	_ =	task [dreg:s6], $0x5FFFF  }
0xac: {  	[dreg:$0x1] =	wrdreg $0xFFFFFFFF  }
0xad: {  	[dreg:$0x0] =	wrdreg $0x60  }
0xae: {  	[dreg:$0x2] =	wrdreg s24  }
0xaf: {  	[dreg:$0x3] =	wrdreg $0xA8000  }
0xb0: {  	[dreg:$0x4] =	wrdreg $0x9  }
0xb1: {  	_ =	task.clear_ibuf [dreg:s6], $0x5FFFF;
	_ =	strace $0x9000004C  }
0xb2: {  	s29 =	simm.s32 $0x9;
	_ =	strace $0x8000004E  }
0xb3: {  	_ =	swait.ge [sflag:s29], $0x1  }
0xb4: {  	[sflag:s29] =	ssyncadd.s32 $0xFFFFFFFF  }
0xb5: {  	_ =	strace $0x9000004E  }
0xb6: {  	_ =	sfence  }
0xb7: {  	s30 =	sld [smem:$0x0];
	_ =	sdelay $0x2  }
0xb8: {  	s31 =	sshll.u32 s1, $0xD;
	s1 =	sshrl.u32 s1, $0x2  }
0xb9: {  	s3 =	sand.u32 $0x4000, s31;
	s1 =	sadd.s32 s1, s30  }
0xba: {  	s0 =	sor.u32 s3, s0;
	s1 =	sshll.u32 s1, $0x11  }
0xbb: {  	s0 =	sor.u32 s1, s0  }
0xbc: {  	s0 =	sadd.s32 $0x8F2B, s0  }
0xbd: {  	[sflag:s0] =	ssyncadd.remote.s32 $0x1  }
0xbe: {  	_ =	sfence.sel $0xFFFF  }
0xbf: {  	[dreg:$0x0] =	wrdreg $0xFFFFFFFF;
	(pc) =	sbr.abs _section_cstart, $3  }
0xc0: {  	[dreg:$0x1] =	wrdreg $0xFFFFFFFF  }
0xc1: {  	_ =	task.clear_ibuf [dreg:s6], $0x2FFFF;
	_ =	strace $0x9FFFFFFF  }
0xc2: {  	(tm) =	ssettm $0x7FFFFFFF  }
0xc3: {  	_ =	shalt  }
tec
execute0_lowered:
.L_overlay_start_1:
0x0: {  	(tag) =	ssettag $0x1  }
0x1: {  	s6 =	rddreg [dreg:$0x0]  }
0x2: {  	s1 =	rddreg [dreg:$0x1];
	s2 =	srdreg.scid  }
0x3: {  	s0 =	rddreg [dreg:$0x2];
	s3 =	simm.s32 $0x0;
	s17 =	simm.s32 $0x3  }
0x4: {  	s18 =	simm.s32 $0x1400;
	s19 =	simm.s32 $0x80;
	s20 =	simm.s32 $0x6800  }
0x5: {  	s21 =	simm.s32 $0x1;
	s22 =	simm.s32 $0x2;
	s23 =	simm.s32 $0x1380  }
0x6: {  	s24 =	simm.s32 $0x2700;
	s5 =	sand.u32 $0x1, s2;
	s2 =	stileid.u32  }
0x7: {  	s25 =	simm.s32 $0x2780;
	[smem:$0x7FF] =	sst s3;
	s7 =	smul.u32 $0x13C000, s5  }
0x8: {  	s4 =	sadd.s32 $0x7A600, s6;
	s12 =	sadd.s32 $0x21600, s6;
	s8 =	smul.u32 $0x13C00, s2  }
0x9: {  	s13 =	sadd.s32 $0xD800, s6;
	s29 =	smul.u32 $0x4F000, s2;
	s9 =	sshll.u32 s5, $0x4  }
0xa: {  	_ =	strace $0x8000004D;
	s10 =	ssub.s32 $0x2, s5;
	s9 =	sor.u32 s2, s9  }
0xb: {  	s31 =	sshrl.u32 s10, $0x1;
	s7 =	sadd.s32 s8, s7;
	s30 =	sshrl.u32 s29, $0x2  }
0xc: {  	s9 =	smul.u32 $0x2800, s9;
	s15 =	ssub.s32 s10, s31;
	s7 =	sshrl.u32 s7, $0x3  }
0xd: {  	s5 =	sadd.s32 s30, s1;
	s15 =	smax.u32 s15, $0x1;
	s14 =	sadd.s32 s7, s6  }
0xe: {  	s6 =	sadd.s32 $0x4000, s5;
	s7 =	sadd.s32 $0x8000, s5;
	s11 =	sshrl.u32 s9, $0x3  }
0xf: {  	s8 =	sadd.s32 $0xC000, s5;
	s9 =	sadd.s32 $0x10000, s5;
	s10 =	sadd.s32 s12, s11  }
0x10: {  	s16 =	sadd.s32 $0x280, s11;
	s11 =	sadd.s32 s13, s11;
	s14 =	sadd.s32 $0xA1800, s14  }
0x11: {  	v0 =	vimm.f32 $0.0e+00;
	s12 =	sadd.s32 s12, s16;
	s13 =	sadd.s32 s13, s16;
	s16 =	simm.s32 $0x2800  }
.LBB2_1:
0x12: {  	s26 =	simm.s32 $0x0;
	s28 =	simm.s32 $0x200  }
.LBB2_2:
0x13: {  	p0 =	sne.s32 s28, $0xFE00;
	[tilespmem:s26+$0x2870] =	vst v0  }
0x14: {  	[tilespmem:s26+$0x2800] =	vst v0  }
0x15: {  	[tilespmem:s26+$0x2810] =	vst v0  }
.Ltmp0:
0x16: {  	[tilespmem:s26+$0x2820] =	vst v0;
	(pc) =	sbr.rel @p0 .LBB2_2-.Ltmp0, $4  }
0x17: {  	[tilespmem:s26+$0x2830] =	vst v0  }
0x18: {  	[tilespmem:s26+$0x2840] =	vst v0  }
0x19: {  	[tilespmem:s26+$0x2850] =	vst v0  }
0x1a: {  	[tilespmem:s26+$0x2860] =	vst v0;
	s26 =	sshra.s32 s28, $0x2;
	s28 =	sadd.s32 $0x200, s28  }
0x1b: {  	[tilespmem:s26+$0x2870] =	vst v0  }
0x1c: {  	[tilespmem:s26+$0x2800] =	vst v0  }
0x1d: {  	[tilespmem:s26+$0x2810] =	vst v0  }
0x1e: {  	[tilespmem:s26+$0x2820] =	vst v0  }
0x1f: {  	[tilespmem:s26+$0x2830] =	vst v0  }
0x20: {  	[tilespmem:s26+$0x2840] =	vst v0  }
0x21: {  	[tilespmem:s26+$0x2850] =	vst v0  }
0x22: {  	[tilespmem:s26+$0x2860] =	vst v0  }
0x23: {  	[spmem:s5] =	stream.linear.scatter [tilespmem:s16], [sflag:$0x3], $0x4000, $0x38;
	[tilespmem:$0x1E400] =	vst v63  }
0x24: {  	_ =	swait.ge [sflag:s17], $0x4000  }
0x25: {  	[sflag:s17] =	ssyncset.done $0x0  }
0x26: {  	[sflag:s17] =	ssyncadd.s32 $0xFFFFC000  }
0x27: {  	[spmem:s6] =	stream.linear.scatter [tilespmem:s16], [sflag:$0x3], $0x4000, $0x38;
	[tilespmem:$0x1E400] =	vst v63  }
0x28: {  	_ =	swait.ge [sflag:s17], $0x4000  }
0x29: {  	[sflag:s17] =	ssyncset.done $0x0  }
0x2a: {  	[sflag:s17] =	ssyncadd.s32 $0xFFFFC000  }
0x2b: {  	[spmem:s7] =	stream.linear.scatter [tilespmem:s16], [sflag:$0x3], $0x4000, $0x38;
	[tilespmem:$0x1E400] =	vst v63  }
0x2c: {  	_ =	swait.ge [sflag:s17], $0x4000  }
0x2d: {  	[sflag:s17] =	ssyncset.done $0x0  }
0x2e: {  	[sflag:s17] =	ssyncadd.s32 $0xFFFFC000  }
0x2f: {  	[spmem:s8] =	stream.linear.scatter [tilespmem:s16], [sflag:$0x3], $0x4000, $0x38;
	[tilespmem:$0x1E400] =	vst v63  }
0x30: {  	_ =	swait.ge [sflag:s17], $0x4000  }
0x31: {  	[sflag:s17] =	ssyncset.done $0x0  }
0x32: {  	[sflag:s17] =	ssyncadd.s32 $0xFFFFC000  }
0x33: {  	[spmem:s9] =	stream.linear.scatter [tilespmem:s16], [sflag:$0x3], $0x3C00, $0x38;
	[tilespmem:$0x1E400] =	vst v63  }
0x34: {  	_ =	swait.ge [sflag:s17], $0x3C00  }
0x35: {  	[sflag:s17] =	ssyncset.done $0x0  }
0x36: {  	[sflag:s17] =	ssyncadd.s32 $0xFFFFC400  }
0x37: {  	s30 =	simm.s32 $0x0;
	[bflag:$0x0] =	sbarrier.arrive $0xFFFF  }
0x38: {  	[tilespmem:s30], [sflag:$0x3] =	stream.linear.gather [hbm4b:s10+s30], $0x1400, $0x38;
	[tilespmem:$0x1E400] =	vst v63  }
0x39: {  	_ =	swait.ge [sflag:s17], $0x1400  }
0x3a: {  	[sflag:s17] =	ssyncset.done $0x0  }
0x3b: {  	[sflag:s17] =	ssyncadd.s32 $0xFFFFEC00  }
0x3c: {  	[tilespmem:s18], [sflag:$0x3] =	stream.linear.gather [hbm4b:s11+s30], $0x1400, $0x38;
	[tilespmem:$0x1E400] =	vst v63  }
0x3d: {  	_ =	swait.ge [sflag:s17], $0x1400  }
0x3e: {  	[sflag:s17] =	ssyncset.done $0x0  }
0x3f: {  	[sflag:s17] =	ssyncadd.s32 $0xFFFFEC00  }
0x40: {  	[tilespmem:s16], [sflag:$0x1] =	stream.indirect.gather [hbm4b:s4+s19], $0x80, s30, s19, $0xb8;
	[tilespmem:$0x1E400] =	vst v63  }
0x41: {  	s31 =	simm.s32 $0x80  }
0x42: {  	[tilespmem:s20], [sflag:$0x2] =	stream.indirect.gather [hbm4b:s4+s19], $0x80, s31, s19, $0xb8;
	[tilespmem:$0x1E400] =	vst v63  }
0x43: {  	_ =	swait.ge [sflag:s21], $0x4000  }
0x44: {  	[sflag:s21] =	ssyncset.done $0x0  }
0x45: {  	s29 =	simm.s32 $0x1400;
	[sflag:s21] =	ssyncadd.s32 $0xFFFFC000  }
0x46: {  	[spmem:s1] =	stream.indirect.scatter.add.f32 [tilespmem:s16], [sflag:$0x3], $0x80, s29, s19, $0xb8;
	[tilespmem:$0x1E400] =	vst v63  }
0x47: {  	_ =	swait.ge [sflag:s17], $0x4000  }
0x48: {  	[sflag:s17] =	ssyncset.done $0x0  }
0x49: {  	s30 =	simm.s32 $0x100;
	[sflag:s17] =	ssyncadd.s32 $0xFFFFC000  }
0x4a: {  	[tilespmem:s16], [sflag:$0x1] =	stream.indirect.gather [hbm4b:s4+s19], $0x80, s30, s19, $0xb8;
	[tilespmem:$0x1E400] =	vst v63  }
0x4b: {  	_ =	swait.ge [sflag:s22], $0x4000  }
0x4c: {  	[sflag:s22] =	ssyncset.done $0x0  }
0x4d: {  	s31 =	simm.s32 $0x1480;
	[sflag:s22] =	ssyncadd.s32 $0xFFFFC000  }
0x4e: {  	[spmem:s1] =	stream.indirect.scatter.add.f32 [tilespmem:s20], [sflag:$0x3], $0x80, s31, s19, $0xb8;
	[tilespmem:$0x1E400] =	vst v63  }
0x4f: {  	_ =	swait.ge [sflag:s17], $0x4000  }
0x50: {  	s28 =	simm.s32 $0x800;
	s26 =	simm.s32 $0x100;
	[sflag:s17] =	ssyncset.done $0x0  }
.LBB2_4:
0x51: {  	s29 =	sadd.s32 $0x80, s26  }
0x52: {  	[sflag:s17] =	ssyncadd.s32 $0xFFFFC000;
	s30 =	smov.u32 s28;
	s31 =	sadd.s32 $0x400, s28  }
0x53: {  	[tilespmem:s20], [sflag:$0x2] =	stream.indirect.gather [hbm4b:s4+s19], $0x80, s29, s19, $0xb8;
	[tilespmem:$0x1E400] =	vst v63  }
0x54: {  	p0 =	sne.s32 s28, $0x4800;
	_ =	swait.ge [sflag:s21], $0x4000  }
0x55: {  	[sflag:s21] =	ssyncset.done $0x0  }
0x56: {  	s28 =	sadd.s32 $0x1400, s26;
	[sflag:s21] =	ssyncadd.s32 $0xFFFFC000  }
0x57: {  	[spmem:s1] =	stream.indirect.scatter.add.f32 [tilespmem:s16], [sflag:$0x3], $0x80, s28, s19, $0xb8;
	[tilespmem:$0x1E400] =	vst v63  }
0x58: {  	_ =	swait.ge [sflag:s17], $0x4000  }
0x59: {  	[sflag:s17] =	ssyncset.done $0x0  }
0x5a: {  	s28 =	sadd.s32 $0x100, s26;
	[sflag:s17] =	ssyncadd.s32 $0xFFFFC000  }
0x5b: {  	[tilespmem:s16], [sflag:$0x1] =	stream.indirect.gather [hbm4b:s4+s19], $0x80, s28, s19, $0xb8;
	[tilespmem:$0x1E400] =	vst v63  }
0x5c: {  	_ =	swait.ge [sflag:s22], $0x4000  }
.Ltmp1:
0x5d: {  	[sflag:s22] =	ssyncset.done $0x0;
	(pc) =	sbr.rel @p0 .LBB2_4-.Ltmp1, $4  }
0x5e: {  	s26 =	sadd.s32 $0x1480, s26;
	[sflag:s22] =	ssyncadd.s32 $0xFFFFC000  }
0x5f: {  	[spmem:s1] =	stream.indirect.scatter.add.f32 [tilespmem:s20], [sflag:$0x3], $0x80, s26, s19, $0xb8;
	[tilespmem:$0x1E400] =	vst v63  }
0x60: {  	_ =	swait.ge [sflag:s17], $0x4000  }
0x61: {  	s28 =	smov.u32 s31;
	s26 =	sshra.s32 s30, $0x2;
	[sflag:s17] =	ssyncset.done $0x0  }
0x62: {  	s28 =	sadd.s32 $0x80, s26;
	[sflag:s17] =	ssyncadd.s32 $0xFFFFC000  }
0x63: {  	[tilespmem:s20], [sflag:$0x2] =	stream.indirect.gather [hbm4b:s4+s19], $0x80, s28, s19, $0xb8;
	[tilespmem:$0x1E400] =	vst v63  }
0x64: {  	_ =	swait.ge [sflag:s21], $0x4000  }
0x65: {  	[sflag:s21] =	ssyncset.done $0x0  }
0x66: {  	s28 =	sadd.s32 $0x1400, s26;
	[sflag:s21] =	ssyncadd.s32 $0xFFFFC000  }
0x67: {  	[spmem:s1] =	stream.indirect.scatter.add.f32 [tilespmem:s16], [sflag:$0x3], $0x80, s28, s19, $0xb8;
	[tilespmem:$0x1E400] =	vst v63  }
0x68: {  	_ =	swait.ge [sflag:s17], $0x4000  }
0x69: {  	[sflag:s17] =	ssyncset.done $0x0  }
0x6a: {  	s28 =	sadd.s32 $0x100, s26;
	[sflag:s17] =	ssyncadd.s32 $0xFFFFC000  }
0x6b: {  	[tilespmem:s16], [sflag:$0x1] =	stream.indirect.gather [hbm4b:s4+s19], $0x80, s28, s19, $0xb8;
	[tilespmem:$0x1E400] =	vst v63  }
0x6c: {  	_ =	swait.ge [sflag:s22], $0x4000  }
0x6d: {  	[sflag:s22] =	ssyncset.done $0x0  }
0x6e: {  	s29 =	sadd.s32 $0x1480, s26;
	[sflag:s22] =	ssyncadd.s32 $0xFFFFC000  }
0x6f: {  	[spmem:s1] =	stream.indirect.scatter.add.f32 [tilespmem:s20], [sflag:$0x3], $0x80, s29, s19, $0xb8;
	[tilespmem:$0x1E400] =	vst v63  }
0x70: {  	_ =	swait.ge [sflag:s17], $0x4000  }
0x71: {  	[sflag:s17] =	ssyncset.done $0x0  }
0x72: {  	[sflag:s17] =	ssyncadd.s32 $0xFFFFC000  }
0x73: {  	[tilespmem:s20], [sflag:$0x2] =	stream.indirect.gather [hbm4b:s4+s19], $0x80, s23, s19, $0xb8;
	[tilespmem:$0x1E400] =	vst v63  }
0x74: {  	_ =	swait.ge [sflag:s21], $0x4000  }
0x75: {  	[sflag:s21] =	ssyncset.done $0x0  }
0x76: {  	[sflag:s21] =	ssyncadd.s32 $0xFFFFC000  }
0x77: {  	[spmem:s1] =	stream.indirect.scatter.add.f32 [tilespmem:s16], [sflag:$0x3], $0x80, s24, s19, $0xb8;
	[tilespmem:$0x1E400] =	vst v63  }
0x78: {  	_ =	swait.ge [sflag:s17], $0x4000  }
0x79: {  	[sflag:s17] =	ssyncset.done $0x0  }
0x7a: {  	[sflag:s17] =	ssyncadd.s32 $0xFFFFC000  }
0x7b: {  	_ =	swait.ge [sflag:s22], $0x4000  }
0x7c: {  	[sflag:s22] =	ssyncset.done $0x0  }
0x7d: {  	[sflag:s22] =	ssyncadd.s32 $0xFFFFC000  }
0x7e: {  	[spmem:s1] =	stream.indirect.scatter.add.f32 [tilespmem:s20], [sflag:$0x3], $0x80, s25, s19, $0xb8;
	[tilespmem:$0x1E400] =	vst v63  }
0x7f: {  	_ =	swait.ge [sflag:s17], $0x4000  }
0x80: {  	[sflag:s17] =	ssyncset.done $0x0  }
0x81: {  	s30 =	simm.s32 $0x0;
	[sflag:s17] =	ssyncadd.s32 $0xFFFFC000  }
0x82: {  	[tilespmem:s30], [sflag:$0x3] =	stream.linear.gather [hbm4b:s12+s30], $0x1400, $0x38;
	[tilespmem:$0x1E400] =	vst v63  }
0x83: {  	_ =	swait.ge [sflag:s17], $0x1400  }
0x84: {  	[sflag:s17] =	ssyncset.done $0x0  }
0x85: {  	[sflag:s17] =	ssyncadd.s32 $0xFFFFEC00  }
0x86: {  	[tilespmem:s18], [sflag:$0x3] =	stream.linear.gather [hbm4b:s13+s30], $0x1400, $0x38;
	[tilespmem:$0x1E400] =	vst v63  }
0x87: {  	_ =	swait.ge [sflag:s17], $0x1400  }
0x88: {  	[sflag:s17] =	ssyncset.done $0x0  }
0x89: {  	[sflag:s17] =	ssyncadd.s32 $0xFFFFEC00  }
0x8a: {  	[tilespmem:s16], [sflag:$0x1] =	stream.indirect.gather [hbm4b:s4+s19], $0x80, s30, s19, $0xb8;
	[tilespmem:$0x1E400] =	vst v63  }
0x8b: {  	s31 =	simm.s32 $0x80  }
0x8c: {  	[tilespmem:s20], [sflag:$0x2] =	stream.indirect.gather [hbm4b:s4+s19], $0x80, s31, s19, $0xb8;
	[tilespmem:$0x1E400] =	vst v63  }
0x8d: {  	_ =	swait.ge [sflag:s21], $0x4000  }
0x8e: {  	[sflag:s21] =	ssyncset.done $0x0  }
0x8f: {  	s29 =	simm.s32 $0x1400;
	[sflag:s21] =	ssyncadd.s32 $0xFFFFC000  }
0x90: {  	[spmem:s1] =	stream.indirect.scatter.add.f32 [tilespmem:s16], [sflag:$0x3], $0x80, s29, s19, $0xb8;
	[tilespmem:$0x1E400] =	vst v63  }
0x91: {  	_ =	swait.ge [sflag:s17], $0x4000  }
0x92: {  	[sflag:s17] =	ssyncset.done $0x0  }
0x93: {  	s30 =	simm.s32 $0x100;
	[sflag:s17] =	ssyncadd.s32 $0xFFFFC000  }
0x94: {  	[tilespmem:s16], [sflag:$0x1] =	stream.indirect.gather [hbm4b:s4+s19], $0x80, s30, s19, $0xb8;
	[tilespmem:$0x1E400] =	vst v63  }
0x95: {  	_ =	swait.ge [sflag:s22], $0x4000  }
0x96: {  	[sflag:s22] =	ssyncset.done $0x0  }
0x97: {  	s31 =	simm.s32 $0x1480;
	[sflag:s22] =	ssyncadd.s32 $0xFFFFC000  }
0x98: {  	[spmem:s1] =	stream.indirect.scatter.add.f32 [tilespmem:s20], [sflag:$0x3], $0x80, s31, s19, $0xb8;
	[tilespmem:$0x1E400] =	vst v63  }
0x99: {  	_ =	swait.ge [sflag:s17], $0x4000  }
0x9a: {  	s26 =	simm.s32 $0x100;
	s28 =	simm.s32 $0x800;
	[sflag:s17] =	ssyncset.done $0x0  }
.LBB2_6:
0x9b: {  	s29 =	sadd.s32 $0x80, s26  }
0x9c: {  	[sflag:s17] =	ssyncadd.s32 $0xFFFFC000;
	s30 =	smov.u32 s28;
	s31 =	sadd.s32 $0x400, s28  }
0x9d: {  	[tilespmem:s20], [sflag:$0x2] =	stream.indirect.gather [hbm4b:s4+s19], $0x80, s29, s19, $0xb8;
	[tilespmem:$0x1E400] =	vst v63  }
0x9e: {  	p0 =	sne.s32 s28, $0x4800;
	_ =	swait.ge [sflag:s21], $0x4000  }
0x9f: {  	[sflag:s21] =	ssyncset.done $0x0  }
0xa0: {  	s28 =	sadd.s32 $0x1400, s26;
	[sflag:s21] =	ssyncadd.s32 $0xFFFFC000  }
0xa1: {  	[spmem:s1] =	stream.indirect.scatter.add.f32 [tilespmem:s16], [sflag:$0x3], $0x80, s28, s19, $0xb8;
	[tilespmem:$0x1E400] =	vst v63  }
0xa2: {  	_ =	swait.ge [sflag:s17], $0x4000  }
0xa3: {  	[sflag:s17] =	ssyncset.done $0x0  }
0xa4: {  	s28 =	sadd.s32 $0x100, s26;
	[sflag:s17] =	ssyncadd.s32 $0xFFFFC000  }
0xa5: {  	[tilespmem:s16], [sflag:$0x1] =	stream.indirect.gather [hbm4b:s4+s19], $0x80, s28, s19, $0xb8;
	[tilespmem:$0x1E400] =	vst v63  }
0xa6: {  	_ =	swait.ge [sflag:s22], $0x4000  }
.Ltmp2:
0xa7: {  	[sflag:s22] =	ssyncset.done $0x0;
	(pc) =	sbr.rel @p0 .LBB2_6-.Ltmp2, $4  }
0xa8: {  	s26 =	sadd.s32 $0x1480, s26;
	[sflag:s22] =	ssyncadd.s32 $0xFFFFC000  }
0xa9: {  	[spmem:s1] =	stream.indirect.scatter.add.f32 [tilespmem:s20], [sflag:$0x3], $0x80, s26, s19, $0xb8;
	[tilespmem:$0x1E400] =	vst v63  }
0xaa: {  	_ =	swait.ge [sflag:s17], $0x4000  }
0xab: {  	s28 =	smov.u32 s31;
	s26 =	sshra.s32 s30, $0x2;
	[sflag:s17] =	ssyncset.done $0x0  }
0xac: {  	s28 =	sadd.s32 $0x80, s26;
	[sflag:s17] =	ssyncadd.s32 $0xFFFFC000  }
0xad: {  	[tilespmem:s20], [sflag:$0x2] =	stream.indirect.gather [hbm4b:s4+s19], $0x80, s28, s19, $0xb8;
	[tilespmem:$0x1E400] =	vst v63  }
0xae: {  	_ =	swait.ge [sflag:s21], $0x4000  }
0xaf: {  	[sflag:s21] =	ssyncset.done $0x0  }
0xb0: {  	s30 =	sadd.s32 $0x1400, s26;
	[sflag:s21] =	ssyncadd.s32 $0xFFFFC000  }
0xb1: {  	[spmem:s1] =	stream.indirect.scatter.add.f32 [tilespmem:s16], [sflag:$0x3], $0x80, s30, s19, $0xb8;
	[tilespmem:$0x1E400] =	vst v63  }
0xb2: {  	_ =	swait.ge [sflag:s17], $0x4000  }
0xb3: {  	[sflag:s17] =	ssyncset.done $0x0  }
0xb4: {  	s31 =	sadd.s32 $0x100, s26;
	[sflag:s17] =	ssyncadd.s32 $0xFFFFC000  }
0xb5: {  	[tilespmem:s16], [sflag:$0x1] =	stream.indirect.gather [hbm4b:s4+s19], $0x80, s31, s19, $0xb8;
	[tilespmem:$0x1E400] =	vst v63  }
0xb6: {  	_ =	swait.ge [sflag:s22], $0x4000  }
0xb7: {  	[sflag:s22] =	ssyncset.done $0x0  }
0xb8: {  	s29 =	sadd.s32 $0x1480, s26;
	[sflag:s22] =	ssyncadd.s32 $0xFFFFC000  }
0xb9: {  	[spmem:s1] =	stream.indirect.scatter.add.f32 [tilespmem:s20], [sflag:$0x3], $0x80, s29, s19, $0xb8;
	[tilespmem:$0x1E400] =	vst v63  }
0xba: {  	_ =	swait.ge [sflag:s17], $0x4000  }
0xbb: {  	[sflag:s17] =	ssyncset.done $0x0  }
0xbc: {  	[sflag:s17] =	ssyncadd.s32 $0xFFFFC000  }
0xbd: {  	[tilespmem:s20], [sflag:$0x2] =	stream.indirect.gather [hbm4b:s4+s19], $0x80, s23, s19, $0xb8;
	[tilespmem:$0x1E400] =	vst v63  }
0xbe: {  	_ =	swait.ge [sflag:s21], $0x4000  }
0xbf: {  	[sflag:s21] =	ssyncset.done $0x0  }
0xc0: {  	[sflag:s21] =	ssyncadd.s32 $0xFFFFC000  }
0xc1: {  	[spmem:s1] =	stream.indirect.scatter.add.f32 [tilespmem:s16], [sflag:$0x3], $0x80, s24, s19, $0xb8;
	[tilespmem:$0x1E400] =	vst v63  }
0xc2: {  	_ =	swait.ge [sflag:s17], $0x4000  }
0xc3: {  	[sflag:s17] =	ssyncset.done $0x0  }
0xc4: {  	[sflag:s17] =	ssyncadd.s32 $0xFFFFC000  }
0xc5: {  	_ =	swait.ge [sflag:s22], $0x4000  }
0xc6: {  	[sflag:s22] =	ssyncset.done $0x0  }
0xc7: {  	[sflag:s22] =	ssyncadd.s32 $0xFFFFC000  }
0xc8: {  	[spmem:s1] =	stream.indirect.scatter.add.f32 [tilespmem:s20], [sflag:$0x3], $0x80, s25, s19, $0xb8;
	[tilespmem:$0x1E400] =	vst v63  }
0xc9: {  	_ =	swait.ge [sflag:s17], $0x4000  }
0xca: {  	s3 =	sadd.s32 $0x1, s3;
	s30 =	sshll.u32 s2, $0x6;
	[sflag:s17] =	ssyncset.done $0x0  }
0xcb: {  	p0 =	sne.s32 s3, s15;
	s26 =	sor.u32 $0x1C03, s30;
	[sflag:s17] =	ssyncadd.s32 $0xFFFFC000  }
.Ltmp3:
0xcc: {  	s31 =	sshrl.u32 s5, $0x3;
	[bflag:$0x0] =	sbarrier.arrive $0xFFFF;
	(pc) =	sbr.rel @p0 .LBB2_1-.Ltmp3, $4  }
0xcd: {  	[hbm:s14], [sflag:s26] =	dma.local [spmem:s31], $0x2780  }
0xce: {  	_ =	swait.ge [sflag:s17], $0x2780  }
0xcf: {  	[sflag:s17] =	ssyncset.done $0x0  }
0xd0: {  	[sflag:s17] =	ssyncadd.s32 $0xFFFFD880  }
0xd1: {  	_ =	sfence.sel $0x180000  }
0xd2: {  	[bflag:$0x0] =	sbarrier.arrive $0xFFFF  }
0xd3: {  	p0 =	sne.s32 s2, $0x0;
	_ =	strace $0x9000004D  }
0xd4: {  	s0 =	sadd.s32 @!p0 $0x100000, s0;
	[bflag:$0x2] =	sbarrier.arrive $0xFFFF  }
0xd5: {  	[sflag:s0] =	ssyncadd.tile.s32 @!p0 $0x1;
	_ =	shalt  }
.Lfunc_end2:
_tile_overlayer_lowered:
.L_overlay_start_2:
0xd6: {  	(tag) =	ssettag $0x2  }
0xd7: {  	s0 =	rddreg [dreg:$0x0];
	s2 =	stileid.u32  }
0xd8: {  	s1 =	rddreg [dreg:$0x1];
	p0 =	sne.s32 s2, $0x0  }
0xd9: {  	s3 =	rddreg [dreg:$0x2];
	[bflag:$0x3] =	sbarrier.arrive $0xFFFF;
	s2 =	simm.s32 @!p0 $0x1C03  }
0xda: {  	[timem:s3], [sflag:s2] =	dma.local @!p0 [hbm:s0], s1  }
0xdb: {  	s0 =	simm.s32 @!p0 $0x3  }
0xdc: {  	_ =	swait.ge @!p0 [sflag:s0], s1  }
0xdd: {  	s1 =	ssub.s32 @!p0 $0x0, s1;
	[sflag:s0] =	ssyncset.done @!p0 $0x0  }
0xde: {  	[sflag:s0] =	ssyncadd.s32 @!p0 s1  }
0xdf: {  	[bflag:$0x3] =	sbarrier.arrive $0xFFFF  }
0xe0: {  	_ =	shalt  }

// kernel: kernel.8.cloned.1.call-start
scs
__scs_entry_jumppad:
0x0: {  	(pc) =	sbr.rel $0x88, $3  }
0x1: {  	(tag) =	ssettag $0x0;
	lr =	simm.s32 $0x1  }
0x2: {  	[smem:$0x3F99] =	sst lr;
	_ =	strace $0xD0000000  }
0x3: {  	_ = 	snop  }
0x4: {  	_ = 	snop  }
0x5: {  	_ = 	snop  }
0x6: {  	_ = 	snop  }
0x7: {  	_ = 	snop  }
__scs_overlays_trampoline_lowered:
0x8: {  	[smem:$0x3FA8] =	sst s0  }
0x9: {  	[smem:$0x3FA9] =	sst s1  }
0xa: {  	[smem:$0x3FAA] =	sst s2  }
0xb: {  	[smem:$0x3FAB] =	sst s3  }
0xc: {  	[smem:$0x3FAC] =	sst s4  }
0xd: {  	[smem:$0x3FAD] =	sst s5  }
0xe: {  	[smem:$0x3FAE] =	sst s6  }
0xf: {  	[smem:$0x3FAF] =	sst s7  }
0x10: {  	[smem:$0x3FB0] =	sst s8  }
0x11: {  	[smem:$0x3FB1] =	sst s9;
	s0 =	simm.s32 @!p0 $0x0  }
0x12: {  	s1 =	sld [smem:$0x3F97];
	s0 =	simm.s32 @p0 $0x1  }
0x13: {  	[smem:$0x3FB2] =	sst s0;
	s0 =	simm.s32 @!p1 $0x0  }
0x14: {  	s2 =	sld [smem:$0x3F96];
	s0 =	simm.s32 @p1 $0x1  }
0x15: {  	[smem:$0x3FB3] =	sst s0;
	s0 =	simm.s32 @!p2 $0x0  }
0x16: {  	s3 =	sld [smem:$0x3FDB];
	s0 =	simm.s32 @p2 $0x1  }
0x17: {  	s4 =	simm.s32 $0x1BF5;
	[smem:$0x3FB5] =	sst s0  }
0x18: {  	s0 =	sld [smem:$0x3F98];
	_ =	swait.ge [sflag:s4], $0x0  }
0x19: {  	s7 =	sld [smem:$0x3F99]  }
0x1a: {  	s8 =	sadd.s32 $0xFFFFE003, lr  }
0x1b: {  	s9 =	sadd.s32 $0xFFFFFEF7, lr;
	s5 =	simm.s32 $0xFFFFFFFF;
	p2 =	slt.u32 s8, $0xFFFFF086  }
0x1c: {  	p1 =	slt.u32 s9, $0xF7A;
	s5 =	simm.s32 @!p2 $0x0  }
0x1d: {  	s5 =	simm.s32 @p1 $0x1;
	p0 =	seq.s32 s7, s2  }
0x1e: {  	s7 =	smul.u32 @!p0 $0xF7A, s2;
	p2 =	seq.s32 @!p0 s5, $0x0  }
0x1f: {  	s9 =	smul.u32 $0xF7A, s1;
	s8 =	simm.s32 @!p0 $0x1BF5;
	p2 =	por !p2, p0  }
0x20: {  	[sflag:s8] =	ssyncset.s32 @!p0 $0xFFFFF086;
	s6 =	sadd.s32 @!p0 s3, s7;
	s7 =	simm.s32 @!p0 $0x108  }
0x21: {  	s3 =	sadd.s32 s3, s9;
	s6 =	sadd.s32 @!p0 $0x88, s6;
	s7 =	simm.s32 @p2 $0x1082  }
0x22: {  	[simem:s7], [sflag:s8] =	dma.local @!p0 [hbm:s6], $0xF7A  }
0x23: {  	s9 =	sor.u32 $0xD0000000, s2;
	s6 =	simm.s32 $0x108;
	_ =	swait.ge @!p0 [sflag:s8], $0x0  }
0x24: {  	s3 =	sadd.s32 $0x88, s3;
	s6 =	simm.s32 @!p1 $0x1082;
	[sflag:s4] =	ssyncset.s32 $0xFFFFF086  }
0x25: {  	[simem:s6], [sflag:s4] =	dma.local [hbm:s3], $0xF7A  }
0x26: {  	[smem:$0x3F99] =	sst s1;
	(tag) =	ssettag s2;
	_ =	strace s9  }
0x27: {  	s1 =	sld [smem:$0x3FA9]  }
0x28: {  	s2 =	sld [smem:$0x3FAA]  }
0x29: {  	s4 =	sld [smem:$0x3FAC]  }
0x2a: {  	p0 =	seq.s32 s5, $0x0;
	s5 =	sld [smem:$0x3FAD]  }
0x2b: {  	s6 =	sld [smem:$0x3FAE]  }
0x2c: {  	s7 =	sld [smem:$0x3FAF]  }
0x2d: {  	s3 =	simm.s32 $0x108;
	s8 =	sld [smem:$0x3FB0]  }
0x2e: {  	s3 =	simm.s32 @!p0 $0x1082;
	s9 =	sld [smem:$0x3FB1]  }
0x2f: {  	lr =	sadd.s32 s0, s3;
	s0 =	sld [smem:$0x3FA8]  }
0x30: {  	s3 =	sld [smem:$0x3FAB]  }
0x31: {  	[smem:$0x3FB4] =	sst s10  }
0x32: {  	s10 =	sld [smem:$0x3FB2];
	_ =	sdelay $0x3  }
0x33: {  	p0 =	seq.s32 s10, $0x1;
	s10 =	sld [smem:$0x3FB4];
	_ =	sdelay $0x3  }
0x34: {  	[smem:$0x3FB4] =	sst s10  }
0x35: {  	s10 =	sld [smem:$0x3FB3];
	_ =	sdelay $0x3  }
0x36: {  	p1 =	seq.s32 s10, $0x1;
	s10 =	sld [smem:$0x3FB4];
	_ =	sdelay $0x3  }
0x37: {  	[smem:$0x3FB4] =	sst s10  }
0x38: {  	s10 =	sld [smem:$0x3FB5]  }
0x39: {  	_ = 	snop;
	(pc) =	sbr.ind lr, $3  }
0x3a: {  	_ = 	snop  }
0x3b: {  	_ = 	snop  }
0x3c: {  	p2 =	seq.s32 s10, $0x1;
	s10 =	sld [smem:$0x3FB4]  }
0x3d: {  	_ =	shalt  }
0x3e: {  	_ =	shalt  }
0x3f: {  	_ =	shalt  }
0x40: {  	_ =	shalt  }
0x41: {  	_ =	shalt  }
0x42: {  	_ =	shalt  }
0x43: {  	_ =	shalt  }
0x44: {  	_ =	shalt  }
0x45: {  	_ =	shalt  }
0x46: {  	_ =	shalt  }
0x47: {  	_ =	shalt  }
0x48: {  	_ =	shalt  }
0x49: {  	_ =	shalt  }
0x4a: {  	_ =	shalt  }
0x4b: {  	_ =	shalt  }
0x4c: {  	_ =	shalt  }
0x4d: {  	_ =	shalt  }
0x4e: {  	_ =	shalt  }
0x4f: {  	_ =	shalt  }
0x50: {  	_ =	shalt  }
0x51: {  	_ =	shalt  }
0x52: {  	_ =	shalt  }
0x53: {  	_ =	shalt  }
0x54: {  	_ =	shalt  }
0x55: {  	_ =	shalt  }
0x56: {  	_ =	shalt  }
0x57: {  	_ =	shalt  }
0x58: {  	_ =	shalt  }
0x59: {  	_ =	shalt  }
0x5a: {  	_ =	shalt  }
0x5b: {  	_ =	shalt  }
0x5c: {  	_ =	shalt  }
0x5d: {  	_ =	shalt  }
0x5e: {  	_ =	shalt  }
0x5f: {  	_ =	shalt  }
0x60: {  	_ =	shalt  }
0x61: {  	_ =	shalt  }
0x62: {  	_ =	shalt  }
0x63: {  	_ =	shalt  }
0x64: {  	_ =	shalt  }
0x65: {  	_ =	shalt  }
0x66: {  	_ =	shalt  }
0x67: {  	_ =	shalt  }
0x68: {  	_ =	shalt  }
0x69: {  	_ =	shalt  }
0x6a: {  	_ =	shalt  }
0x6b: {  	_ =	shalt  }
0x6c: {  	_ =	shalt  }
0x6d: {  	_ =	shalt  }
0x6e: {  	_ =	shalt  }
0x6f: {  	_ =	shalt  }
0x70: {  	_ =	shalt  }
0x71: {  	_ =	shalt  }
0x72: {  	_ =	shalt  }
0x73: {  	_ =	shalt  }
0x74: {  	_ =	shalt  }
0x75: {  	_ =	shalt  }
0x76: {  	_ =	shalt  }
0x77: {  	_ =	shalt  }
0x78: {  	_ =	shalt  }
0x79: {  	_ =	shalt  }
0x7a: {  	_ =	shalt  }
0x7b: {  	_ =	shalt  }
0x7c: {  	_ =	shalt  }
0x7d: {  	_ =	shalt  }
0x7e: {  	_ =	shalt  }
0x7f: {  	_ =	shalt  }
0x80: {  	_ =	shalt  }
0x81: {  	_ =	shalt  }
0x82: {  	_ =	shalt  }
0x83: {  	_ =	shalt  }
0x84: {  	_ =	shalt  }
0x85: {  	_ =	shalt  }
0x86: {  	_ =	shalt  }
0x87: {  	_ =	shalt  }
.Lfunc_end0:
.L_simem_size_0:
called_computation_lowered:
.L_overlay_start_0:
0x88: {  	s2 =	sld [smem:$0x3FD9]  }
0x89: {  	s3 =	sld [smem:$0x3FFE];
	_ =	sdelay $0x1  }
0x8a: {  	s1 =	srdreg.scid  }
0x8b: {  	s0 =	sand.u32 $0x1, s1  }
0x8c: {  	s16 =	sshll.u32 s0, $0xA;
	s2 =	sadd.s32 s3, s2  }
0x8d: {  	s2 =	sadd.s32 s2, s16  }
0x8e: {  	[smem:$0x3FC0] =	sst s2  }
0x8f: {  	_ = 	snop  }
0x90: {  	(tm) =	ssettm $0x1  }
0x91: {  	s17 =	sld [smem:$0x3FFB];
	_ =	sdelay $0x3  }
0x92: {  	_ =	strace s17  }
0x93: {  	s2 =	sld [smem:$0x3FFC];
	_ =	sdelay $0x3  }
0x94: {  	_ =	strace s2  }
0x95: {  	s2 =	sld [smem:$0x3FFD];
	_ =	sdelay $0x3  }
0x96: {  	_ =	strace s2  }
0x97: {  	_ =	strace $0x8FFFFFFF  }
0x98: {  	s18 =	sld [smem:$0x3FDB];
	_ =	sdelay $0x1  }
0x99: {  	s19 =	simm.s32 $_scs_section_size  }
0x9a: {  	s4 =	simm.s32 $_size__tile_overlayer_lowered;
	s5 =	simm.s32 $_tile_overlayer_lowered  }
0x9b: {  	s22 =	simm.s32 $0x1BFF;
	s21 =	sshll.u32 s5, $0x1;
	s2 =	sadd.s32 s19, s18  }
0x9c: {  	s6 =	simm.s32 $0x0;
	s20 =	sshll.u32 s4, $0x1;
	s4 =	sadd.s32 s21, s2  }
0x9d: {  	[timem:s6], [sflag:s22] =	dma.local [hbm:s4], s20  }
0x9e: {  	_ =	swait.ge [sflag:s22], s20  }
0x9f: {  	s3 =	ssub.s32 $0x0, s20;
	[sflag:s22] =	ssyncset.done $0x0  }
0xa0: {  	[sflag:s22] =	ssyncadd.s32 s3;
	_ =	sdelay $0x1  }
0xa1: {  	s23 =	simm.s32 $0x1B8B  }
0xa2: {  	_ =	swait.ge [sflag:s23], $0x1  }
0xa3: {  	[sflag:s23] =	ssyncset.done $0x0  }
0xa4: {  	s25 =	simm.s32 $0x1B8E;
	s24 =	sld [smem:$0x3FFE];
	[sflag:s23] =	ssyncadd.s32 $0xFFFFFFFF  }
0xa5: {  	s26 =	simm.s32 $execute0_lowered;
	[smem:$0x3FD2] =	sst s25  }
0xa6: {  	s4 =	sshll.u32 s26, $0x1;
	_ =	strace $0x80000046;
	[dreg:$0x1] =	wrdreg $0xFFFFFFFF  }
0xa7: {  	s28 =	simm.s32 $_size_execute0_lowered;
	s2 =	sadd.s32 s2, s4;
	[dreg:$0x0] =	wrdreg $0x0  }
0xa8: {  	s4 =	sshll.u32 s28, $0x1;
	[dreg:$0x2] =	wrdreg s2  }
0xa9: {  	[dreg:$0x3] =	wrdreg s4  }
0xaa: {  	[dreg:$0x4] =	wrdreg $0xC0  }
0xab: {  	_ =	task [dreg:s6], $0x5FFFF  }
0xac: {  	[dreg:$0x1] =	wrdreg $0xFFFFFFFF  }
0xad: {  	[dreg:$0x0] =	wrdreg $0x60  }
0xae: {  	[dreg:$0x2] =	wrdreg s24  }
0xaf: {  	[dreg:$0x3] =	wrdreg $0x38000  }
0xb0: {  	[dreg:$0x4] =	wrdreg $0x9  }
0xb1: {  	_ =	task.clear_ibuf [dreg:s6], $0x5FFFF;
	_ =	strace $0x90000046  }
0xb2: {  	s29 =	simm.s32 $0x9;
	_ =	strace $0x80000048  }
0xb3: {  	_ =	swait.ge [sflag:s29], $0x1  }
0xb4: {  	[sflag:s29] =	ssyncadd.s32 $0xFFFFFFFF  }
0xb5: {  	_ =	strace $0x90000048  }
0xb6: {  	_ =	sfence  }
0xb7: {  	s30 =	sld [smem:$0x0];
	_ =	sdelay $0x2  }
0xb8: {  	s31 =	sshll.u32 s1, $0xD;
	s1 =	sshrl.u32 s1, $0x2  }
0xb9: {  	s3 =	sand.u32 $0x4000, s31;
	s1 =	sadd.s32 s1, s30  }
0xba: {  	s0 =	sor.u32 s3, s0;
	s1 =	sshll.u32 s1, $0x11  }
0xbb: {  	s0 =	sor.u32 s1, s0  }
0xbc: {  	s0 =	sadd.s32 $0x8F2B, s0  }
0xbd: {  	[sflag:s0] =	ssyncadd.remote.s32 $0x1  }
0xbe: {  	_ =	sfence.sel $0xFFFF  }
0xbf: {  	[dreg:$0x0] =	wrdreg $0xFFFFFFFF;
	(pc) =	sbr.abs _section_cstart, $3  }
0xc0: {  	[dreg:$0x1] =	wrdreg $0xFFFFFFFF  }
0xc1: {  	_ =	task.clear_ibuf [dreg:s6], $0x2FFFF;
	_ =	strace $0x9FFFFFFF  }
0xc2: {  	(tm) =	ssettm $0x7FFFFFFF  }
0xc3: {  	_ =	shalt  }
tec
execute0_lowered:
.L_overlay_start_1:
0x0: {  	(tag) =	ssettag $0x1  }
0x1: {  	s4 =	rddreg [dreg:$0x0]  }
0x2: {  	s2 =	rddreg [dreg:$0x1];
	s3 =	srdreg.scid  }
0x3: {  	s0 =	rddreg [dreg:$0x2];
	s1 =	stileid.u32  }
0x4: {  	s13 =	simm.s32 $0x3000;
	s14 =	simm.s32 $0x80;
	s15 =	simm.s32 $0x2800  }
0x5: {  	s16 =	simm.s32 $0x1;
	s19 =	simm.s32 $0x0;
	s7 =	smul.u32 $0x2780, s1  }
0x6: {  	s5 =	sand.u32 $0x1, s3;
	s3 =	simm.s32 $0x0;
	s9 =	smul.u32 $0x9E00, s1  }
0x7: {  	s17 =	sshll.u32 s1, $0x6;
	s6 =	sshll.u32 s5, $0x4;
	[smem:$0x7FF] =	sst s3  }
0x8: {  	s8 =	smul.u32 $0x27800, s5;
	s5 =	ssub.s32 $0x2, s5;
	s17 =	sor.u32 $0x1C02, s17  }
0x9: {  	s6 =	sor.u32 s1, s6;
	_ =	strace $0x80000047;
	s10 =	sshrl.u32 s5, $0x1  }
0xa: {  	s31 =	sshrl.u32 s9, $0x2;
	s6 =	smul.u32 $0x500, s6;
	s8 =	sadd.s32 s7, s8  }
0xb: {  	s12 =	ssub.s32 s5, s10;
	s5 =	sadd.s32 s7, s2;
	s9 =	sadd.s32 s31, s2  }
0xc: {  	s8 =	sshrl.u32 s8, $0x3;
	s7 =	sadd.s32 $0x1000, s9;
	s18 =	sshrl.u32 s5, $0x3  }
0xd: {  	s6 =	sadd.s32 s6, s4;
	s11 =	sadd.s32 s8, s4;
	s8 =	sadd.s32 $0x1800, s9  }
0xe: {  	s4 =	sadd.s32 $0x3800, s6;
	s6 =	sadd.s32 $0x800, s9;
	s9 =	sadd.s32 $0x2000, s9  }
0xf: {  	v0 =	vimm.f32 $1.000000000e+00;
	v1 =	vimm.f32 $0.0e+00;
	s10 =	sadd.s32 $0x17800, s11;
	s11 =	smax.u32 s12, $0x1;
	s12 =	simm.s32 $0x2  }
.LBB2_1:
0x10: {  	[tilespmem:s3], [sflag:$0x2] =	stream.linear.gather [hbm4b:s4+s3], $0x2800, $0x38;
	[tilespmem:$0x5F80] =	vst v63  }
0x11: {  	_ =	swait.ge [sflag:s12], $0x2800  }
0x12: {  	[sflag:s12] =	ssyncset.done $0x0  }
0x13: {  	s20 =	simm.s32 $0x0;
	[sflag:s12] =	ssyncadd.s32 $0xFFFFD800  }
.LBB2_2:
0x14: {  	p0 =	sne.s32 s20, $0x1FC0  }
.Ltmp0:
0x15: {  	_ = 	snop;
	(pc) =	sbr.rel @p0 .LBB2_2-.Ltmp0, $3  }
0x16: {  	_ =	sdelay $0x1  }
0x17: {  	s21 =	sshra.s32 s20, $0x2  }
0x18: {  	s20 =	sadd.s32 $0x40, s20;
	[tilespmem:s21+$0x2800] =	vst v0  }
0x19: {  	s20 =	simm.s32 $0x40;
	s21 =	simm.s32 $0x0  }
.LBB2_4:
0x1a: {  	p0 =	sne.s32 s20, $0x1FC0;
	[tilespmem:s21+$0x3000] =	vst v1;
	s21 =	smov.u32 s20;
	s20 =	sadd.s32 $0x40, s20  }
.Ltmp1:
0x1b: {  	(pc) =	sbr.rel @p0 .LBB2_4-.Ltmp1, $2  }
0x1c: {  	_ =	sdelay $0x2  }
0x1d: {  	s21 =	sshra.s32 s21, $0x2  }
0x1e: {  	[tilespmem:s21+$0x3000] =	vst v1  }
0x1f: {  	[spmem:s5] =	stream.linear.scatter [tilespmem:s13], [sflag:$0x2], $0x800, $0x38;
	[tilespmem:$0x5F80] =	vst v63  }
0x20: {  	_ =	swait.ge [sflag:s12], $0x800  }
0x21: {  	[sflag:s12] =	ssyncset.done $0x0  }
0x22: {  	[sflag:s12] =	ssyncadd.s32 $0xFFFFF800  }
0x23: {  	[spmem:s6] =	stream.linear.scatter [tilespmem:s13], [sflag:$0x2], $0x800, $0x38;
	[tilespmem:$0x5F80] =	vst v63  }
0x24: {  	_ =	swait.ge [sflag:s12], $0x800  }
0x25: {  	[sflag:s12] =	ssyncset.done $0x0  }
0x26: {  	[sflag:s12] =	ssyncadd.s32 $0xFFFFF800  }
0x27: {  	[spmem:s7] =	stream.linear.scatter [tilespmem:s13], [sflag:$0x2], $0x800, $0x38;
	[tilespmem:$0x5F80] =	vst v63  }
0x28: {  	_ =	swait.ge [sflag:s12], $0x800  }
0x29: {  	[sflag:s12] =	ssyncset.done $0x0  }
0x2a: {  	[sflag:s12] =	ssyncadd.s32 $0xFFFFF800  }
0x2b: {  	[spmem:s8] =	stream.linear.scatter [tilespmem:s13], [sflag:$0x2], $0x800, $0x38;
	[tilespmem:$0x5F80] =	vst v63  }
0x2c: {  	_ =	swait.ge [sflag:s12], $0x800  }
0x2d: {  	[sflag:s12] =	ssyncset.done $0x0  }
0x2e: {  	[sflag:s12] =	ssyncadd.s32 $0xFFFFF800  }
0x2f: {  	[spmem:s9] =	stream.linear.scatter [tilespmem:s13], [sflag:$0x2], $0x780, $0x38;
	[tilespmem:$0x5F80] =	vst v63  }
0x30: {  	_ =	swait.ge [sflag:s12], $0x780  }
0x31: {  	[sflag:s12] =	ssyncset.done $0x0  }
0x32: {  	[sflag:s12] =	ssyncadd.s32 $0xFFFFF880  }
0x33: {  	s20 =	simm.s32 $0x0;
	[bflag:$0x0] =	sbarrier.arrive $0xFFFF  }
.LBB2_6:
0x34: {  	p0 =	sne.s32 s20, $0x9E00  }
.Ltmp2:
0x35: {  	_ = 	snop;
	(pc) =	sbr.rel @p0 .LBB2_6-.Ltmp2, $3  }
0x36: {  	_ =	sdelay $0x1  }
0x37: {  	s21 =	sshra.s32 s20, $0x2;
	s20 =	sadd.s32 $0x200, s20  }
0x38: {  	[spmem:s2] =	stream.indirect.scatter.add.f32 [tilespmem:s15], [sflag:$0x1], $0x10, s21, s14, $0xb8;
	[tilespmem:$0x5F80] =	vst v63  }
0x39: {  	_ =	swait.ge [sflag:s16], $0x800  }
0x3a: {  	s20 =	simm.s32 $0x4F;
	[sflag:s16] =	ssyncset.done $0x0  }
.LBB2_8:
0x3b: {  	p0 =	sne.s32 s20, $0x1;
	s20 =	sadd.s32 $0xFFFFFFFF, s20;
	[sflag:s16] =	ssyncadd.s32 $0xFFFFF800  }
.Ltmp3:
0x3c: {  	(pc) =	sbr.rel @p0 .LBB2_8-.Ltmp3, $3  }
0x3d: {  	_ =	sdelay $0x1  }
0x3e: {  	_ =	swait.ge [sflag:s16], $0x800  }
0x3f: {  	[sflag:s16] =	ssyncset.done $0x0  }
0x40: {  	s19 =	sadd.s32 $0x1, s19  }
0x41: {  	[sflag:s16] =	ssyncadd.s32 $0xFFFFF800;
	p0 =	sne.s32 s19, s11  }
.Ltmp4:
0x42: {  	[bflag:$0x0] =	sbarrier.arrive $0xFFFF;
	(pc) =	sbr.rel @p0 .LBB2_1-.Ltmp4, $4  }
0x43: {  	[hbm:s10], [sflag:s17] =	dma.local [spmem:s18], $0x4F0  }
0x44: {  	_ =	swait.ge [sflag:s12], $0x4F0  }
0x45: {  	[sflag:s12] =	ssyncset.done $0x0  }
0x46: {  	[sflag:s12] =	ssyncadd.s32 $0xFFFFFB10  }
0x47: {  	_ =	sfence.sel $0x180000  }
0x48: {  	[bflag:$0x0] =	sbarrier.arrive $0xFFFF  }
0x49: {  	p0 =	sne.s32 s1, $0x0;
	_ =	strace $0x90000047  }
0x4a: {  	s0 =	sadd.s32 @!p0 $0x100000, s0;
	[bflag:$0x2] =	sbarrier.arrive $0xFFFF  }
0x4b: {  	[sflag:s0] =	ssyncadd.tile.s32 @!p0 $0x1;
	_ =	shalt  }
.Lfunc_end2:
_tile_overlayer_lowered:
.L_overlay_start_2:
0x4c: {  	(tag) =	ssettag $0x2  }
0x4d: {  	s0 =	rddreg [dreg:$0x0];
	s2 =	stileid.u32  }
0x4e: {  	s1 =	rddreg [dreg:$0x1];
	p0 =	sne.s32 s2, $0x0  }
0x4f: {  	s3 =	rddreg [dreg:$0x2];
	[bflag:$0x3] =	sbarrier.arrive $0xFFFF;
	s2 =	simm.s32 @!p0 $0x1C02  }
0x50: {  	[timem:s3], [sflag:s2] =	dma.local @!p0 [hbm:s0], s1  }
0x51: {  	s0 =	simm.s32 @!p0 $0x2  }
0x52: {  	_ =	swait.ge @!p0 [sflag:s0], s1  }
0x53: {  	s1 =	ssub.s32 @!p0 $0x0, s1;
	[sflag:s0] =	ssyncset.done @!p0 $0x0  }
0x54: {  	[sflag:s0] =	ssyncadd.s32 @!p0 s1  }
0x55: {  	[bflag:$0x3] =	sbarrier.arrive $0xFFFF  }
0x56: {  	_ =	shalt  }

</sc_bundles>
